<compile_context>
chip_gen: v7x
topology: tpu7x:2x2x1
jax: 0.10.2.dev20260603
libtpu: 0.0.44.dev20260713+nightly
codegen_flags: <defaults>
</compile_context>

<pallas_src>
import jax
import jax.numpy as jnp
from jax import lax
from jax.experimental import pallas as pl
from jax.experimental.pallas import tpu as pltpu
from jax.experimental.pallas import tpu_sc as plsc

_EMB = 64
_NC = 2
_NS = 16
_NW = _NC * _NS

_BB = 128
_L = 16


def _gather_body(idx_hbm, table_hbm, out_hbm,
                 idx0, idx1, rows0, rows1, st0, st1,
                 si0, si1, sg0, sg1, so0, so1):
  n_s1, n_b1, n_s2, _ = idx_hbm.shape
  seq = n_s1 * n_s2
  n_units = seq * n_b1
  per_w = n_units // _NW
  wid = lax.axis_index("s") * _NC + lax.axis_index("c")
  base = wid * per_w

  idxs = (idx0, idx1)
  rows = (rows0, rows1)
  stg = (st0, st1)
  sem_i = (si0, si1)
  sem_g = (sg0, sg1)
  sem_o = (so0, so1)

  iota = lax.iota(jnp.int32, _L)
  row_ids = [iota + _L * k for k in range(_BB // _L)]

  def unit_coords(u):
    s = u // n_b1
    b1 = u % n_b1
    return s // n_s2, s % n_s2, b1, s

  def load_idx(u, s):
    s1, s2, b1, _ = unit_coords(u)
    pltpu.async_copy(idx_hbm.at[s1, b1, s2], idxs[s], sem_i[s])

  def wait_idx(s):
    pltpu.make_async_copy(idx_hbm.at[0, 0, 0], idxs[s], sem_i[s]).wait()

  def fire_gather(s):
    pltpu.async_copy(table_hbm.at[idxs[s]], rows[s], sem_g[s])

  def wait_gather(s):
    pltpu.make_async_copy(
        table_hbm.at[pl.ds(0, _BB)], rows[s], sem_g[s]).wait()

  def fire_stores(u, s):
    _, _, b1, sq = unit_coords(u)
    for e1 in range(_EMB // 8):
      pltpu.async_copy(
          stg[s].at[pl.ds(8 * e1, 8)], out_hbm.at[sq, e1, b1], sem_o[s])

  def wait_stores(s):
    for e1 in range(_EMB // 8):
      pltpu.make_async_copy(
          stg[s].at[pl.ds(8 * e1, 8)], out_hbm.at[0, e1, 0], sem_o[s]).wait()

  def transpose(s):
    def body(d, carry):
      perm = lax.rem(iota + d, _L)
      for m in range(_EMB // _L):
        colv = perm + _L * m
        for k in range(_BB // _L):
          vals = plsc.load_gather(rows[s], [row_ids[k], colv])
          plsc.store_scatter(stg[s], [colv, row_ids[k]], vals)
      return carry
    lax.fori_loop(0, _L, body, 0)

  def step(i, s):
    wait_gather(s)

    @pl.when(i + 2 < per_w)
    def _():
      load_idx(base + i + 2, s)

    @pl.when(i + 1 < per_w)
    def _():
      wait_idx(s ^ 1)
      fire_gather(s ^ 1)

    @pl.when(i >= 2)
    def _():
      wait_stores(s)

    transpose(s)
    fire_stores(base + i, s)

  load_idx(base, 0)
  load_idx(base + 1, 1)
  wait_idx(0)
  fire_gather(0)

  def pair(k, carry):
    step(2 * k, 0)
    step(2 * k + 1, 1)
    return carry

  lax.fori_loop(0, per_w // 2, pair, 0)

  wait_stores(0)
  wait_stores(1)


import functools


@functools.partial(jax.jit, static_argnums=(2, 3))
def _embed_lookup(idx4d, table, b, s):
  run = pl.kernel(
      _gather_body,
      out_type=jax.ShapeDtypeStruct(
          (s, _EMB // 8, b // _BB, 8, _BB), jnp.float32),
      mesh=plsc.VectorSubcoreMesh(
          core_axis_name="c", subcore_axis_name="s",
          num_cores=_NC, num_subcores=_NS,
      ),
      scratch_types=[
          pltpu.VMEM((_BB,), jnp.int32),
          pltpu.VMEM((_BB,), jnp.int32),
          pltpu.VMEM((_BB, _EMB), jnp.float32),
          pltpu.VMEM((_BB, _EMB), jnp.float32),
          pltpu.VMEM((_EMB, _BB), jnp.float32),
          pltpu.VMEM((_EMB, _BB), jnp.float32),
          pltpu.SemaphoreType.DMA,
          pltpu.SemaphoreType.DMA,
          pltpu.SemaphoreType.DMA,
          pltpu.SemaphoreType.DMA,
          pltpu.SemaphoreType.DMA,
          pltpu.SemaphoreType.DMA,
      ],
      compiler_params=pltpu.CompilerParams(
          use_tc_tiling_on_sc=False, needs_layout_passes=False),
  )
  return run(idx4d, table)


def kernel(input_tensor, token_table):
  b, s = input_tensor.shape
  idx = input_tensor.astype(jnp.int32)
  idx4d = idx.reshape(b // _BB, _BB, s // 8, 8).transpose(2, 0, 3, 1)
  out5d = _embed_lookup(idx4d, token_table, b, s)
  return out5d.transpose(2, 4, 0, 1, 3).reshape(b, s, _EMB)

# --- scband reference (transcript-rebuilt; emitter-appended) ---
"""Pipeline reference for scband-embedder-43267500540199 (READ-ONLY COPY).

The authoritative reference and input builder live on the scoring server;
editing this copy changes nothing except your own understanding.
"""

import jax, jax.numpy as jnp
import numpy as np

VOCAB = 1000000
EMB = 64
BATCH = 16384
SEQ = 200

def setup_inputs(seed: int = 0) -> dict:
    key = jax.random.key(seed)
    k_idx, k_tab = jax.random.split(key)
    input_tensor = jax.random.randint(k_idx, (BATCH, SEQ), 0, VOCAB, dtype=jnp.int64 if jax.config.jax_enable_x64 else jnp.int32)
    token_table = jax.random.normal(k_tab, (VOCAB, EMB), dtype=jnp.float32) * 0.02
    return {"input_tensor": input_tensor, "token_table": token_table}

def reference(input_tensor, token_table):
    # Embedder.call with using_pos=False: pure token embedding lookup
    x = jnp.take(token_table, input_tensor, axis=0)
    return x

if __name__ == "__main__":
    import jax
    _d = setup_inputs()
    print(jax.jit(kernel)(*tuple(_d.values())))

</pallas_src>

<mosaic_0001>
#map = affine_map<(d0, d1) -> (0, 0, 0, 0)>
#map1 = affine_map<(d0, d1) -> (0, 0)>
#map2 = affine_map<(d0, d1) -> (0, 0, 0, 0, 0)>
module attributes {stable_mosaic.version = 14 : i64} {
  func.func @_gather_body(%arg0: i32, %arg1: i32, %arg2: memref<25x128x8x128xi32, #tpu.memory_space<hbm>>, %arg3: memref<1000000x64xf32, #tpu.memory_space<hbm>>, %arg4: memref<200x8x128x8x128xf32, #tpu.memory_space<hbm>>, %arg5: memref<128xi32, #tpu.memory_space<vmem>>, %arg6: memref<128xi32, #tpu.memory_space<vmem>>, %arg7: memref<128x64xf32, #tpu.memory_space<vmem>>, %arg8: memref<128x64xf32, #tpu.memory_space<vmem>>, %arg9: memref<64x128xf32, #tpu.memory_space<vmem>>, %arg10: memref<64x128xf32, #tpu.memory_space<vmem>>, %arg11: memref<!tpu.dma_semaphore, #tpu.memory_space<semaphore_mem>>, %arg12: memref<!tpu.dma_semaphore, #tpu.memory_space<semaphore_mem>>, %arg13: memref<!tpu.dma_semaphore, #tpu.memory_space<semaphore_mem>>, %arg14: memref<!tpu.dma_semaphore, #tpu.memory_space<semaphore_mem>>, %arg15: memref<!tpu.dma_semaphore, #tpu.memory_space<semaphore_mem>>, %arg16: memref<!tpu.dma_semaphore, #tpu.memory_space<semaphore_mem>>) attributes {dimension_semantics = [#tpu.dimension_semantics<core_parallel>, #tpu.dimension_semantics<subcore_parallel>], iteration_bounds = array<i64: 2, 16>, scalar_prefetch = 0 : i64, scratch_operands = 12 : i64, tpu.core_type = #tpu.core_type<sc_vector_subcore>, window_params = [{transform_indices = #map}, {transform_indices = #map1}, {transform_indices = #map2}]} {
    %mul3A = arith.constant 2 : i32
    %mul3A_0 = arith.muli %arg1, %mul3A : i32
    %add3A = arith.addi %mul3A_0, %arg0 : i32
    %mul3A_1 = arith.constant 800 : i32
    %mul3A_2 = arith.muli %add3A, %mul3A_1 : i32
    %iota3A = tpu.iota {dimensions = array<i32: 0>} : vector<16xi32>
    %add3A_3 = arith.constant 0 : i32
    %add3A_4 = vector.broadcast %add3A_3 : i32 to vector<16xi32>
    %add3A_5 = arith.addi %iota3A, %add3A_4 : vector<16xi32>
    %add3A_6 = arith.constant 16 : i32
    %add3A_7 = vector.broadcast %add3A_6 : i32 to vector<16xi32>
    %add3A_8 = arith.addi %iota3A, %add3A_7 : vector<16xi32>
    %add3A_9 = arith.constant 32 : i32
    %add3A_10 = vector.broadcast %add3A_9 : i32 to vector<16xi32>
    %add3A_11 = arith.addi %iota3A, %add3A_10 : vector<16xi32>
    %add3A_12 = arith.constant 48 : i32
    %add3A_13 = vector.broadcast %add3A_12 : i32 to vector<16xi32>
    %add3A_14 = arith.addi %iota3A, %add3A_13 : vector<16xi32>
    %add3A_15 = arith.constant 64 : i32
    %add3A_16 = vector.broadcast %add3A_15 : i32 to vector<16xi32>
    %add3A_17 = arith.addi %iota3A, %add3A_16 : vector<16xi32>
    %add3A_18 = arith.constant 80 : i32
    %add3A_19 = vector.broadcast %add3A_18 : i32 to vector<16xi32>
    %add3A_20 = arith.addi %iota3A, %add3A_19 : vector<16xi32>
    %add3A_21 = arith.constant 96 : i32
    %add3A_22 = vector.broadcast %add3A_21 : i32 to vector<16xi32>
    %add3A_23 = arith.addi %iota3A, %add3A_22 : vector<16xi32>
    %add3A_24 = arith.constant 112 : i32
    %add3A_25 = vector.broadcast %add3A_24 : i32 to vector<16xi32>
    %add3A_26 = arith.addi %iota3A, %add3A_25 : vector<16xi32>
    %jit3A = arith.constant 128 : i32
    %div3A = arith.divsi %mul3A_2, %jit3A : i32
    %sign3A = arith.constant 0 : i32
    %sign3A_27 = arith.cmpi sgt, %mul3A_2, %sign3A : i32
    %sign3A_28 = arith.extui %sign3A_27 : i1 to i32
    %sign3A_29 = arith.constant 0 : i32
    %sign3A_30 = arith.cmpi slt, %mul3A_2, %sign3A_29 : i32
    %sign3A_31 = arith.extui %sign3A_30 : i1 to i32
    %sign3A_32 = arith.subi %sign3A_28, %sign3A_31 : i32
    %sign3A_33 = arith.constant 0 : i32
    %sign3A_34 = arith.cmpi sgt, %jit3A, %sign3A_33 : i32
    %sign3A_35 = arith.extui %sign3A_34 : i1 to i32
    %sign3A_36 = arith.constant 0 : i32
    %sign3A_37 = arith.cmpi slt, %jit3A, %sign3A_36 : i32
    %sign3A_38 = arith.extui %sign3A_37 : i1 to i32
    %sign3A_39 = arith.subi %sign3A_35, %sign3A_38 : i32
    %ne3A = arith.cmpi ne, %sign3A_32, %sign3A_39 : i32
    %rem3A = arith.remsi %mul3A_2, %jit3A : i32
    %ne3A_40 = arith.constant 0 : i32
    %ne3A_41 = arith.cmpi ne, %rem3A, %ne3A_40 : i32
    %and3A = arith.andi %ne3A, %ne3A_41 : i1
    %sub3A = arith.constant 1 : i32
    %sub3A_42 = arith.subi %div3A, %sub3A : i32
    %select_n3A = arith.select %and3A, %sub3A_42, %div3A : i32
    %jit3A_43 = arith.constant 128 : i32
    %eq3A = arith.constant 0 : i32
    %eq3A_44 = arith.cmpi eq, %jit3A_43, %eq3A : i32
    %jit3A_45 = arith.constant 1 : i32
    %select_n3A_46 = arith.select %eq3A_44, %jit3A_45, %jit3A_43 : i32
    %rem3A_47 = arith.remsi %mul3A_2, %select_n3A_46 : i32
    %ne3A_48 = arith.constant 0 : i32
    %ne3A_49 = arith.cmpi ne, %rem3A_47, %ne3A_48 : i32
    %lt3A = arith.constant 0 : i32
    %lt3A_50 = arith.cmpi slt, %rem3A_47, %lt3A : i32
    %lt3A_51 = arith.constant 0 : i32
    %lt3A_52 = arith.cmpi slt, %select_n3A_46, %lt3A_51 : i32
    %ne3A_53 = arith.xori %lt3A_50, %lt3A_52 : i1
    %and3A_54 = arith.andi %ne3A_53, %ne3A_49 : i1
    %add3A_55 = arith.addi %rem3A_47, %select_n3A_46 : i32
    %select_n3A_56 = arith.select %and3A_54, %add3A_55, %rem3A_47 : i32
    %jit3A_57 = arith.constant 8 : i32
    %div3A_58 = arith.divsi %select_n3A, %jit3A_57 : i32
    %sign3A_59 = arith.constant 0 : i32
    %sign3A_60 = arith.cmpi sgt, %select_n3A, %sign3A_59 : i32
    %sign3A_61 = arith.extui %sign3A_60 : i1 to i32
    %sign3A_62 = arith.constant 0 : i32
    %sign3A_63 = arith.cmpi slt, %select_n3A, %sign3A_62 : i32
    %sign3A_64 = arith.extui %sign3A_63 : i1 to i32
    %sign3A_65 = arith.subi %sign3A_61, %sign3A_64 : i32
    %sign3A_66 = arith.constant 0 : i32
    %sign3A_67 = arith.cmpi sgt, %jit3A_57, %sign3A_66 : i32
    %sign3A_68 = arith.extui %sign3A_67 : i1 to i32
    %sign3A_69 = arith.constant 0 : i32
    %sign3A_70 = arith.cmpi slt, %jit3A_57, %sign3A_69 : i32
    %sign3A_71 = arith.extui %sign3A_70 : i1 to i32
    %sign3A_72 = arith.subi %sign3A_68, %sign3A_71 : i32
    %ne3A_73 = arith.cmpi ne, %sign3A_65, %sign3A_72 : i32
    %rem3A_74 = arith.remsi %select_n3A, %jit3A_57 : i32
    %ne3A_75 = arith.constant 0 : i32
    %ne3A_76 = arith.cmpi ne, %rem3A_74, %ne3A_75 : i32
    %and3A_77 = arith.andi %ne3A_73, %ne3A_76 : i1
    %sub3A_78 = arith.constant 1 : i32
    %sub3A_79 = arith.subi %div3A_58, %sub3A_78 : i32
    %select_n3A_80 = arith.select %and3A_77, %sub3A_79, %div3A_58 : i32
    %jit3A_81 = arith.constant 8 : i32
    %eq3A_82 = arith.constant 0 : i32
    %eq3A_83 = arith.cmpi eq, %jit3A_81, %eq3A_82 : i32
    %jit3A_84 = arith.constant 1 : i32
    %select_n3A_85 = arith.select %eq3A_83, %jit3A_84, %jit3A_81 : i32
    %rem3A_86 = arith.remsi %select_n3A, %select_n3A_85 : i32
    %ne3A_87 = arith.constant 0 : i32
    %ne3A_88 = arith.cmpi ne, %rem3A_86, %ne3A_87 : i32
    %lt3A_89 = arith.constant 0 : i32
    %lt3A_90 = arith.cmpi slt, %rem3A_86, %lt3A_89 : i32
    %lt3A_91 = arith.constant 0 : i32
    %lt3A_92 = arith.cmpi slt, %select_n3A_85, %lt3A_91 : i32
    %ne3A_93 = arith.xori %lt3A_90, %lt3A_92 : i1
    %and3A_94 = arith.andi %ne3A_93, %ne3A_88 : i1
    %add3A_95 = arith.addi %rem3A_86, %select_n3A_85 : i32
    %select_n3A_96 = arith.select %and3A_94, %add3A_95, %rem3A_86 : i32
    %dma_start3A = arith.constant 0 : i32
    %dma_start3A_97 = tpu.memref_slice %arg2[%select_n3A_80, %select_n3A_56, %select_n3A_96, %dma_start3A] : memref<25x128x8x128xi32, #tpu.memory_space<hbm>> -> memref<1x1x1x128xi32, #tpu.memory_space<hbm>>
    %dma_start3A_98 = tpu.memref_squeeze %dma_start3A_97 : memref<1x1x1x128xi32, #tpu.memory_space<hbm>> -> memref<128xi32, #tpu.memory_space<hbm>>
    %dma_start3A_99 = arith.constant 0 : i32
    %dma_start3A_100 = tpu.memref_slice %arg2[%select_n3A_80, %select_n3A_56, %select_n3A_96, %dma_start3A_99] : memref<25x128x8x128xi32, #tpu.memory_space<hbm>> -> memref<1x1x1x128xi32, #tpu.memory_space<hbm>>
    %dma_start3A_101 = tpu.memref_squeeze %dma_start3A_100 : memref<1x1x1x128xi32, #tpu.memory_space<hbm>> -> memref<128xi32, #tpu.memory_space<hbm>>
    tpu.enqueue_dma source(%dma_start3A_101 : memref<128xi32, #tpu.memory_space<hbm>>) target(%arg5 : memref<128xi32, #tpu.memory_space<vmem>>) target_semaphore(%arg11 : memref<!tpu.dma_semaphore, #tpu.memory_space<semaphore_mem>>)
    %add3A_102 = arith.constant 1 : i32
    %add3A_103 = arith.addi %mul3A_2, %add3A_102 : i32
    %jit3A_104 = arith.constant 128 : i32
    %div3A_105 = arith.divsi %add3A_103, %jit3A_104 : i32
    %sign3A_106 = arith.constant 0 : i32
    %sign3A_107 = arith.cmpi sgt, %add3A_103, %sign3A_106 : i32
    %sign3A_108 = arith.extui %sign3A_107 : i1 to i32
    %sign3A_109 = arith.constant 0 : i32
    %sign3A_110 = arith.cmpi slt, %add3A_103, %sign3A_109 : i32
    %sign3A_111 = arith.extui %sign3A_110 : i1 to i32
    %sign3A_112 = arith.subi %sign3A_108, %sign3A_111 : i32
    %sign3A_113 = arith.constant 0 : i32
    %sign3A_114 = arith.cmpi sgt, %jit3A_104, %sign3A_113 : i32
    %sign3A_115 = arith.extui %sign3A_114 : i1 to i32
    %sign3A_116 = arith.constant 0 : i32
    %sign3A_117 = arith.cmpi slt, %jit3A_104, %sign3A_116 : i32
    %sign3A_118 = arith.extui %sign3A_117 : i1 to i32
    %sign3A_119 = arith.subi %sign3A_115, %sign3A_118 : i32
    %ne3A_120 = arith.cmpi ne, %sign3A_112, %sign3A_119 : i32
    %rem3A_121 = arith.remsi %add3A_103, %jit3A_104 : i32
    %ne3A_122 = arith.constant 0 : i32
    %ne3A_123 = arith.cmpi ne, %rem3A_121, %ne3A_122 : i32
    %and3A_124 = arith.andi %ne3A_120, %ne3A_123 : i1
    %sub3A_125 = arith.constant 1 : i32
    %sub3A_126 = arith.subi %div3A_105, %sub3A_125 : i32
    %select_n3A_127 = arith.select %and3A_124, %sub3A_126, %div3A_105 : i32
    %jit3A_128 = arith.constant 128 : i32
    %eq3A_129 = arith.constant 0 : i32
    %eq3A_130 = arith.cmpi eq, %jit3A_128, %eq3A_129 : i32
    %jit3A_131 = arith.constant 1 : i32
    %select_n3A_132 = arith.select %eq3A_130, %jit3A_131, %jit3A_128 : i32
    %rem3A_133 = arith.remsi %add3A_103, %select_n3A_132 : i32
    %ne3A_134 = arith.constant 0 : i32
    %ne3A_135 = arith.cmpi ne, %rem3A_133, %ne3A_134 : i32
    %lt3A_136 = arith.constant 0 : i32
    %lt3A_137 = arith.cmpi slt, %rem3A_133, %lt3A_136 : i32
    %lt3A_138 = arith.constant 0 : i32
    %lt3A_139 = arith.cmpi slt, %select_n3A_132, %lt3A_138 : i32
    %ne3A_140 = arith.xori %lt3A_137, %lt3A_139 : i1
    %and3A_141 = arith.andi %ne3A_140, %ne3A_135 : i1
    %add3A_142 = arith.addi %rem3A_133, %select_n3A_132 : i32
    %select_n3A_143 = arith.select %and3A_141, %add3A_142, %rem3A_133 : i32
    %jit3A_144 = arith.constant 8 : i32
    %div3A_145 = arith.divsi %select_n3A_127, %jit3A_144 : i32
    %sign3A_146 = arith.constant 0 : i32
    %sign3A_147 = arith.cmpi sgt, %select_n3A_127, %sign3A_146 : i32
    %sign3A_148 = arith.extui %sign3A_147 : i1 to i32
    %sign3A_149 = arith.constant 0 : i32
    %sign3A_150 = arith.cmpi slt, %select_n3A_127, %sign3A_149 : i32
    %sign3A_151 = arith.extui %sign3A_150 : i1 to i32
    %sign3A_152 = arith.subi %sign3A_148, %sign3A_151 : i32
    %sign3A_153 = arith.constant 0 : i32
    %sign3A_154 = arith.cmpi sgt, %jit3A_144, %sign3A_153 : i32
    %sign3A_155 = arith.extui %sign3A_154 : i1 to i32
    %sign3A_156 = arith.constant 0 : i32
    %sign3A_157 = arith.cmpi slt, %jit3A_144, %sign3A_156 : i32
    %sign3A_158 = arith.extui %sign3A_157 : i1 to i32
    %sign3A_159 = arith.subi %sign3A_155, %sign3A_158 : i32
    %ne3A_160 = arith.cmpi ne, %sign3A_152, %sign3A_159 : i32
    %rem3A_161 = arith.remsi %select_n3A_127, %jit3A_144 : i32
    %ne3A_162 = arith.constant 0 : i32
    %ne3A_163 = arith.cmpi ne, %rem3A_161, %ne3A_162 : i32
    %and3A_164 = arith.andi %ne3A_160, %ne3A_163 : i1
    %sub3A_165 = arith.constant 1 : i32
    %sub3A_166 = arith.subi %div3A_145, %sub3A_165 : i32
    %select_n3A_167 = arith.select %and3A_164, %sub3A_166, %div3A_145 : i32
    %jit3A_168 = arith.constant 8 : i32
    %eq3A_169 = arith.constant 0 : i32
    %eq3A_170 = arith.cmpi eq, %jit3A_168, %eq3A_169 : i32
    %jit3A_171 = arith.constant 1 : i32
    %select_n3A_172 = arith.select %eq3A_170, %jit3A_171, %jit3A_168 : i32
    %rem3A_173 = arith.remsi %select_n3A_127, %select_n3A_172 : i32
    %ne3A_174 = arith.constant 0 : i32
    %ne3A_175 = arith.cmpi ne, %rem3A_173, %ne3A_174 : i32
    %lt3A_176 = arith.constant 0 : i32
    %lt3A_177 = arith.cmpi slt, %rem3A_173, %lt3A_176 : i32
    %lt3A_178 = arith.constant 0 : i32
    %lt3A_179 = arith.cmpi slt, %select_n3A_172, %lt3A_178 : i32
    %ne3A_180 = arith.xori %lt3A_177, %lt3A_179 : i1
    %and3A_181 = arith.andi %ne3A_180, %ne3A_175 : i1
    %add3A_182 = arith.addi %rem3A_173, %select_n3A_172 : i32
    %select_n3A_183 = arith.select %and3A_181, %add3A_182, %rem3A_173 : i32
    %dma_start3A_184 = arith.constant 0 : i32
    %dma_start3A_185 = tpu.memref_slice %arg2[%select_n3A_167, %select_n3A_143, %select_n3A_183, %dma_start3A_184] : memref<25x128x8x128xi32, #tpu.memory_space<hbm>> -> memref<1x1x1x128xi32, #tpu.memory_space<hbm>>
    %dma_start3A_186 = tpu.memref_squeeze %dma_start3A_185 : memref<1x1x1x128xi32, #tpu.memory_space<hbm>> -> memref<128xi32, #tpu.memory_space<hbm>>
    %dma_start3A_187 = arith.constant 0 : i32
    %dma_start3A_188 = tpu.memref_slice %arg2[%select_n3A_167, %select_n3A_143, %select_n3A_183, %dma_start3A_187] : memref<25x128x8x128xi32, #tpu.memory_space<hbm>> -> memref<1x1x1x128xi32, #tpu.memory_space<hbm>>
    %dma_start3A_189 = tpu.memref_squeeze %dma_start3A_188 : memref<1x1x1x128xi32, #tpu.memory_space<hbm>> -> memref<128xi32, #tpu.memory_space<hbm>>
    tpu.enqueue_dma source(%dma_start3A_189 : memref<128xi32, #tpu.memory_space<hbm>>) target(%arg6 : memref<128xi32, #tpu.memory_space<vmem>>) target_semaphore(%arg12 : memref<!tpu.dma_semaphore, #tpu.memory_space<semaphore_mem>>)
    %dma_wait3A = arith.constant 0 : i32
    %dma_wait3A_190 = arith.constant 0 : i32
    %dma_wait3A_191 = arith.constant 0 : i32
    %dma_wait3A_192 = arith.constant 0 : i32
    %dma_wait3A_193 = tpu.memref_slice %arg2[%dma_wait3A, %dma_wait3A_190, %dma_wait3A_191, %dma_wait3A_192] : memref<25x128x8x128xi32, #tpu.memory_space<hbm>> -> memref<1x1x1x128xi32, #tpu.memory_space<hbm>>
    %dma_wait3A_194 = tpu.memref_squeeze %dma_wait3A_193 : memref<1x1x1x128xi32, #tpu.memory_space<hbm>> -> memref<128xi32, #tpu.memory_space<hbm>>
    %dma_wait3A_195 = arith.constant 0 : i32
    %dma_wait3A_196 = tpu.memref_slice %arg2[%dma_wait3A, %dma_wait3A_190, %dma_wait3A_191, %dma_wait3A_195] : memref<25x128x8x128xi32, #tpu.memory_space<hbm>> -> memref<1x1x1x128xi32, #tpu.memory_space<hbm>>
    %dma_wait3A_197 = tpu.memref_squeeze %dma_wait3A_196 : memref<1x1x1x128xi32, #tpu.memory_space<hbm>> -> memref<128xi32, #tpu.memory_space<hbm>>
    tpu.wait_dma2 semaphore(%arg11 : memref<!tpu.dma_semaphore, #tpu.memory_space<semaphore_mem>>) src(%dma_wait3A_197 : memref<128xi32, #tpu.memory_space<hbm>>) dst(%arg5 : memref<128xi32, #tpu.memory_space<vmem>>)
    %dma_start3A_198 = arith.constant 0 : i32
    %dma_start3A_199 = arith.constant 0 : i32
    %dma_start3A_200 = tpu.memref_slice %arg3[%dma_start3A_198, %dma_start3A_199] : memref<1000000x64xf32, #tpu.memory_space<hbm>> -> memref<1000000x64xf32, #tpu.memory_space<hbm>>
    tpu.enqueue_indirect_dma source(%dma_start3A_200 : memref<1000000x64xf32, #tpu.memory_space<hbm>>) target(%arg7 : memref<128x64xf32, #tpu.memory_space<vmem>>) offsets(%arg5 : memref<128xi32, #tpu.memory_space<vmem>>) semaphore(%arg13 : memref<!tpu.dma_semaphore, #tpu.memory_space<semaphore_mem>>)
    %scan3A = arith.constant 0 : i32
    %scan3A_201 = arith.constant 0 : i32
    %scan3A_202 = arith.constant 400 : i32
    %scan3A_203 = arith.addi %scan3A_201, %scan3A_202 : i32
    %scan3A_204 = arith.constant 1 : i32
    scf.for %scan3A_478 = %scan3A_201 to %scan3A_203 step %scan3A_204  : i32 {
      %mul3A_479 = arith.constant 2 : i32
      %mul3A_480 = arith.muli %mul3A_479, %scan3A_478 : i32
      %dma_wait3A_481 = arith.constant 0 : i32
      %dma_wait3A_482 = arith.constant 0 : i32
      %dma_wait3A_483 = tpu.memref_slice %arg3[%dma_wait3A_481, %dma_wait3A_482] : memref<1000000x64xf32, #tpu.memory_space<hbm>> -> memref<128x64xf32, #tpu.memory_space<hbm>>
      %dma_wait3A_484 = arith.constant 0 : i32
      %dma_wait3A_485 = arith.constant 0 : i32
      %dma_wait3A_486 = tpu.memref_slice %arg3[%dma_wait3A_484, %dma_wait3A_485] : memref<1000000x64xf32, #tpu.memory_space<hbm>> -> memref<128x64xf32, #tpu.memory_space<hbm>>
      tpu.wait_dma2 semaphore(%arg13 : memref<!tpu.dma_semaphore, #tpu.memory_space<semaphore_mem>>) src(%dma_wait3A_486 : memref<128x64xf32, #tpu.memory_space<hbm>>) dst(%arg7 : memref<128x64xf32, #tpu.memory_space<vmem>>)
      %add3A_487 = arith.constant 2 : i32
      %add3A_488 = arith.addi %mul3A_480, %add3A_487 : i32
      %lt3A_489 = arith.constant 800 : i32
      %lt3A_490 = arith.cmpi slt, %add3A_488, %lt3A_489 : i32
      %convert_element_type3A = arith.extui %lt3A_490 : i1 to i32
      %cond3A = arith.constant 0 : i32
      %cond3A_491 = arith.cmpi ne, %convert_element_type3A, %cond3A : i32
      scf.if %cond3A_491 {
        %add3A_946 = arith.addi %mul3A_2, %mul3A_480 : i32
        %add3A_947 = arith.constant 2 : i32
        %add3A_948 = arith.addi %add3A_946, %add3A_947 : i32
        %jit3A_949 = arith.constant 128 : i32
        %div3A_950 = arith.divsi %add3A_948, %jit3A_949 : i32
        %sign3A_951 = arith.constant 0 : i32
        %sign3A_952 = arith.cmpi sgt, %add3A_948, %sign3A_951 : i32
        %sign3A_953 = arith.extui %sign3A_952 : i1 to i32
        %sign3A_954 = arith.constant 0 : i32
        %sign3A_955 = arith.cmpi slt, %add3A_948, %sign3A_954 : i32
        %sign3A_956 = arith.extui %sign3A_955 : i1 to i32
        %sign3A_957 = arith.subi %sign3A_953, %sign3A_956 : i32
        %sign3A_958 = arith.constant 0 : i32
        %sign3A_959 = arith.cmpi sgt, %jit3A_949, %sign3A_958 : i32
        %sign3A_960 = arith.extui %sign3A_959 : i1 to i32
        %sign3A_961 = arith.constant 0 : i32
        %sign3A_962 = arith.cmpi slt, %jit3A_949, %sign3A_961 : i32
        %sign3A_963 = arith.extui %sign3A_962 : i1 to i32
        %sign3A_964 = arith.subi %sign3A_960, %sign3A_963 : i32
        %ne3A_965 = arith.cmpi ne, %sign3A_957, %sign3A_964 : i32
        %rem3A_966 = arith.remsi %add3A_948, %jit3A_949 : i32
        %ne3A_967 = arith.constant 0 : i32
        %ne3A_968 = arith.cmpi ne, %rem3A_966, %ne3A_967 : i32
        %and3A_969 = arith.andi %ne3A_965, %ne3A_968 : i1
        %sub3A_970 = arith.constant 1 : i32
        %sub3A_971 = arith.subi %div3A_950, %sub3A_970 : i32
        %select_n3A_972 = arith.select %and3A_969, %sub3A_971, %div3A_950 : i32
        %jit3A_973 = arith.constant 128 : i32
        %eq3A_974 = arith.constant 0 : i32
        %eq3A_975 = arith.cmpi eq, %jit3A_973, %eq3A_974 : i32
        %jit3A_976 = arith.constant 1 : i32
        %select_n3A_977 = arith.select %eq3A_975, %jit3A_976, %jit3A_973 : i32
        %rem3A_978 = arith.remsi %add3A_948, %select_n3A_977 : i32
        %ne3A_979 = arith.constant 0 : i32
        %ne3A_980 = arith.cmpi ne, %rem3A_978, %ne3A_979 : i32
        %lt3A_981 = arith.constant 0 : i32
        %lt3A_982 = arith.cmpi slt, %rem3A_978, %lt3A_981 : i32
        %lt3A_983 = arith.constant 0 : i32
        %lt3A_984 = arith.cmpi slt, %select_n3A_977, %lt3A_983 : i32
        %ne3A_985 = arith.xori %lt3A_982, %lt3A_984 : i1
        %and3A_986 = arith.andi %ne3A_985, %ne3A_980 : i1
        %add3A_987 = arith.addi %rem3A_978, %select_n3A_977 : i32
        %select_n3A_988 = arith.select %and3A_986, %add3A_987, %rem3A_978 : i32
        %jit3A_989 = arith.constant 8 : i32
        %div3A_990 = arith.divsi %select_n3A_972, %jit3A_989 : i32
        %sign3A_991 = arith.constant 0 : i32
        %sign3A_992 = arith.cmpi sgt, %select_n3A_972, %sign3A_991 : i32
        %sign3A_993 = arith.extui %sign3A_992 : i1 to i32
        %sign3A_994 = arith.constant 0 : i32
        %sign3A_995 = arith.cmpi slt, %select_n3A_972, %sign3A_994 : i32
        %sign3A_996 = arith.extui %sign3A_995 : i1 to i32
        %sign3A_997 = arith.subi %sign3A_993, %sign3A_996 : i32
        %sign3A_998 = arith.constant 0 : i32
        %sign3A_999 = arith.cmpi sgt, %jit3A_989, %sign3A_998 : i32
        %sign3A_1000 = arith.extui %sign3A_999 : i1 to i32
        %sign3A_1001 = arith.constant 0 : i32
        %sign3A_1002 = arith.cmpi slt, %jit3A_989, %sign3A_1001 : i32
        %sign3A_1003 = arith.extui %sign3A_1002 : i1 to i32
        %sign3A_1004 = arith.subi %sign3A_1000, %sign3A_1003 : i32
        %ne3A_1005 = arith.cmpi ne, %sign3A_997, %sign3A_1004 : i32
        %rem3A_1006 = arith.remsi %select_n3A_972, %jit3A_989 : i32
        %ne3A_1007 = arith.constant 0 : i32
        %ne3A_1008 = arith.cmpi ne, %rem3A_1006, %ne3A_1007 : i32
        %and3A_1009 = arith.andi %ne3A_1005, %ne3A_1008 : i1
        %sub3A_1010 = arith.constant 1 : i32
        %sub3A_1011 = arith.subi %div3A_990, %sub3A_1010 : i32
        %select_n3A_1012 = arith.select %and3A_1009, %sub3A_1011, %div3A_990 : i32
        %jit3A_1013 = arith.constant 8 : i32
        %eq3A_1014 = arith.constant 0 : i32
        %eq3A_1015 = arith.cmpi eq, %jit3A_1013, %eq3A_1014 : i32
        %jit3A_1016 = arith.constant 1 : i32
        %select_n3A_1017 = arith.select %eq3A_1015, %jit3A_1016, %jit3A_1013 : i32
        %rem3A_1018 = arith.remsi %select_n3A_972, %select_n3A_1017 : i32
        %ne3A_1019 = arith.constant 0 : i32
        %ne3A_1020 = arith.cmpi ne, %rem3A_1018, %ne3A_1019 : i32
        %lt3A_1021 = arith.constant 0 : i32
        %lt3A_1022 = arith.cmpi slt, %rem3A_1018, %lt3A_1021 : i32
        %lt3A_1023 = arith.constant 0 : i32
        %lt3A_1024 = arith.cmpi slt, %select_n3A_1017, %lt3A_1023 : i32
        %ne3A_1025 = arith.xori %lt3A_1022, %lt3A_1024 : i1
        %and3A_1026 = arith.andi %ne3A_1025, %ne3A_1020 : i1
        %add3A_1027 = arith.addi %rem3A_1018, %select_n3A_1017 : i32
        %select_n3A_1028 = arith.select %and3A_1026, %add3A_1027, %rem3A_1018 : i32
        %dma_start3A_1029 = arith.constant 0 : i32
        %dma_start3A_1030 = tpu.memref_slice %arg2[%select_n3A_1012, %select_n3A_988, %select_n3A_1028, %dma_start3A_1029] : memref<25x128x8x128xi32, #tpu.memory_space<hbm>> -> memref<1x1x1x128xi32, #tpu.memory_space<hbm>>
        %dma_start3A_1031 = tpu.memref_squeeze %dma_start3A_1030 : memref<1x1x1x128xi32, #tpu.memory_space<hbm>> -> memref<128xi32, #tpu.memory_space<hbm>>
        %dma_start3A_1032 = arith.constant 0 : i32
        %dma_start3A_1033 = tpu.memref_slice %arg2[%select_n3A_1012, %select_n3A_988, %select_n3A_1028, %dma_start3A_1032] : memref<25x128x8x128xi32, #tpu.memory_space<hbm>> -> memref<1x1x1x128xi32, #tpu.memory_space<hbm>>
        %dma_start3A_1034 = tpu.memref_squeeze %dma_start3A_1033 : memref<1x1x1x128xi32, #tpu.memory_space<hbm>> -> memref<128xi32, #tpu.memory_space<hbm>>
        tpu.enqueue_dma source(%dma_start3A_1034 : memref<128xi32, #tpu.memory_space<hbm>>) target(%arg5 : memref<128xi32, #tpu.memory_space<vmem>>) target_semaphore(%arg11 : memref<!tpu.dma_semaphore, #tpu.memory_space<semaphore_mem>>)
      } else {
      }
      %add3A_492 = arith.constant 1 : i32
      %add3A_493 = arith.addi %mul3A_480, %add3A_492 : i32
      %lt3A_494 = arith.constant 800 : i32
      %lt3A_495 = arith.cmpi slt, %add3A_493, %lt3A_494 : i32
      %convert_element_type3A_496 = arith.extui %lt3A_495 : i1 to i32
      %cond3A_497 = arith.constant 0 : i32
      %cond3A_498 = arith.cmpi ne, %convert_element_type3A_496, %cond3A_497 : i32
      scf.if %cond3A_498 {
        %dma_wait3A_946 = arith.constant 0 : i32
        %dma_wait3A_947 = arith.constant 0 : i32
        %dma_wait3A_948 = arith.constant 0 : i32
        %dma_wait3A_949 = arith.constant 0 : i32
        %dma_wait3A_950 = tpu.memref_slice %arg2[%dma_wait3A_946, %dma_wait3A_947, %dma_wait3A_948, %dma_wait3A_949] : memref<25x128x8x128xi32, #tpu.memory_space<hbm>> -> memref<1x1x1x128xi32, #tpu.memory_space<hbm>>
        %dma_wait3A_951 = tpu.memref_squeeze %dma_wait3A_950 : memref<1x1x1x128xi32, #tpu.memory_space<hbm>> -> memref<128xi32, #tpu.memory_space<hbm>>
        %dma_wait3A_952 = arith.constant 0 : i32
        %dma_wait3A_953 = tpu.memref_slice %arg2[%dma_wait3A_946, %dma_wait3A_947, %dma_wait3A_948, %dma_wait3A_952] : memref<25x128x8x128xi32, #tpu.memory_space<hbm>> -> memref<1x1x1x128xi32, #tpu.memory_space<hbm>>
        %dma_wait3A_954 = tpu.memref_squeeze %dma_wait3A_953 : memref<1x1x1x128xi32, #tpu.memory_space<hbm>> -> memref<128xi32, #tpu.memory_space<hbm>>
        tpu.wait_dma2 semaphore(%arg12 : memref<!tpu.dma_semaphore, #tpu.memory_space<semaphore_mem>>) src(%dma_wait3A_954 : memref<128xi32, #tpu.memory_space<hbm>>) dst(%arg6 : memref<128xi32, #tpu.memory_space<vmem>>)
        %dma_start3A_955 = arith.constant 0 : i32
        %dma_start3A_956 = arith.constant 0 : i32
        %dma_start3A_957 = tpu.memref_slice %arg3[%dma_start3A_955, %dma_start3A_956] : memref<1000000x64xf32, #tpu.memory_space<hbm>> -> memref<1000000x64xf32, #tpu.memory_space<hbm>>
        tpu.enqueue_indirect_dma source(%dma_start3A_957 : memref<1000000x64xf32, #tpu.memory_space<hbm>>) target(%arg8 : memref<128x64xf32, #tpu.memory_space<vmem>>) offsets(%arg6 : memref<128xi32, #tpu.memory_space<vmem>>) semaphore(%arg14 : memref<!tpu.dma_semaphore, #tpu.memory_space<semaphore_mem>>)
      } else {
      }
      %ge3A = arith.constant 2 : i32
      %ge3A_499 = arith.cmpi sge, %mul3A_480, %ge3A : i32
      %convert_element_type3A_500 = arith.extui %ge3A_499 : i1 to i32
      %cond3A_501 = arith.constant 0 : i32
      %cond3A_502 = arith.cmpi ne, %convert_element_type3A_500, %cond3A_501 : i32
      scf.if %cond3A_502 {
        %dma_wait3A_946 = arith.constant 0 : i32
        %dma_wait3A_947 = arith.constant 0 : i32
        %dma_wait3A_948 = arith.constant 0 : i32
        %dma_wait3A_949 = arith.constant 0 : i32
        %dma_wait3A_950 = arith.constant 0 : i32
        %dma_wait3A_951 = tpu.memref_slice %arg9[%dma_wait3A_949, %dma_wait3A_950] : memref<64x128xf32, #tpu.memory_space<vmem>> -> memref<8x128xf32, #tpu.memory_space<vmem>>
        %dma_wait3A_952 = arith.constant 0 : i32
        %dma_wait3A_953 = arith.constant 0 : i32
        %dma_wait3A_954 = tpu.memref_slice %arg4[%dma_wait3A_946, %dma_wait3A_947, %dma_wait3A_948, %dma_wait3A_952, %dma_wait3A_953] : memref<200x8x128x8x128xf32, #tpu.memory_space<hbm>> -> memref<1x1x1x8x128xf32, #tpu.memory_space<hbm>>
        %dma_wait3A_955 = tpu.memref_squeeze %dma_wait3A_954 : memref<1x1x1x8x128xf32, #tpu.memory_space<hbm>> -> memref<8x128xf32, #tpu.memory_space<hbm>>
        %dma_wait3A_956 = arith.constant 0 : i32
        %dma_wait3A_957 = arith.constant 0 : i32
        %dma_wait3A_958 = tpu.memref_slice %arg4[%dma_wait3A_946, %dma_wait3A_947, %dma_wait3A_948, %dma_wait3A_956, %dma_wait3A_957] : memref<200x8x128x8x128xf32, #tpu.memory_space<hbm>> -> memref<1x1x1x8x128xf32, #tpu.memory_space<hbm>>
        %dma_wait3A_959 = tpu.memref_squeeze %dma_wait3A_958 : memref<1x1x1x8x128xf32, #tpu.memory_space<hbm>> -> memref<8x128xf32, #tpu.memory_space<hbm>>
        %dma_wait3A_960 = arith.constant 0 : i32
        %dma_wait3A_961 = arith.constant 0 : i32
        %dma_wait3A_962 = tpu.memref_slice %arg9[%dma_wait3A_960, %dma_wait3A_961] : memref<64x128xf32, #tpu.memory_space<vmem>> -> memref<8x128xf32, #tpu.memory_space<vmem>>
        tpu.wait_dma2 semaphore(%arg15 : memref<!tpu.dma_semaphore, #tpu.memory_space<semaphore_mem>>) src(%dma_wait3A_962 : memref<8x128xf32, #tpu.memory_space<vmem>>) dst(%dma_wait3A_959 : memref<8x128xf32, #tpu.memory_space<hbm>>)
        %dma_wait3A_963 = arith.constant 0 : i32
        %dma_wait3A_964 = arith.constant 1 : i32
        %dma_wait3A_965 = arith.constant 0 : i32
        %dma_wait3A_966 = arith.constant 8 : i32
        %dma_wait3A_967 = arith.constant 0 : i32
        %dma_wait3A_968 = tpu.memref_slice %arg9[%dma_wait3A_966, %dma_wait3A_967] : memref<64x128xf32, #tpu.memory_space<vmem>> -> memref<8x128xf32, #tpu.memory_space<vmem>>
        %dma_wait3A_969 = arith.constant 0 : i32
        %dma_wait3A_970 = arith.constant 0 : i32
        %dma_wait3A_971 = tpu.memref_slice %arg4[%dma_wait3A_963, %dma_wait3A_964, %dma_wait3A_965, %dma_wait3A_969, %dma_wait3A_970] : memref<200x8x128x8x128xf32, #tpu.memory_space<hbm>> -> memref<1x1x1x8x128xf32, #tpu.memory_space<hbm>>
        %dma_wait3A_972 = tpu.memref_squeeze %dma_wait3A_971 : memref<1x1x1x8x128xf32, #tpu.memory_space<hbm>> -> memref<8x128xf32, #tpu.memory_space<hbm>>
        %dma_wait3A_973 = arith.constant 0 : i32
        %dma_wait3A_974 = arith.constant 0 : i32
        %dma_wait3A_975 = tpu.memref_slice %arg4[%dma_wait3A_963, %dma_wait3A_964, %dma_wait3A_965, %dma_wait3A_973, %dma_wait3A_974] : memref<200x8x128x8x128xf32, #tpu.memory_space<hbm>> -> memref<1x1x1x8x128xf32, #tpu.memory_space<hbm>>
        %dma_wait3A_976 = tpu.memref_squeeze %dma_wait3A_975 : memref<1x1x1x8x128xf32, #tpu.memory_space<hbm>> -> memref<8x128xf32, #tpu.memory_space<hbm>>
        %dma_wait3A_977 = arith.constant 8 : i32
        %dma_wait3A_978 = arith.constant 0 : i32
        %dma_wait3A_979 = tpu.memref_slice %arg9[%dma_wait3A_977, %dma_wait3A_978] : memref<64x128xf32, #tpu.memory_space<vmem>> -> memref<8x128xf32, #tpu.memory_space<vmem>>
        tpu.wait_dma2 semaphore(%arg15 : memref<!tpu.dma_semaphore, #tpu.memory_space<semaphore_mem>>) src(%dma_wait3A_979 : memref<8x128xf32, #tpu.memory_space<vmem>>) dst(%dma_wait3A_976 : memref<8x128xf32, #tpu.memory_space<hbm>>)
        %dma_wait3A_980 = arith.constant 0 : i32
        %dma_wait3A_981 = arith.constant 2 : i32
        %dma_wait3A_982 = arith.constant 0 : i32
        %dma_wait3A_983 = arith.constant 16 : i32
        %dma_wait3A_984 = arith.constant 0 : i32
        %dma_wait3A_985 = tpu.memref_slice %arg9[%dma_wait3A_983, %dma_wait3A_984] : memref<64x128xf32, #tpu.memory_space<vmem>> -> memref<8x128xf32, #tpu.memory_space<vmem>>
        %dma_wait3A_986 = arith.constant 0 : i32
        %dma_wait3A_987 = arith.constant 0 : i32
        %dma_wait3A_988 = tpu.memref_slice %arg4[%dma_wait3A_980, %dma_wait3A_981, %dma_wait3A_982, %dma_wait3A_986, %dma_wait3A_987] : memref<200x8x128x8x128xf32, #tpu.memory_space<hbm>> -> memref<1x1x1x8x128xf32, #tpu.memory_space<hbm>>
        %dma_wait3A_989 = tpu.memref_squeeze %dma_wait3A_988 : memref<1x1x1x8x128xf32, #tpu.memory_space<hbm>> -> memref<8x128xf32, #tpu.memory_space<hbm>>
        %dma_wait3A_990 = arith.constant 0 : i32
        %dma_wait3A_991 = arith.constant 0 : i32
        %dma_wait3A_992 = tpu.memref_slice %arg4[%dma_wait3A_980, %dma_wait3A_981, %dma_wait3A_982, %dma_wait3A_990, %dma_wait3A_991] : memref<200x8x128x8x128xf32, #tpu.memory_space<hbm>> -> memref<1x1x1x8x128xf32, #tpu.memory_space<hbm>>
        %dma_wait3A_993 = tpu.memref_squeeze %dma_wait3A_992 : memref<1x1x1x8x128xf32, #tpu.memory_space<hbm>> -> memref<8x128xf32, #tpu.memory_space<hbm>>
        %dma_wait3A_994 = arith.constant 16 : i32
        %dma_wait3A_995 = arith.constant 0 : i32
        %dma_wait3A_996 = tpu.memref_slice %arg9[%dma_wait3A_994, %dma_wait3A_995] : memref<64x128xf32, #tpu.memory_space<vmem>> -> memref<8x128xf32, #tpu.memory_space<vmem>>
        tpu.wait_dma2 semaphore(%arg15 : memref<!tpu.dma_semaphore, #tpu.memory_space<semaphore_mem>>) src(%dma_wait3A_996 : memref<8x128xf32, #tpu.memory_space<vmem>>) dst(%dma_wait3A_993 : memref<8x128xf32, #tpu.memory_space<hbm>>)
        %dma_wait3A_997 = arith.constant 0 : i32
        %dma_wait3A_998 = arith.constant 3 : i32
        %dma_wait3A_999 = arith.constant 0 : i32
        %dma_wait3A_1000 = arith.constant 24 : i32
        %dma_wait3A_1001 = arith.constant 0 : i32
        %dma_wait3A_1002 = tpu.memref_slice %arg9[%dma_wait3A_1000, %dma_wait3A_1001] : memref<64x128xf32, #tpu.memory_space<vmem>> -> memref<8x128xf32, #tpu.memory_space<vmem>>
        %dma_wait3A_1003 = arith.constant 0 : i32
        %dma_wait3A_1004 = arith.constant 0 : i32
        %dma_wait3A_1005 = tpu.memref_slice %arg4[%dma_wait3A_997, %dma_wait3A_998, %dma_wait3A_999, %dma_wait3A_1003, %dma_wait3A_1004] : memref<200x8x128x8x128xf32, #tpu.memory_space<hbm>> -> memref<1x1x1x8x128xf32, #tpu.memory_space<hbm>>
        %dma_wait3A_1006 = tpu.memref_squeeze %dma_wait3A_1005 : memref<1x1x1x8x128xf32, #tpu.memory_space<hbm>> -> memref<8x128xf32, #tpu.memory_space<hbm>>
        %dma_wait3A_1007 = arith.constant 0 : i32
        %dma_wait3A_1008 = arith.constant 0 : i32
        %dma_wait3A_1009 = tpu.memref_slice %arg4[%dma_wait3A_997, %dma_wait3A_998, %dma_wait3A_999, %dma_wait3A_1007, %dma_wait3A_1008] : memref<200x8x128x8x128xf32, #tpu.memory_space<hbm>> -> memref<1x1x1x8x128xf32, #tpu.memory_space<hbm>>
        %dma_wait3A_1010 = tpu.memref_squeeze %dma_wait3A_1009 : memref<1x1x1x8x128xf32, #tpu.memory_space<hbm>> -> memref<8x128xf32, #tpu.memory_space<hbm>>
        %dma_wait3A_1011 = arith.constant 24 : i32
        %dma_wait3A_1012 = arith.constant 0 : i32
        %dma_wait3A_1013 = tpu.memref_slice %arg9[%dma_wait3A_1011, %dma_wait3A_1012] : memref<64x128xf32, #tpu.memory_space<vmem>> -> memref<8x128xf32, #tpu.memory_space<vmem>>
        tpu.wait_dma2 semaphore(%arg15 : memref<!tpu.dma_semaphore, #tpu.memory_space<semaphore_mem>>) src(%dma_wait3A_1013 : memref<8x128xf32, #tpu.memory_space<vmem>>) dst(%dma_wait3A_1010 : memref<8x128xf32, #tpu.memory_space<hbm>>)
        %dma_wait3A_1014 = arith.constant 0 : i32
        %dma_wait3A_1015 = arith.constant 4 : i32
        %dma_wait3A_1016 = arith.constant 0 : i32
        %dma_wait3A_1017 = arith.constant 32 : i32
        %dma_wait3A_1018 = arith.constant 0 : i32
        %dma_wait3A_1019 = tpu.memref_slice %arg9[%dma_wait3A_1017, %dma_wait3A_1018] : memref<64x128xf32, #tpu.memory_space<vmem>> -> memref<8x128xf32, #tpu.memory_space<vmem>>
        %dma_wait3A_1020 = arith.constant 0 : i32
        %dma_wait3A_1021 = arith.constant 0 : i32
        %dma_wait3A_1022 = tpu.memref_slice %arg4[%dma_wait3A_1014, %dma_wait3A_1015, %dma_wait3A_1016, %dma_wait3A_1020, %dma_wait3A_1021] : memref<200x8x128x8x128xf32, #tpu.memory_space<hbm>> -> memref<1x1x1x8x128xf32, #tpu.memory_space<hbm>>
        %dma_wait3A_1023 = tpu.memref_squeeze %dma_wait3A_1022 : memref<1x1x1x8x128xf32, #tpu.memory_space<hbm>> -> memref<8x128xf32, #tpu.memory_space<hbm>>
        %dma_wait3A_1024 = arith.constant 0 : i32
        %dma_wait3A_1025 = arith.constant 0 : i32
        %dma_wait3A_1026 = tpu.memref_slice %arg4[%dma_wait3A_1014, %dma_wait3A_1015, %dma_wait3A_1016, %dma_wait3A_1024, %dma_wait3A_1025] : memref<200x8x128x8x128xf32, #tpu.memory_space<hbm>> -> memref<1x1x1x8x128xf32, #tpu.memory_space<hbm>>
        %dma_wait3A_1027 = tpu.memref_squeeze %dma_wait3A_1026 : memref<1x1x1x8x128xf32, #tpu.memory_space<hbm>> -> memref<8x128xf32, #tpu.memory_space<hbm>>
        %dma_wait3A_1028 = arith.constant 32 : i32
        %dma_wait3A_1029 = arith.constant 0 : i32
        %dma_wait3A_1030 = tpu.memref_slice %arg9[%dma_wait3A_1028, %dma_wait3A_1029] : memref<64x128xf32, #tpu.memory_space<vmem>> -> memref<8x128xf32, #tpu.memory_space<vmem>>
        tpu.wait_dma2 semaphore(%arg15 : memref<!tpu.dma_semaphore, #tpu.memory_space<semaphore_mem>>) src(%dma_wait3A_1030 : memref<8x128xf32, #tpu.memory_space<vmem>>) dst(%dma_wait3A_1027 : memref<8x128xf32, #tpu.memory_space<hbm>>)
        %dma_wait3A_1031 = arith.constant 0 : i32
        %dma_wait3A_1032 = arith.constant 5 : i32
        %dma_wait3A_1033 = arith.constant 0 : i32
        %dma_wait3A_1034 = arith.constant 40 : i32
        %dma_wait3A_1035 = arith.constant 0 : i32
        %dma_wait3A_1036 = tpu.memref_slice %arg9[%dma_wait3A_1034, %dma_wait3A_1035] : memref<64x128xf32, #tpu.memory_space<vmem>> -> memref<8x128xf32, #tpu.memory_space<vmem>>
        %dma_wait3A_1037 = arith.constant 0 : i32
        %dma_wait3A_1038 = arith.constant 0 : i32
        %dma_wait3A_1039 = tpu.memref_slice %arg4[%dma_wait3A_1031, %dma_wait3A_1032, %dma_wait3A_1033, %dma_wait3A_1037, %dma_wait3A_1038] : memref<200x8x128x8x128xf32, #tpu.memory_space<hbm>> -> memref<1x1x1x8x128xf32, #tpu.memory_space<hbm>>
        %dma_wait3A_1040 = tpu.memref_squeeze %dma_wait3A_1039 : memref<1x1x1x8x128xf32, #tpu.memory_space<hbm>> -> memref<8x128xf32, #tpu.memory_space<hbm>>
        %dma_wait3A_1041 = arith.constant 0 : i32
        %dma_wait3A_1042 = arith.constant 0 : i32
        %dma_wait3A_1043 = tpu.memref_slice %arg4[%dma_wait3A_1031, %dma_wait3A_1032, %dma_wait3A_1033, %dma_wait3A_1041, %dma_wait3A_1042] : memref<200x8x128x8x128xf32, #tpu.memory_space<hbm>> -> memref<1x1x1x8x128xf32, #tpu.memory_space<hbm>>
        %dma_wait3A_1044 = tpu.memref_squeeze %dma_wait3A_1043 : memref<1x1x1x8x128xf32, #tpu.memory_space<hbm>> -> memref<8x128xf32, #tpu.memory_space<hbm>>
        %dma_wait3A_1045 = arith.constant 40 : i32
        %dma_wait3A_1046 = arith.constant 0 : i32
        %dma_wait3A_1047 = tpu.memref_slice %arg9[%dma_wait3A_1045, %dma_wait3A_1046] : memref<64x128xf32, #tpu.memory_space<vmem>> -> memref<8x128xf32, #tpu.memory_space<vmem>>
        tpu.wait_dma2 semaphore(%arg15 : memref<!tpu.dma_semaphore, #tpu.memory_space<semaphore_mem>>) src(%dma_wait3A_1047 : memref<8x128xf32, #tpu.memory_space<vmem>>) dst(%dma_wait3A_1044 : memref<8x128xf32, #tpu.memory_space<hbm>>)
        %dma_wait3A_1048 = arith.constant 0 : i32
        %dma_wait3A_1049 = arith.constant 6 : i32
        %dma_wait3A_1050 = arith.constant 0 : i32
        %dma_wait3A_1051 = arith.constant 48 : i32
        %dma_wait3A_1052 = arith.constant 0 : i32
        %dma_wait3A_1053 = tpu.memref_slice %arg9[%dma_wait3A_1051, %dma_wait3A_1052] : memref<64x128xf32, #tpu.memory_space<vmem>> -> memref<8x128xf32, #tpu.memory_space<vmem>>
        %dma_wait3A_1054 = arith.constant 0 : i32
        %dma_wait3A_1055 = arith.constant 0 : i32
        %dma_wait3A_1056 = tpu.memref_slice %arg4[%dma_wait3A_1048, %dma_wait3A_1049, %dma_wait3A_1050, %dma_wait3A_1054, %dma_wait3A_1055] : memref<200x8x128x8x128xf32, #tpu.memory_space<hbm>> -> memref<1x1x1x8x128xf32, #tpu.memory_space<hbm>>
        %dma_wait3A_1057 = tpu.memref_squeeze %dma_wait3A_1056 : memref<1x1x1x8x128xf32, #tpu.memory_space<hbm>> -> memref<8x128xf32, #tpu.memory_space<hbm>>
        %dma_wait3A_1058 = arith.constant 0 : i32
        %dma_wait3A_1059 = arith.constant 0 : i32
        %dma_wait3A_1060 = tpu.memref_slice %arg4[%dma_wait3A_1048, %dma_wait3A_1049, %dma_wait3A_1050, %dma_wait3A_1058, %dma_wait3A_1059] : memref<200x8x128x8x128xf32, #tpu.memory_space<hbm>> -> memref<1x1x1x8x128xf32, #tpu.memory_space<hbm>>
        %dma_wait3A_1061 = tpu.memref_squeeze %dma_wait3A_1060 : memref<1x1x1x8x128xf32, #tpu.memory_space<hbm>> -> memref<8x128xf32, #tpu.memory_space<hbm>>
        %dma_wait3A_1062 = arith.constant 48 : i32
        %dma_wait3A_1063 = arith.constant 0 : i32
        %dma_wait3A_1064 = tpu.memref_slice %arg9[%dma_wait3A_1062, %dma_wait3A_1063] : memref<64x128xf32, #tpu.memory_space<vmem>> -> memref<8x128xf32, #tpu.memory_space<vmem>>
        tpu.wait_dma2 semaphore(%arg15 : memref<!tpu.dma_semaphore, #tpu.memory_space<semaphore_mem>>) src(%dma_wait3A_1064 : memref<8x128xf32, #tpu.memory_space<vmem>>) dst(%dma_wait3A_1061 : memref<8x128xf32, #tpu.memory_space<hbm>>)
        %dma_wait3A_1065 = arith.constant 0 : i32
        %dma_wait3A_1066 = arith.constant 7 : i32
        %dma_wait3A_1067 = arith.constant 0 : i32
        %dma_wait3A_1068 = arith.constant 56 : i32
        %dma_wait3A_1069 = arith.constant 0 : i32
        %dma_wait3A_1070 = tpu.memref_slice %arg9[%dma_wait3A_1068, %dma_wait3A_1069] : memref<64x128xf32, #tpu.memory_space<vmem>> -> memref<8x128xf32, #tpu.memory_space<vmem>>
        %dma_wait3A_1071 = arith.constant 0 : i32
        %dma_wait3A_1072 = arith.constant 0 : i32
        %dma_wait3A_1073 = tpu.memref_slice %arg4[%dma_wait3A_1065, %dma_wait3A_1066, %dma_wait3A_1067, %dma_wait3A_1071, %dma_wait3A_1072] : memref<200x8x128x8x128xf32, #tpu.memory_space<hbm>> -> memref<1x1x1x8x128xf32, #tpu.memory_space<hbm>>
        %dma_wait3A_1074 = tpu.memref_squeeze %dma_wait3A_1073 : memref<1x1x1x8x128xf32, #tpu.memory_space<hbm>> -> memref<8x128xf32, #tpu.memory_space<hbm>>
        %dma_wait3A_1075 = arith.constant 0 : i32
        %dma_wait3A_1076 = arith.constant 0 : i32
        %dma_wait3A_1077 = tpu.memref_slice %arg4[%dma_wait3A_1065, %dma_wait3A_1066, %dma_wait3A_1067, %dma_wait3A_1075, %dma_wait3A_1076] : memref<200x8x128x8x128xf32, #tpu.memory_space<hbm>> -> memref<1x1x1x8x128xf32, #tpu.memory_space<hbm>>
        %dma_wait3A_1078 = tpu.memref_squeeze %dma_wait3A_1077 : memref<1x1x1x8x128xf32, #tpu.memory_space<hbm>> -> memref<8x128xf32, #tpu.memory_space<hbm>>
        %dma_wait3A_1079 = arith.constant 56 : i32
        %dma_wait3A_1080 = arith.constant 0 : i32
        %dma_wait3A_1081 = tpu.memref_slice %arg9[%dma_wait3A_1079, %dma_wait3A_1080] : memref<64x128xf32, #tpu.memory_space<vmem>> -> memref<8x128xf32, #tpu.memory_space<vmem>>
        tpu.wait_dma2 semaphore(%arg15 : memref<!tpu.dma_semaphore, #tpu.memory_space<semaphore_mem>>) src(%dma_wait3A_1081 : memref<8x128xf32, #tpu.memory_space<vmem>>) dst(%dma_wait3A_1078 : memref<8x128xf32, #tpu.memory_space<hbm>>)
      } else {
      }
      %scan3A_503 = arith.constant 0 : i32
      %scan3A_504 = arith.constant 0 : i32
      %scan3A_505 = arith.constant 16 : i32
      %scan3A_506 = arith.addi %scan3A_504, %scan3A_505 : i32
      %scan3A_507 = arith.constant 1 : i32
      scf.for %scan3A_946 = %scan3A_504 to %scan3A_506 step %scan3A_507  : i32 {
        %add3A_947 = vector.broadcast %scan3A_946 : i32 to vector<16xi32>
        %add3A_948 = arith.addi %iota3A, %add3A_947 : vector<16xi32>
        %rem3A_949 = arith.constant 16 : i32
        %rem3A_950 = vector.broadcast %rem3A_949 : i32 to vector<16xi32>
        %rem3A_951 = arith.remsi %add3A_948, %rem3A_950 : vector<16xi32>
        %add3A_952 = arith.constant 0 : i32
        %add3A_953 = vector.broadcast %add3A_952 : i32 to vector<16xi32>
        %add3A_954 = arith.addi %rem3A_951, %add3A_953 : vector<16xi32>
        %gather3A = tpu.vector_load_idx %arg7[%add3A_5, %add3A_954] : memref<128x64xf32, #tpu.memory_space<vmem>>[vector<16xi32>, vector<16xi32>], vector<16xf32>,
        tpu.vector_store_idx %arg9[%add3A_954, %add3A_5], %gather3A : memref<64x128xf32, #tpu.memory_space<vmem>>[vector<16xi32>, vector<16xi32>], vector<16xf32>,
        %gather3A_955 = tpu.vector_load_idx %arg7[%add3A_8, %add3A_954] : memref<128x64xf32, #tpu.memory_space<vmem>>[vector<16xi32>, vector<16xi32>], vector<16xf32>,
        tpu.vector_store_idx %arg9[%add3A_954, %add3A_8], %gather3A_955 : memref<64x128xf32, #tpu.memory_space<vmem>>[vector<16xi32>, vector<16xi32>], vector<16xf32>,
        %gather3A_956 = tpu.vector_load_idx %arg7[%add3A_11, %add3A_954] : memref<128x64xf32, #tpu.memory_space<vmem>>[vector<16xi32>, vector<16xi32>], vector<16xf32>,
        tpu.vector_store_idx %arg9[%add3A_954, %add3A_11], %gather3A_956 : memref<64x128xf32, #tpu.memory_space<vmem>>[vector<16xi32>, vector<16xi32>], vector<16xf32>,
        %gather3A_957 = tpu.vector_load_idx %arg7[%add3A_14, %add3A_954] : memref<128x64xf32, #tpu.memory_space<vmem>>[vector<16xi32>, vector<16xi32>], vector<16xf32>,
        tpu.vector_store_idx %arg9[%add3A_954, %add3A_14], %gather3A_957 : memref<64x128xf32, #tpu.memory_space<vmem>>[vector<16xi32>, vector<16xi32>], vector<16xf32>,
        %gather3A_958 = tpu.vector_load_idx %arg7[%add3A_17, %add3A_954] : memref<128x64xf32, #tpu.memory_space<vmem>>[vector<16xi32>, vector<16xi32>], vector<16xf32>,
        tpu.vector_store_idx %arg9[%add3A_954, %add3A_17], %gather3A_958 : memref<64x128xf32, #tpu.memory_space<vmem>>[vector<16xi32>, vector<16xi32>], vector<16xf32>,
        %gather3A_959 = tpu.vector_load_idx %arg7[%add3A_20, %add3A_954] : memref<128x64xf32, #tpu.memory_space<vmem>>[vector<16xi32>, vector<16xi32>], vector<16xf32>,
        tpu.vector_store_idx %arg9[%add3A_954, %add3A_20], %gather3A_959 : memref<64x128xf32, #tpu.memory_space<vmem>>[vector<16xi32>, vector<16xi32>], vector<16xf32>,
        %gather3A_960 = tpu.vector_load_idx %arg7[%add3A_23, %add3A_954] : memref<128x64xf32, #tpu.memory_space<vmem>>[vector<16xi32>, vector<16xi32>], vector<16xf32>,
        tpu.vector_store_idx %arg9[%add3A_954, %add3A_23], %gather3A_960 : memref<64x128xf32, #tpu.memory_space<vmem>>[vector<16xi32>, vector<16xi32>], vector<16xf32>,
        %gather3A_961 = tpu.vector_load_idx %arg7[%add3A_26, %add3A_954] : memref<128x64xf32, #tpu.memory_space<vmem>>[vector<16xi32>, vector<16xi32>], vector<16xf32>,
        tpu.vector_store_idx %arg9[%add3A_954, %add3A_26], %gather3A_961 : memref<64x128xf32, #tpu.memory_space<vmem>>[vector<16xi32>, vector<16xi32>], vector<16xf32>,
        %add3A_962 = arith.constant 16 : i32
        %add3A_963 = vector.broadcast %add3A_962 : i32 to vector<16xi32>
        %add3A_964 = arith.addi %rem3A_951, %add3A_963 : vector<16xi32>
        %gather3A_965 = tpu.vector_load_idx %arg7[%add3A_5, %add3A_964] : memref<128x64xf32, #tpu.memory_space<vmem>>[vector<16xi32>, vector<16xi32>], vector<16xf32>,
        tpu.vector_store_idx %arg9[%add3A_964, %add3A_5], %gather3A_965 : memref<64x128xf32, #tpu.memory_space<vmem>>[vector<16xi32>, vector<16xi32>], vector<16xf32>,
        %gather3A_966 = tpu.vector_load_idx %arg7[%add3A_8, %add3A_964] : memref<128x64xf32, #tpu.memory_space<vmem>>[vector<16xi32>, vector<16xi32>], vector<16xf32>,
        tpu.vector_store_idx %arg9[%add3A_964, %add3A_8], %gather3A_966 : memref<64x128xf32, #tpu.memory_space<vmem>>[vector<16xi32>, vector<16xi32>], vector<16xf32>,
        %gather3A_967 = tpu.vector_load_idx %arg7[%add3A_11, %add3A_964] : memref<128x64xf32, #tpu.memory_space<vmem>>[vector<16xi32>, vector<16xi32>], vector<16xf32>,
        tpu.vector_store_idx %arg9[%add3A_964, %add3A_11], %gather3A_967 : memref<64x128xf32, #tpu.memory_space<vmem>>[vector<16xi32>, vector<16xi32>], vector<16xf32>,
        %gather3A_968 = tpu.vector_load_idx %arg7[%add3A_14, %add3A_964] : memref<128x64xf32, #tpu.memory_space<vmem>>[vector<16xi32>, vector<16xi32>], vector<16xf32>,
        tpu.vector_store_idx %arg9[%add3A_964, %add3A_14], %gather3A_968 : memref<64x128xf32, #tpu.memory_space<vmem>>[vector<16xi32>, vector<16xi32>], vector<16xf32>,
        %gather3A_969 = tpu.vector_load_idx %arg7[%add3A_17, %add3A_964] : memref<128x64xf32, #tpu.memory_space<vmem>>[vector<16xi32>, vector<16xi32>], vector<16xf32>,
        tpu.vector_store_idx %arg9[%add3A_964, %add3A_17], %gather3A_969 : memref<64x128xf32, #tpu.memory_space<vmem>>[vector<16xi32>, vector<16xi32>], vector<16xf32>,
        %gather3A_970 = tpu.vector_load_idx %arg7[%add3A_20, %add3A_964] : memref<128x64xf32, #tpu.memory_space<vmem>>[vector<16xi32>, vector<16xi32>], vector<16xf32>,
        tpu.vector_store_idx %arg9[%add3A_964, %add3A_20], %gather3A_970 : memref<64x128xf32, #tpu.memory_space<vmem>>[vector<16xi32>, vector<16xi32>], vector<16xf32>,
        %gather3A_971 = tpu.vector_load_idx %arg7[%add3A_23, %add3A_964] : memref<128x64xf32, #tpu.memory_space<vmem>>[vector<16xi32>, vector<16xi32>], vector<16xf32>,
        tpu.vector_store_idx %arg9[%add3A_964, %add3A_23], %gather3A_971 : memref<64x128xf32, #tpu.memory_space<vmem>>[vector<16xi32>, vector<16xi32>], vector<16xf32>,
        %gather3A_972 = tpu.vector_load_idx %arg7[%add3A_26, %add3A_964] : memref<128x64xf32, #tpu.memory_space<vmem>>[vector<16xi32>, vector<16xi32>], vector<16xf32>,
        tpu.vector_store_idx %arg9[%add3A_964, %add3A_26], %gather3A_972 : memref<64x128xf32, #tpu.memory_space<vmem>>[vector<16xi32>, vector<16xi32>], vector<16xf32>,
        %add3A_973 = arith.constant 32 : i32
        %add3A_974 = vector.broadcast %add3A_973 : i32 to vector<16xi32>
        %add3A_975 = arith.addi %rem3A_951, %add3A_974 : vector<16xi32>
        %gather3A_976 = tpu.vector_load_idx %arg7[%add3A_5, %add3A_975] : memref<128x64xf32, #tpu.memory_space<vmem>>[vector<16xi32>, vector<16xi32>], vector<16xf32>,
        tpu.vector_store_idx %arg9[%add3A_975, %add3A_5], %gather3A_976 : memref<64x128xf32, #tpu.memory_space<vmem>>[vector<16xi32>, vector<16xi32>], vector<16xf32>,
        %gather3A_977 = tpu.vector_load_idx %arg7[%add3A_8, %add3A_975] : memref<128x64xf32, #tpu.memory_space<vmem>>[vector<16xi32>, vector<16xi32>], vector<16xf32>,
        tpu.vector_store_idx %arg9[%add3A_975, %add3A_8], %gather3A_977 : memref<64x128xf32, #tpu.memory_space<vmem>>[vector<16xi32>, vector<16xi32>], vector<16xf32>,
        %gather3A_978 = tpu.vector_load_idx %arg7[%add3A_11, %add3A_975] : memref<128x64xf32, #tpu.memory_space<vmem>>[vector<16xi32>, vector<16xi32>], vector<16xf32>,
        tpu.vector_store_idx %arg9[%add3A_975, %add3A_11], %gather3A_978 : memref<64x128xf32, #tpu.memory_space<vmem>>[vector<16xi32>, vector<16xi32>], vector<16xf32>,
        %gather3A_979 = tpu.vector_load_idx %arg7[%add3A_14, %add3A_975] : memref<128x64xf32, #tpu.memory_space<vmem>>[vector<16xi32>, vector<16xi32>], vector<16xf32>,
        tpu.vector_store_idx %arg9[%add3A_975, %add3A_14], %gather3A_979 : memref<64x128xf32, #tpu.memory_space<vmem>>[vector<16xi32>, vector<16xi32>], vector<16xf32>,
        %gather3A_980 = tpu.vector_load_idx %arg7[%add3A_17, %add3A_975] : memref<128x64xf32, #tpu.memory_space<vmem>>[vector<16xi32>, vector<16xi32>], vector<16xf32>,
        tpu.vector_store_idx %arg9[%add3A_975, %add3A_17], %gather3A_980 : memref<64x128xf32, #tpu.memory_space<vmem>>[vector<16xi32>, vector<16xi32>], vector<16xf32>,
        %gather3A_981 = tpu.vector_load_idx %arg7[%add3A_20, %add3A_975] : memref<128x64xf32, #tpu.memory_space<vmem>>[vector<16xi32>, vector<16xi32>], vector<16xf32>,
        tpu.vector_store_idx %arg9[%add3A_975, %add3A_20], %gather3A_981 : memref<64x128xf32, #tpu.memory_space<vmem>>[vector<16xi32>, vector<16xi32>], vector<16xf32>,
        %gather3A_982 = tpu.vector_load_idx %arg7[%add3A_23, %add3A_975] : memref<128x64xf32, #tpu.memory_space<vmem>>[vector<16xi32>, vector<16xi32>], vector<16xf32>,
        tpu.vector_store_idx %arg9[%add3A_975, %add3A_23], %gather3A_982 : memref<64x128xf32, #tpu.memory_space<vmem>>[vector<16xi32>, vector<16xi32>], vector<16xf32>,
        %gather3A_983 = tpu.vector_load_idx %arg7[%add3A_26, %add3A_975] : memref<128x64xf32, #tpu.memory_space<vmem>>[vector<16xi32>, vector<16xi32>], vector<16xf32>,
        tpu.vector_store_idx %arg9[%add3A_975, %add3A_26], %gather3A_983 : memref<64x128xf32, #tpu.memory_space<vmem>>[vector<16xi32>, vector<16xi32>], vector<16xf32>,
        %add3A_984 = arith.constant 48 : i32
        %add3A_985 = vector.broadcast %add3A_984 : i32 to vector<16xi32>
        %add3A_986 = arith.addi %rem3A_951, %add3A_985 : vector<16xi32>
        %gather3A_987 = tpu.vector_load_idx %arg7[%add3A_5, %add3A_986] : memref<128x64xf32, #tpu.memory_space<vmem>>[vector<16xi32>, vector<16xi32>], vector<16xf32>,
        tpu.vector_store_idx %arg9[%add3A_986, %add3A_5], %gather3A_987 : memref<64x128xf32, #tpu.memory_space<vmem>>[vector<16xi32>, vector<16xi32>], vector<16xf32>,
        %gather3A_988 = tpu.vector_load_idx %arg7[%add3A_8, %add3A_986] : memref<128x64xf32, #tpu.memory_space<vmem>>[vector<16xi32>, vector<16xi32>], vector<16xf32>,
        tpu.vector_store_idx %arg9[%add3A_986, %add3A_8], %gather3A_988 : memref<64x128xf32, #tpu.memory_space<vmem>>[vector<16xi32>, vector<16xi32>], vector<16xf32>,
        %gather3A_989 = tpu.vector_load_idx %arg7[%add3A_11, %add3A_986] : memref<128x64xf32, #tpu.memory_space<vmem>>[vector<16xi32>, vector<16xi32>], vector<16xf32>,
        tpu.vector_store_idx %arg9[%add3A_986, %add3A_11], %gather3A_989 : memref<64x128xf32, #tpu.memory_space<vmem>>[vector<16xi32>, vector<16xi32>], vector<16xf32>,
        %gather3A_990 = tpu.vector_load_idx %arg7[%add3A_14, %add3A_986] : memref<128x64xf32, #tpu.memory_space<vmem>>[vector<16xi32>, vector<16xi32>], vector<16xf32>,
        tpu.vector_store_idx %arg9[%add3A_986, %add3A_14], %gather3A_990 : memref<64x128xf32, #tpu.memory_space<vmem>>[vector<16xi32>, vector<16xi32>], vector<16xf32>,
        %gather3A_991 = tpu.vector_load_idx %arg7[%add3A_17, %add3A_986] : memref<128x64xf32, #tpu.memory_space<vmem>>[vector<16xi32>, vector<16xi32>], vector<16xf32>,
        tpu.vector_store_idx %arg9[%add3A_986, %add3A_17], %gather3A_991 : memref<64x128xf32, #tpu.memory_space<vmem>>[vector<16xi32>, vector<16xi32>], vector<16xf32>,
        %gather3A_992 = tpu.vector_load_idx %arg7[%add3A_20, %add3A_986] : memref<128x64xf32, #tpu.memory_space<vmem>>[vector<16xi32>, vector<16xi32>], vector<16xf32>,
        tpu.vector_store_idx %arg9[%add3A_986, %add3A_20], %gather3A_992 : memref<64x128xf32, #tpu.memory_space<vmem>>[vector<16xi32>, vector<16xi32>], vector<16xf32>,
        %gather3A_993 = tpu.vector_load_idx %arg7[%add3A_23, %add3A_986] : memref<128x64xf32, #tpu.memory_space<vmem>>[vector<16xi32>, vector<16xi32>], vector<16xf32>,
        tpu.vector_store_idx %arg9[%add3A_986, %add3A_23], %gather3A_993 : memref<64x128xf32, #tpu.memory_space<vmem>>[vector<16xi32>, vector<16xi32>], vector<16xf32>,
        %gather3A_994 = tpu.vector_load_idx %arg7[%add3A_26, %add3A_986] : memref<128x64xf32, #tpu.memory_space<vmem>>[vector<16xi32>, vector<16xi32>], vector<16xf32>,
        tpu.vector_store_idx %arg9[%add3A_986, %add3A_26], %gather3A_994 : memref<64x128xf32, #tpu.memory_space<vmem>>[vector<16xi32>, vector<16xi32>], vector<16xf32>,
      }
      %scan3A_508 = arith.constant 16 : i32
      %add3A_509 = arith.addi %mul3A_2, %mul3A_480 : i32
      %jit3A_510 = arith.constant 128 : i32
      %div3A_511 = arith.divsi %add3A_509, %jit3A_510 : i32
      %sign3A_512 = arith.constant 0 : i32
      %sign3A_513 = arith.cmpi sgt, %add3A_509, %sign3A_512 : i32
      %sign3A_514 = arith.extui %sign3A_513 : i1 to i32
      %sign3A_515 = arith.constant 0 : i32
      %sign3A_516 = arith.cmpi slt, %add3A_509, %sign3A_515 : i32
      %sign3A_517 = arith.extui %sign3A_516 : i1 to i32
      %sign3A_518 = arith.subi %sign3A_514, %sign3A_517 : i32
      %sign3A_519 = arith.constant 0 : i32
      %sign3A_520 = arith.cmpi sgt, %jit3A_510, %sign3A_519 : i32
      %sign3A_521 = arith.extui %sign3A_520 : i1 to i32
      %sign3A_522 = arith.constant 0 : i32
      %sign3A_523 = arith.cmpi slt, %jit3A_510, %sign3A_522 : i32
      %sign3A_524 = arith.extui %sign3A_523 : i1 to i32
      %sign3A_525 = arith.subi %sign3A_521, %sign3A_524 : i32
      %ne3A_526 = arith.cmpi ne, %sign3A_518, %sign3A_525 : i32
      %rem3A_527 = arith.remsi %add3A_509, %jit3A_510 : i32
      %ne3A_528 = arith.constant 0 : i32
      %ne3A_529 = arith.cmpi ne, %rem3A_527, %ne3A_528 : i32
      %and3A_530 = arith.andi %ne3A_526, %ne3A_529 : i1
      %sub3A_531 = arith.constant 1 : i32
      %sub3A_532 = arith.subi %div3A_511, %sub3A_531 : i32
      %select_n3A_533 = arith.select %and3A_530, %sub3A_532, %div3A_511 : i32
      %jit3A_534 = arith.constant 128 : i32
      %eq3A_535 = arith.constant 0 : i32
      %eq3A_536 = arith.cmpi eq, %jit3A_534, %eq3A_535 : i32
      %jit3A_537 = arith.constant 1 : i32
      %select_n3A_538 = arith.select %eq3A_536, %jit3A_537, %jit3A_534 : i32
      %rem3A_539 = arith.remsi %add3A_509, %select_n3A_538 : i32
      %ne3A_540 = arith.constant 0 : i32
      %ne3A_541 = arith.cmpi ne, %rem3A_539, %ne3A_540 : i32
      %lt3A_542 = arith.constant 0 : i32
      %lt3A_543 = arith.cmpi slt, %rem3A_539, %lt3A_542 : i32
      %lt3A_544 = arith.constant 0 : i32
      %lt3A_545 = arith.cmpi slt, %select_n3A_538, %lt3A_544 : i32
      %ne3A_546 = arith.xori %lt3A_543, %lt3A_545 : i1
      %and3A_547 = arith.andi %ne3A_546, %ne3A_541 : i1
      %add3A_548 = arith.addi %rem3A_539, %select_n3A_538 : i32
      %select_n3A_549 = arith.select %and3A_547, %add3A_548, %rem3A_539 : i32
      %jit3A_550 = arith.constant 8 : i32
      %div3A_551 = arith.divsi %select_n3A_533, %jit3A_550 : i32
      %sign3A_552 = arith.constant 0 : i32
      %sign3A_553 = arith.cmpi sgt, %select_n3A_533, %sign3A_552 : i32
      %sign3A_554 = arith.extui %sign3A_553 : i1 to i32
      %sign3A_555 = arith.constant 0 : i32
      %sign3A_556 = arith.cmpi slt, %select_n3A_533, %sign3A_555 : i32
      %sign3A_557 = arith.extui %sign3A_556 : i1 to i32
      %sign3A_558 = arith.subi %sign3A_554, %sign3A_557 : i32
      %sign3A_559 = arith.constant 0 : i32
      %sign3A_560 = arith.cmpi sgt, %jit3A_550, %sign3A_559 : i32
      %sign3A_561 = arith.extui %sign3A_560 : i1 to i32
      %sign3A_562 = arith.constant 0 : i32
      %sign3A_563 = arith.cmpi slt, %jit3A_550, %sign3A_562 : i32
      %sign3A_564 = arith.extui %sign3A_563 : i1 to i32
      %sign3A_565 = arith.subi %sign3A_561, %sign3A_564 : i32
      %ne3A_566 = arith.cmpi ne, %sign3A_558, %sign3A_565 : i32
      %rem3A_567 = arith.remsi %select_n3A_533, %jit3A_550 : i32
      %ne3A_568 = arith.constant 0 : i32
      %ne3A_569 = arith.cmpi ne, %rem3A_567, %ne3A_568 : i32
      %and3A_570 = arith.andi %ne3A_566, %ne3A_569 : i1
      %sub3A_571 = arith.constant 1 : i32
      %sub3A_572 = arith.subi %div3A_551, %sub3A_571 : i32
      %select_n3A_573 = arith.select %and3A_570, %sub3A_572, %div3A_551 : i32
      %jit3A_574 = arith.constant 8 : i32
      %eq3A_575 = arith.constant 0 : i32
      %eq3A_576 = arith.cmpi eq, %jit3A_574, %eq3A_575 : i32
      %jit3A_577 = arith.constant 1 : i32
      %select_n3A_578 = arith.select %eq3A_576, %jit3A_577, %jit3A_574 : i32
      %rem3A_579 = arith.remsi %select_n3A_533, %select_n3A_578 : i32
      %ne3A_580 = arith.constant 0 : i32
      %ne3A_581 = arith.cmpi ne, %rem3A_579, %ne3A_580 : i32
      %lt3A_582 = arith.constant 0 : i32
      %lt3A_583 = arith.cmpi slt, %rem3A_579, %lt3A_582 : i32
      %lt3A_584 = arith.constant 0 : i32
      %lt3A_585 = arith.cmpi slt, %select_n3A_578, %lt3A_584 : i32
      %ne3A_586 = arith.xori %lt3A_583, %lt3A_585 : i1
      %and3A_587 = arith.andi %ne3A_586, %ne3A_581 : i1
      %add3A_588 = arith.addi %rem3A_579, %select_n3A_578 : i32
      %select_n3A_589 = arith.select %and3A_587, %add3A_588, %rem3A_579 : i32
      %dma_start3A_590 = arith.constant 0 : i32
      %dma_start3A_591 = arith.constant 0 : i32
      %dma_start3A_592 = arith.constant 0 : i32
      %dma_start3A_593 = tpu.memref_slice %arg9[%dma_start3A_591, %dma_start3A_592] : memref<64x128xf32, #tpu.memory_space<vmem>> -> memref<8x128xf32, #tpu.memory_space<vmem>>
      %dma_start3A_594 = arith.constant 0 : i32
      %dma_start3A_595 = arith.constant 0 : i32
      %dma_start3A_596 = tpu.memref_slice %arg4[%select_n3A_533, %dma_start3A_590, %select_n3A_549, %dma_start3A_594, %dma_start3A_595] : memref<200x8x128x8x128xf32, #tpu.memory_space<hbm>> -> memref<1x1x1x8x128xf32, #tpu.memory_space<hbm>>
      %dma_start3A_597 = tpu.memref_squeeze %dma_start3A_596 : memref<1x1x1x8x128xf32, #tpu.memory_space<hbm>> -> memref<8x128xf32, #tpu.memory_space<hbm>>
      %dma_start3A_598 = arith.constant 0 : i32
      %dma_start3A_599 = arith.constant 0 : i32
      %dma_start3A_600 = tpu.memref_slice %arg4[%select_n3A_533, %dma_start3A_590, %select_n3A_549, %dma_start3A_598, %dma_start3A_599] : memref<200x8x128x8x128xf32, #tpu.memory_space<hbm>> -> memref<1x1x1x8x128xf32, #tpu.memory_space<hbm>>
      %dma_start3A_601 = tpu.memref_squeeze %dma_start3A_600 : memref<1x1x1x8x128xf32, #tpu.memory_space<hbm>> -> memref<8x128xf32, #tpu.memory_space<hbm>>
      %dma_start3A_602 = arith.constant 0 : i32
      %dma_start3A_603 = arith.constant 0 : i32
      %dma_start3A_604 = tpu.memref_slice %arg9[%dma_start3A_602, %dma_start3A_603] : memref<64x128xf32, #tpu.memory_space<vmem>> -> memref<8x128xf32, #tpu.memory_space<vmem>>
      tpu.enqueue_dma source(%dma_start3A_604 : memref<8x128xf32, #tpu.memory_space<vmem>>) target(%dma_start3A_601 : memref<8x128xf32, #tpu.memory_space<hbm>>) target_semaphore(%arg15 : memref<!tpu.dma_semaphore, #tpu.memory_space<semaphore_mem>>)
      %dma_start3A_605 = arith.constant 1 : i32
      %dma_start3A_606 = arith.constant 8 : i32
      %dma_start3A_607 = arith.constant 0 : i32
      %dma_start3A_608 = tpu.memref_slice %arg9[%dma_start3A_606, %dma_start3A_607] : memref<64x128xf32, #tpu.memory_space<vmem>> -> memref<8x128xf32, #tpu.memory_space<vmem>>
      %dma_start3A_609 = arith.constant 0 : i32
      %dma_start3A_610 = arith.constant 0 : i32
      %dma_start3A_611 = tpu.memref_slice %arg4[%select_n3A_533, %dma_start3A_605, %select_n3A_549, %dma_start3A_609, %dma_start3A_610] : memref<200x8x128x8x128xf32, #tpu.memory_space<hbm>> -> memref<1x1x1x8x128xf32, #tpu.memory_space<hbm>>
      %dma_start3A_612 = tpu.memref_squeeze %dma_start3A_611 : memref<1x1x1x8x128xf32, #tpu.memory_space<hbm>> -> memref<8x128xf32, #tpu.memory_space<hbm>>
      %dma_start3A_613 = arith.constant 0 : i32
      %dma_start3A_614 = arith.constant 0 : i32
      %dma_start3A_615 = tpu.memref_slice %arg4[%select_n3A_533, %dma_start3A_605, %select_n3A_549, %dma_start3A_613, %dma_start3A_614] : memref<200x8x128x8x128xf32, #tpu.memory_space<hbm>> -> memref<1x1x1x8x128xf32, #tpu.memory_space<hbm>>
      %dma_start3A_616 = tpu.memref_squeeze %dma_start3A_615 : memref<1x1x1x8x128xf32, #tpu.memory_space<hbm>> -> memref<8x128xf32, #tpu.memory_space<hbm>>
      %dma_start3A_617 = arith.constant 8 : i32
      %dma_start3A_618 = arith.constant 0 : i32
      %dma_start3A_619 = tpu.memref_slice %arg9[%dma_start3A_617, %dma_start3A_618] : memref<64x128xf32, #tpu.memory_space<vmem>> -> memref<8x128xf32, #tpu.memory_space<vmem>>
      tpu.enqueue_dma source(%dma_start3A_619 : memref<8x128xf32, #tpu.memory_space<vmem>>) target(%dma_start3A_616 : memref<8x128xf32, #tpu.memory_space<hbm>>) target_semaphore(%arg15 : memref<!tpu.dma_semaphore, #tpu.memory_space<semaphore_mem>>)
      %dma_start3A_620 = arith.constant 2 : i32
      %dma_start3A_621 = arith.constant 16 : i32
      %dma_start3A_622 = arith.constant 0 : i32
      %dma_start3A_623 = tpu.memref_slice %arg9[%dma_start3A_621, %dma_start3A_622] : memref<64x128xf32, #tpu.memory_space<vmem>> -> memref<8x128xf32, #tpu.memory_space<vmem>>
      %dma_start3A_624 = arith.constant 0 : i32
      %dma_start3A_625 = arith.constant 0 : i32
      %dma_start3A_626 = tpu.memref_slice %arg4[%select_n3A_533, %dma_start3A_620, %select_n3A_549, %dma_start3A_624, %dma_start3A_625] : memref<200x8x128x8x128xf32, #tpu.memory_space<hbm>> -> memref<1x1x1x8x128xf32, #tpu.memory_space<hbm>>
      %dma_start3A_627 = tpu.memref_squeeze %dma_start3A_626 : memref<1x1x1x8x128xf32, #tpu.memory_space<hbm>> -> memref<8x128xf32, #tpu.memory_space<hbm>>
      %dma_start3A_628 = arith.constant 0 : i32
      %dma_start3A_629 = arith.constant 0 : i32
      %dma_start3A_630 = tpu.memref_slice %arg4[%select_n3A_533, %dma_start3A_620, %select_n3A_549, %dma_start3A_628, %dma_start3A_629] : memref<200x8x128x8x128xf32, #tpu.memory_space<hbm>> -> memref<1x1x1x8x128xf32, #tpu.memory_space<hbm>>
      %dma_start3A_631 = tpu.memref_squeeze %dma_start3A_630 : memref<1x1x1x8x128xf32, #tpu.memory_space<hbm>> -> memref<8x128xf32, #tpu.memory_space<hbm>>
      %dma_start3A_632 = arith.constant 16 : i32
      %dma_start3A_633 = arith.constant 0 : i32
      %dma_start3A_634 = tpu.memref_slice %arg9[%dma_start3A_632, %dma_start3A_633] : memref<64x128xf32, #tpu.memory_space<vmem>> -> memref<8x128xf32, #tpu.memory_space<vmem>>
      tpu.enqueue_dma source(%dma_start3A_634 : memref<8x128xf32, #tpu.memory_space<vmem>>) target(%dma_start3A_631 : memref<8x128xf32, #tpu.memory_space<hbm>>) target_semaphore(%arg15 : memref<!tpu.dma_semaphore, #tpu.memory_space<semaphore_mem>>)
      %dma_start3A_635 = arith.constant 3 : i32
      %dma_start3A_636 = arith.constant 24 : i32
      %dma_start3A_637 = arith.constant 0 : i32
      %dma_start3A_638 = tpu.memref_slice %arg9[%dma_start3A_636, %dma_start3A_637] : memref<64x128xf32, #tpu.memory_space<vmem>> -> memref<8x128xf32, #tpu.memory_space<vmem>>
      %dma_start3A_639 = arith.constant 0 : i32
      %dma_start3A_640 = arith.constant 0 : i32
      %dma_start3A_641 = tpu.memref_slice %arg4[%select_n3A_533, %dma_start3A_635, %select_n3A_549, %dma_start3A_639, %dma_start3A_640] : memref<200x8x128x8x128xf32, #tpu.memory_space<hbm>> -> memref<1x1x1x8x128xf32, #tpu.memory_space<hbm>>
      %dma_start3A_642 = tpu.memref_squeeze %dma_start3A_641 : memref<1x1x1x8x128xf32, #tpu.memory_space<hbm>> -> memref<8x128xf32, #tpu.memory_space<hbm>>
      %dma_start3A_643 = arith.constant 0 : i32
      %dma_start3A_644 = arith.constant 0 : i32
      %dma_start3A_645 = tpu.memref_slice %arg4[%select_n3A_533, %dma_start3A_635, %select_n3A_549, %dma_start3A_643, %dma_start3A_644] : memref<200x8x128x8x128xf32, #tpu.memory_space<hbm>> -> memref<1x1x1x8x128xf32, #tpu.memory_space<hbm>>
      %dma_start3A_646 = tpu.memref_squeeze %dma_start3A_645 : memref<1x1x1x8x128xf32, #tpu.memory_space<hbm>> -> memref<8x128xf32, #tpu.memory_space<hbm>>
      %dma_start3A_647 = arith.constant 24 : i32
      %dma_start3A_648 = arith.constant 0 : i32
      %dma_start3A_649 = tpu.memref_slice %arg9[%dma_start3A_647, %dma_start3A_648] : memref<64x128xf32, #tpu.memory_space<vmem>> -> memref<8x128xf32, #tpu.memory_space<vmem>>
      tpu.enqueue_dma source(%dma_start3A_649 : memref<8x128xf32, #tpu.memory_space<vmem>>) target(%dma_start3A_646 : memref<8x128xf32, #tpu.memory_space<hbm>>) target_semaphore(%arg15 : memref<!tpu.dma_semaphore, #tpu.memory_space<semaphore_mem>>)
      %dma_start3A_650 = arith.constant 4 : i32
      %dma_start3A_651 = arith.constant 32 : i32
      %dma_start3A_652 = arith.constant 0 : i32
      %dma_start3A_653 = tpu.memref_slice %arg9[%dma_start3A_651, %dma_start3A_652] : memref<64x128xf32, #tpu.memory_space<vmem>> -> memref<8x128xf32, #tpu.memory_space<vmem>>
      %dma_start3A_654 = arith.constant 0 : i32
      %dma_start3A_655 = arith.constant 0 : i32
      %dma_start3A_656 = tpu.memref_slice %arg4[%select_n3A_533, %dma_start3A_650, %select_n3A_549, %dma_start3A_654, %dma_start3A_655] : memref<200x8x128x8x128xf32, #tpu.memory_space<hbm>> -> memref<1x1x1x8x128xf32, #tpu.memory_space<hbm>>
      %dma_start3A_657 = tpu.memref_squeeze %dma_start3A_656 : memref<1x1x1x8x128xf32, #tpu.memory_space<hbm>> -> memref<8x128xf32, #tpu.memory_space<hbm>>
      %dma_start3A_658 = arith.constant 0 : i32
      %dma_start3A_659 = arith.constant 0 : i32
      %dma_start3A_660 = tpu.memref_slice %arg4[%select_n3A_533, %dma_start3A_650, %select_n3A_549, %dma_start3A_658, %dma_start3A_659] : memref<200x8x128x8x128xf32, #tpu.memory_space<hbm>> -> memref<1x1x1x8x128xf32, #tpu.memory_space<hbm>>
      %dma_start3A_661 = tpu.memref_squeeze %dma_start3A_660 : memref<1x1x1x8x128xf32, #tpu.memory_space<hbm>> -> memref<8x128xf32, #tpu.memory_space<hbm>>
      %dma_start3A_662 = arith.constant 32 : i32
      %dma_start3A_663 = arith.constant 0 : i32
      %dma_start3A_664 = tpu.memref_slice %arg9[%dma_start3A_662, %dma_start3A_663] : memref<64x128xf32, #tpu.memory_space<vmem>> -> memref<8x128xf32, #tpu.memory_space<vmem>>
      tpu.enqueue_dma source(%dma_start3A_664 : memref<8x128xf32, #tpu.memory_space<vmem>>) target(%dma_start3A_661 : memref<8x128xf32, #tpu.memory_space<hbm>>) target_semaphore(%arg15 : memref<!tpu.dma_semaphore, #tpu.memory_space<semaphore_mem>>)
      %dma_start3A_665 = arith.constant 5 : i32
      %dma_start3A_666 = arith.constant 40 : i32
      %dma_start3A_667 = arith.constant 0 : i32
      %dma_start3A_668 = tpu.memref_slice %arg9[%dma_start3A_666, %dma_start3A_667] : memref<64x128xf32, #tpu.memory_space<vmem>> -> memref<8x128xf32, #tpu.memory_space<vmem>>
      %dma_start3A_669 = arith.constant 0 : i32
      %dma_start3A_670 = arith.constant 0 : i32
      %dma_start3A_671 = tpu.memref_slice %arg4[%select_n3A_533, %dma_start3A_665, %select_n3A_549, %dma_start3A_669, %dma_start3A_670] : memref<200x8x128x8x128xf32, #tpu.memory_space<hbm>> -> memref<1x1x1x8x128xf32, #tpu.memory_space<hbm>>
      %dma_start3A_672 = tpu.memref_squeeze %dma_start3A_671 : memref<1x1x1x8x128xf32, #tpu.memory_space<hbm>> -> memref<8x128xf32, #tpu.memory_space<hbm>>
      %dma_start3A_673 = arith.constant 0 : i32
      %dma_start3A_674 = arith.constant 0 : i32
      %dma_start3A_675 = tpu.memref_slice %arg4[%select_n3A_533, %dma_start3A_665, %select_n3A_549, %dma_start3A_673, %dma_start3A_674] : memref<200x8x128x8x128xf32, #tpu.memory_space<hbm>> -> memref<1x1x1x8x128xf32, #tpu.memory_space<hbm>>
      %dma_start3A_676 = tpu.memref_squeeze %dma_start3A_675 : memref<1x1x1x8x128xf32, #tpu.memory_space<hbm>> -> memref<8x128xf32, #tpu.memory_space<hbm>>
      %dma_start3A_677 = arith.constant 40 : i32
      %dma_start3A_678 = arith.constant 0 : i32
      %dma_start3A_679 = tpu.memref_slice %arg9[%dma_start3A_677, %dma_start3A_678] : memref<64x128xf32, #tpu.memory_space<vmem>> -> memref<8x128xf32, #tpu.memory_space<vmem>>
      tpu.enqueue_dma source(%dma_start3A_679 : memref<8x128xf32, #tpu.memory_space<vmem>>) target(%dma_start3A_676 : memref<8x128xf32, #tpu.memory_space<hbm>>) target_semaphore(%arg15 : memref<!tpu.dma_semaphore, #tpu.memory_space<semaphore_mem>>)
      %dma_start3A_680 = arith.constant 6 : i32
      %dma_start3A_681 = arith.constant 48 : i32
      %dma_start3A_682 = arith.constant 0 : i32
      %dma_start3A_683 = tpu.memref_slice %arg9[%dma_start3A_681, %dma_start3A_682] : memref<64x128xf32, #tpu.memory_space<vmem>> -> memref<8x128xf32, #tpu.memory_space<vmem>>
      %dma_start3A_684 = arith.constant 0 : i32
      %dma_start3A_685 = arith.constant 0 : i32
      %dma_start3A_686 = tpu.memref_slice %arg4[%select_n3A_533, %dma_start3A_680, %select_n3A_549, %dma_start3A_684, %dma_start3A_685] : memref<200x8x128x8x128xf32, #tpu.memory_space<hbm>> -> memref<1x1x1x8x128xf32, #tpu.memory_space<hbm>>
      %dma_start3A_687 = tpu.memref_squeeze %dma_start3A_686 : memref<1x1x1x8x128xf32, #tpu.memory_space<hbm>> -> memref<8x128xf32, #tpu.memory_space<hbm>>
      %dma_start3A_688 = arith.constant 0 : i32
      %dma_start3A_689 = arith.constant 0 : i32
      %dma_start3A_690 = tpu.memref_slice %arg4[%select_n3A_533, %dma_start3A_680, %select_n3A_549, %dma_start3A_688, %dma_start3A_689] : memref<200x8x128x8x128xf32, #tpu.memory_space<hbm>> -> memref<1x1x1x8x128xf32, #tpu.memory_space<hbm>>
      %dma_start3A_691 = tpu.memref_squeeze %dma_start3A_690 : memref<1x1x1x8x128xf32, #tpu.memory_space<hbm>> -> memref<8x128xf32, #tpu.memory_space<hbm>>
      %dma_start3A_692 = arith.constant 48 : i32
      %dma_start3A_693 = arith.constant 0 : i32
      %dma_start3A_694 = tpu.memref_slice %arg9[%dma_start3A_692, %dma_start3A_693] : memref<64x128xf32, #tpu.memory_space<vmem>> -> memref<8x128xf32, #tpu.memory_space<vmem>>
      tpu.enqueue_dma source(%dma_start3A_694 : memref<8x128xf32, #tpu.memory_space<vmem>>) target(%dma_start3A_691 : memref<8x128xf32, #tpu.memory_space<hbm>>) target_semaphore(%arg15 : memref<!tpu.dma_semaphore, #tpu.memory_space<semaphore_mem>>)
      %dma_start3A_695 = arith.constant 7 : i32
      %dma_start3A_696 = arith.constant 56 : i32
      %dma_start3A_697 = arith.constant 0 : i32
      %dma_start3A_698 = tpu.memref_slice %arg9[%dma_start3A_696, %dma_start3A_697] : memref<64x128xf32, #tpu.memory_space<vmem>> -> memref<8x128xf32, #tpu.memory_space<vmem>>
      %dma_start3A_699 = arith.constant 0 : i32
      %dma_start3A_700 = arith.constant 0 : i32
      %dma_start3A_701 = tpu.memref_slice %arg4[%select_n3A_533, %dma_start3A_695, %select_n3A_549, %dma_start3A_699, %dma_start3A_700] : memref<200x8x128x8x128xf32, #tpu.memory_space<hbm>> -> memref<1x1x1x8x128xf32, #tpu.memory_space<hbm>>
      %dma_start3A_702 = tpu.memref_squeeze %dma_start3A_701 : memref<1x1x1x8x128xf32, #tpu.memory_space<hbm>> -> memref<8x128xf32, #tpu.memory_space<hbm>>
      %dma_start3A_703 = arith.constant 0 : i32
      %dma_start3A_704 = arith.constant 0 : i32
      %dma_start3A_705 = tpu.memref_slice %arg4[%select_n3A_533, %dma_start3A_695, %select_n3A_549, %dma_start3A_703, %dma_start3A_704] : memref<200x8x128x8x128xf32, #tpu.memory_space<hbm>> -> memref<1x1x1x8x128xf32, #tpu.memory_space<hbm>>
      %dma_start3A_706 = tpu.memref_squeeze %dma_start3A_705 : memref<1x1x1x8x128xf32, #tpu.memory_space<hbm>> -> memref<8x128xf32, #tpu.memory_space<hbm>>
      %dma_start3A_707 = arith.constant 56 : i32
      %dma_start3A_708 = arith.constant 0 : i32
      %dma_start3A_709 = tpu.memref_slice %arg9[%dma_start3A_707, %dma_start3A_708] : memref<64x128xf32, #tpu.memory_space<vmem>> -> memref<8x128xf32, #tpu.memory_space<vmem>>
      tpu.enqueue_dma source(%dma_start3A_709 : memref<8x128xf32, #tpu.memory_space<vmem>>) target(%dma_start3A_706 : memref<8x128xf32, #tpu.memory_space<hbm>>) target_semaphore(%arg15 : memref<!tpu.dma_semaphore, #tpu.memory_space<semaphore_mem>>)
      %mul3A_710 = arith.constant 2 : i32
      %mul3A_711 = arith.muli %mul3A_710, %scan3A_478 : i32
      %add3A_712 = arith.constant 1 : i32
      %add3A_713 = arith.addi %mul3A_711, %add3A_712 : i32
      %dma_wait3A_714 = arith.constant 0 : i32
      %dma_wait3A_715 = arith.constant 0 : i32
      %dma_wait3A_716 = tpu.memref_slice %arg3[%dma_wait3A_714, %dma_wait3A_715] : memref<1000000x64xf32, #tpu.memory_space<hbm>> -> memref<128x64xf32, #tpu.memory_space<hbm>>
      %dma_wait3A_717 = arith.constant 0 : i32
      %dma_wait3A_718 = arith.constant 0 : i32
      %dma_wait3A_719 = tpu.memref_slice %arg3[%dma_wait3A_717, %dma_wait3A_718] : memref<1000000x64xf32, #tpu.memory_space<hbm>> -> memref<128x64xf32, #tpu.memory_space<hbm>>
      tpu.wait_dma2 semaphore(%arg14 : memref<!tpu.dma_semaphore, #tpu.memory_space<semaphore_mem>>) src(%dma_wait3A_719 : memref<128x64xf32, #tpu.memory_space<hbm>>) dst(%arg8 : memref<128x64xf32, #tpu.memory_space<vmem>>)
      %add3A_720 = arith.constant 2 : i32
      %add3A_721 = arith.addi %add3A_713, %add3A_720 : i32
      %lt3A_722 = arith.constant 800 : i32
      %lt3A_723 = arith.cmpi slt, %add3A_721, %lt3A_722 : i32
      %convert_element_type3A_724 = arith.extui %lt3A_723 : i1 to i32
      %cond3A_725 = arith.constant 0 : i32
      %cond3A_726 = arith.cmpi ne, %convert_element_type3A_724, %cond3A_725 : i32
      scf.if %cond3A_726 {
        %add3A_946 = arith.addi %mul3A_2, %add3A_713 : i32
        %add3A_947 = arith.constant 2 : i32
        %add3A_948 = arith.addi %add3A_946, %add3A_947 : i32
        %jit3A_949 = arith.constant 128 : i32
        %div3A_950 = arith.divsi %add3A_948, %jit3A_949 : i32
        %sign3A_951 = arith.constant 0 : i32
        %sign3A_952 = arith.cmpi sgt, %add3A_948, %sign3A_951 : i32
        %sign3A_953 = arith.extui %sign3A_952 : i1 to i32
        %sign3A_954 = arith.constant 0 : i32
        %sign3A_955 = arith.cmpi slt, %add3A_948, %sign3A_954 : i32
        %sign3A_956 = arith.extui %sign3A_955 : i1 to i32
        %sign3A_957 = arith.subi %sign3A_953, %sign3A_956 : i32
        %sign3A_958 = arith.constant 0 : i32
        %sign3A_959 = arith.cmpi sgt, %jit3A_949, %sign3A_958 : i32
        %sign3A_960 = arith.extui %sign3A_959 : i1 to i32
        %sign3A_961 = arith.constant 0 : i32
        %sign3A_962 = arith.cmpi slt, %jit3A_949, %sign3A_961 : i32
        %sign3A_963 = arith.extui %sign3A_962 : i1 to i32
        %sign3A_964 = arith.subi %sign3A_960, %sign3A_963 : i32
        %ne3A_965 = arith.cmpi ne, %sign3A_957, %sign3A_964 : i32
        %rem3A_966 = arith.remsi %add3A_948, %jit3A_949 : i32
        %ne3A_967 = arith.constant 0 : i32
        %ne3A_968 = arith.cmpi ne, %rem3A_966, %ne3A_967 : i32
        %and3A_969 = arith.andi %ne3A_965, %ne3A_968 : i1
        %sub3A_970 = arith.constant 1 : i32
        %sub3A_971 = arith.subi %div3A_950, %sub3A_970 : i32
        %select_n3A_972 = arith.select %and3A_969, %sub3A_971, %div3A_950 : i32
        %jit3A_973 = arith.constant 128 : i32
        %eq3A_974 = arith.constant 0 : i32
        %eq3A_975 = arith.cmpi eq, %jit3A_973, %eq3A_974 : i32
        %jit3A_976 = arith.constant 1 : i32
        %select_n3A_977 = arith.select %eq3A_975, %jit3A_976, %jit3A_973 : i32
        %rem3A_978 = arith.remsi %add3A_948, %select_n3A_977 : i32
        %ne3A_979 = arith.constant 0 : i32
        %ne3A_980 = arith.cmpi ne, %rem3A_978, %ne3A_979 : i32
        %lt3A_981 = arith.constant 0 : i32
        %lt3A_982 = arith.cmpi slt, %rem3A_978, %lt3A_981 : i32
        %lt3A_983 = arith.constant 0 : i32
        %lt3A_984 = arith.cmpi slt, %select_n3A_977, %lt3A_983 : i32
        %ne3A_985 = arith.xori %lt3A_982, %lt3A_984 : i1
        %and3A_986 = arith.andi %ne3A_985, %ne3A_980 : i1
        %add3A_987 = arith.addi %rem3A_978, %select_n3A_977 : i32
        %select_n3A_988 = arith.select %and3A_986, %add3A_987, %rem3A_978 : i32
        %jit3A_989 = arith.constant 8 : i32
        %div3A_990 = arith.divsi %select_n3A_972, %jit3A_989 : i32
        %sign3A_991 = arith.constant 0 : i32
        %sign3A_992 = arith.cmpi sgt, %select_n3A_972, %sign3A_991 : i32
        %sign3A_993 = arith.extui %sign3A_992 : i1 to i32
        %sign3A_994 = arith.constant 0 : i32
        %sign3A_995 = arith.cmpi slt, %select_n3A_972, %sign3A_994 : i32
        %sign3A_996 = arith.extui %sign3A_995 : i1 to i32
        %sign3A_997 = arith.subi %sign3A_993, %sign3A_996 : i32
        %sign3A_998 = arith.constant 0 : i32
        %sign3A_999 = arith.cmpi sgt, %jit3A_989, %sign3A_998 : i32
        %sign3A_1000 = arith.extui %sign3A_999 : i1 to i32
        %sign3A_1001 = arith.constant 0 : i32
        %sign3A_1002 = arith.cmpi slt, %jit3A_989, %sign3A_1001 : i32
        %sign3A_1003 = arith.extui %sign3A_1002 : i1 to i32
        %sign3A_1004 = arith.subi %sign3A_1000, %sign3A_1003 : i32
        %ne3A_1005 = arith.cmpi ne, %sign3A_997, %sign3A_1004 : i32
        %rem3A_1006 = arith.remsi %select_n3A_972, %jit3A_989 : i32
        %ne3A_1007 = arith.constant 0 : i32
        %ne3A_1008 = arith.cmpi ne, %rem3A_1006, %ne3A_1007 : i32
        %and3A_1009 = arith.andi %ne3A_1005, %ne3A_1008 : i1
        %sub3A_1010 = arith.constant 1 : i32
        %sub3A_1011 = arith.subi %div3A_990, %sub3A_1010 : i32
        %select_n3A_1012 = arith.select %and3A_1009, %sub3A_1011, %div3A_990 : i32
        %jit3A_1013 = arith.constant 8 : i32
        %eq3A_1014 = arith.constant 0 : i32
        %eq3A_1015 = arith.cmpi eq, %jit3A_1013, %eq3A_1014 : i32
        %jit3A_1016 = arith.constant 1 : i32
        %select_n3A_1017 = arith.select %eq3A_1015, %jit3A_1016, %jit3A_1013 : i32
        %rem3A_1018 = arith.remsi %select_n3A_972, %select_n3A_1017 : i32
        %ne3A_1019 = arith.constant 0 : i32
        %ne3A_1020 = arith.cmpi ne, %rem3A_1018, %ne3A_1019 : i32
        %lt3A_1021 = arith.constant 0 : i32
        %lt3A_1022 = arith.cmpi slt, %rem3A_1018, %lt3A_1021 : i32
        %lt3A_1023 = arith.constant 0 : i32
        %lt3A_1024 = arith.cmpi slt, %select_n3A_1017, %lt3A_1023 : i32
        %ne3A_1025 = arith.xori %lt3A_1022, %lt3A_1024 : i1
        %and3A_1026 = arith.andi %ne3A_1025, %ne3A_1020 : i1
        %add3A_1027 = arith.addi %rem3A_1018, %select_n3A_1017 : i32
        %select_n3A_1028 = arith.select %and3A_1026, %add3A_1027, %rem3A_1018 : i32
        %dma_start3A_1029 = arith.constant 0 : i32
        %dma_start3A_1030 = tpu.memref_slice %arg2[%select_n3A_1012, %select_n3A_988, %select_n3A_1028, %dma_start3A_1029] : memref<25x128x8x128xi32, #tpu.memory_space<hbm>> -> memref<1x1x1x128xi32, #tpu.memory_space<hbm>>
        %dma_start3A_1031 = tpu.memref_squeeze %dma_start3A_1030 : memref<1x1x1x128xi32, #tpu.memory_space<hbm>> -> memref<128xi32, #tpu.memory_space<hbm>>
        %dma_start3A_1032 = arith.constant 0 : i32
        %dma_start3A_1033 = tpu.memref_slice %arg2[%select_n3A_1012, %select_n3A_988, %select_n3A_1028, %dma_start3A_1032] : memref<25x128x8x128xi32, #tpu.memory_space<hbm>> -> memref<1x1x1x128xi32, #tpu.memory_space<hbm>>
        %dma_start3A_1034 = tpu.memref_squeeze %dma_start3A_1033 : memref<1x1x1x128xi32, #tpu.memory_space<hbm>> -> memref<128xi32, #tpu.memory_space<hbm>>
        tpu.enqueue_dma source(%dma_start3A_1034 : memref<128xi32, #tpu.memory_space<hbm>>) target(%arg6 : memref<128xi32, #tpu.memory_space<vmem>>) target_semaphore(%arg12 : memref<!tpu.dma_semaphore, #tpu.memory_space<semaphore_mem>>)
      } else {
      }
      %add3A_727 = arith.constant 1 : i32
      %add3A_728 = arith.addi %add3A_713, %add3A_727 : i32
      %lt3A_729 = arith.constant 800 : i32
      %lt3A_730 = arith.cmpi slt, %add3A_728, %lt3A_729 : i32
      %convert_element_type3A_731 = arith.extui %lt3A_730 : i1 to i32
      %cond3A_732 = arith.constant 0 : i32
      %cond3A_733 = arith.cmpi ne, %convert_element_type3A_731, %cond3A_732 : i32
      scf.if %cond3A_733 {
        %dma_wait3A_946 = arith.constant 0 : i32
        %dma_wait3A_947 = arith.constant 0 : i32
        %dma_wait3A_948 = arith.constant 0 : i32
        %dma_wait3A_949 = arith.constant 0 : i32
        %dma_wait3A_950 = tpu.memref_slice %arg2[%dma_wait3A_946, %dma_wait3A_947, %dma_wait3A_948, %dma_wait3A_949] : memref<25x128x8x128xi32, #tpu.memory_space<hbm>> -> memref<1x1x1x128xi32, #tpu.memory_space<hbm>>
        %dma_wait3A_951 = tpu.memref_squeeze %dma_wait3A_950 : memref<1x1x1x128xi32, #tpu.memory_space<hbm>> -> memref<128xi32, #tpu.memory_space<hbm>>
        %dma_wait3A_952 = arith.constant 0 : i32
        %dma_wait3A_953 = tpu.memref_slice %arg2[%dma_wait3A_946, %dma_wait3A_947, %dma_wait3A_948, %dma_wait3A_952] : memref<25x128x8x128xi32, #tpu.memory_space<hbm>> -> memref<1x1x1x128xi32, #tpu.memory_space<hbm>>
        %dma_wait3A_954 = tpu.memref_squeeze %dma_wait3A_953 : memref<1x1x1x128xi32, #tpu.memory_space<hbm>> -> memref<128xi32, #tpu.memory_space<hbm>>
        tpu.wait_dma2 semaphore(%arg11 : memref<!tpu.dma_semaphore, #tpu.memory_space<semaphore_mem>>) src(%dma_wait3A_954 : memref<128xi32, #tpu.memory_space<hbm>>) dst(%arg5 : memref<128xi32, #tpu.memory_space<vmem>>)
        %dma_start3A_955 = arith.constant 0 : i32
        %dma_start3A_956 = arith.constant 0 : i32
        %dma_start3A_957 = tpu.memref_slice %arg3[%dma_start3A_955, %dma_start3A_956] : memref<1000000x64xf32, #tpu.memory_space<hbm>> -> memref<1000000x64xf32, #tpu.memory_space<hbm>>
        tpu.enqueue_indirect_dma source(%dma_start3A_957 : memref<1000000x64xf32, #tpu.memory_space<hbm>>) target(%arg7 : memref<128x64xf32, #tpu.memory_space<vmem>>) offsets(%arg5 : memref<128xi32, #tpu.memory_space<vmem>>) semaphore(%arg13 : memref<!tpu.dma_semaphore, #tpu.memory_space<semaphore_mem>>)
      } else {
      }
      %ge3A_734 = arith.constant 2 : i32
      %ge3A_735 = arith.cmpi sge, %add3A_713, %ge3A_734 : i32
      %convert_element_type3A_736 = arith.extui %ge3A_735 : i1 to i32
      %cond3A_737 = arith.constant 0 : i32
      %cond3A_738 = arith.cmpi ne, %convert_element_type3A_736, %cond3A_737 : i32
      scf.if %cond3A_738 {
        %dma_wait3A_946 = arith.constant 0 : i32
        %dma_wait3A_947 = arith.constant 0 : i32
        %dma_wait3A_948 = arith.constant 0 : i32
        %dma_wait3A_949 = arith.constant 0 : i32
        %dma_wait3A_950 = arith.constant 0 : i32
        %dma_wait3A_951 = tpu.memref_slice %arg10[%dma_wait3A_949, %dma_wait3A_950] : memref<64x128xf32, #tpu.memory_space<vmem>> -> memref<8x128xf32, #tpu.memory_space<vmem>>
        %dma_wait3A_952 = arith.constant 0 : i32
        %dma_wait3A_953 = arith.constant 0 : i32
        %dma_wait3A_954 = tpu.memref_slice %arg4[%dma_wait3A_946, %dma_wait3A_947, %dma_wait3A_948, %dma_wait3A_952, %dma_wait3A_953] : memref<200x8x128x8x128xf32, #tpu.memory_space<hbm>> -> memref<1x1x1x8x128xf32, #tpu.memory_space<hbm>>
        %dma_wait3A_955 = tpu.memref_squeeze %dma_wait3A_954 : memref<1x1x1x8x128xf32, #tpu.memory_space<hbm>> -> memref<8x128xf32, #tpu.memory_space<hbm>>
        %dma_wait3A_956 = arith.constant 0 : i32
        %dma_wait3A_957 = arith.constant 0 : i32
        %dma_wait3A_958 = tpu.memref_slice %arg4[%dma_wait3A_946, %dma_wait3A_947, %dma_wait3A_948, %dma_wait3A_956, %dma_wait3A_957] : memref<200x8x128x8x128xf32, #tpu.memory_space<hbm>> -> memref<1x1x1x8x128xf32, #tpu.memory_space<hbm>>
        %dma_wait3A_959 = tpu.memref_squeeze %dma_wait3A_958 : memref<1x1x1x8x128xf32, #tpu.memory_space<hbm>> -> memref<8x128xf32, #tpu.memory_space<hbm>>
        %dma_wait3A_960 = arith.constant 0 : i32
        %dma_wait3A_961 = arith.constant 0 : i32
        %dma_wait3A_962 = tpu.memref_slice %arg10[%dma_wait3A_960, %dma_wait3A_961] : memref<64x128xf32, #tpu.memory_space<vmem>> -> memref<8x128xf32, #tpu.memory_space<vmem>>
        tpu.wait_dma2 semaphore(%arg16 : memref<!tpu.dma_semaphore, #tpu.memory_space<semaphore_mem>>) src(%dma_wait3A_962 : memref<8x128xf32, #tpu.memory_space<vmem>>) dst(%dma_wait3A_959 : memref<8x128xf32, #tpu.memory_space<hbm>>)
        %dma_wait3A_963 = arith.constant 0 : i32
        %dma_wait3A_964 = arith.constant 1 : i32
        %dma_wait3A_965 = arith.constant 0 : i32
        %dma_wait3A_966 = arith.constant 8 : i32
        %dma_wait3A_967 = arith.constant 0 : i32
        %dma_wait3A_968 = tpu.memref_slice %arg10[%dma_wait3A_966, %dma_wait3A_967] : memref<64x128xf32, #tpu.memory_space<vmem>> -> memref<8x128xf32, #tpu.memory_space<vmem>>
        %dma_wait3A_969 = arith.constant 0 : i32
        %dma_wait3A_970 = arith.constant 0 : i32
        %dma_wait3A_971 = tpu.memref_slice %arg4[%dma_wait3A_963, %dma_wait3A_964, %dma_wait3A_965, %dma_wait3A_969, %dma_wait3A_970] : memref<200x8x128x8x128xf32, #tpu.memory_space<hbm>> -> memref<1x1x1x8x128xf32, #tpu.memory_space<hbm>>
        %dma_wait3A_972 = tpu.memref_squeeze %dma_wait3A_971 : memref<1x1x1x8x128xf32, #tpu.memory_space<hbm>> -> memref<8x128xf32, #tpu.memory_space<hbm>>
        %dma_wait3A_973 = arith.constant 0 : i32
        %dma_wait3A_974 = arith.constant 0 : i32
        %dma_wait3A_975 = tpu.memref_slice %arg4[%dma_wait3A_963, %dma_wait3A_964, %dma_wait3A_965, %dma_wait3A_973, %dma_wait3A_974] : memref<200x8x128x8x128xf32, #tpu.memory_space<hbm>> -> memref<1x1x1x8x128xf32, #tpu.memory_space<hbm>>
        %dma_wait3A_976 = tpu.memref_squeeze %dma_wait3A_975 : memref<1x1x1x8x128xf32, #tpu.memory_space<hbm>> -> memref<8x128xf32, #tpu.memory_space<hbm>>
        %dma_wait3A_977 = arith.constant 8 : i32
        %dma_wait3A_978 = arith.constant 0 : i32
        %dma_wait3A_979 = tpu.memref_slice %arg10[%dma_wait3A_977, %dma_wait3A_978] : memref<64x128xf32, #tpu.memory_space<vmem>> -> memref<8x128xf32, #tpu.memory_space<vmem>>
        tpu.wait_dma2 semaphore(%arg16 : memref<!tpu.dma_semaphore, #tpu.memory_space<semaphore_mem>>) src(%dma_wait3A_979 : memref<8x128xf32, #tpu.memory_space<vmem>>) dst(%dma_wait3A_976 : memref<8x128xf32, #tpu.memory_space<hbm>>)
        %dma_wait3A_980 = arith.constant 0 : i32
        %dma_wait3A_981 = arith.constant 2 : i32
        %dma_wait3A_982 = arith.constant 0 : i32
        %dma_wait3A_983 = arith.constant 16 : i32
        %dma_wait3A_984 = arith.constant 0 : i32
        %dma_wait3A_985 = tpu.memref_slice %arg10[%dma_wait3A_983, %dma_wait3A_984] : memref<64x128xf32, #tpu.memory_space<vmem>> -> memref<8x128xf32, #tpu.memory_space<vmem>>
        %dma_wait3A_986 = arith.constant 0 : i32
        %dma_wait3A_987 = arith.constant 0 : i32
        %dma_wait3A_988 = tpu.memref_slice %arg4[%dma_wait3A_980, %dma_wait3A_981, %dma_wait3A_982, %dma_wait3A_986, %dma_wait3A_987] : memref<200x8x128x8x128xf32, #tpu.memory_space<hbm>> -> memref<1x1x1x8x128xf32, #tpu.memory_space<hbm>>
        %dma_wait3A_989 = tpu.memref_squeeze %dma_wait3A_988 : memref<1x1x1x8x128xf32, #tpu.memory_space<hbm>> -> memref<8x128xf32, #tpu.memory_space<hbm>>
        %dma_wait3A_990 = arith.constant 0 : i32
        %dma_wait3A_991 = arith.constant 0 : i32
        %dma_wait3A_992 = tpu.memref_slice %arg4[%dma_wait3A_980, %dma_wait3A_981, %dma_wait3A_982, %dma_wait3A_990, %dma_wait3A_991] : memref<200x8x128x8x128xf32, #tpu.memory_space<hbm>> -> memref<1x1x1x8x128xf32, #tpu.memory_space<hbm>>
        %dma_wait3A_993 = tpu.memref_squeeze %dma_wait3A_992 : memref<1x1x1x8x128xf32, #tpu.memory_space<hbm>> -> memref<8x128xf32, #tpu.memory_space<hbm>>
        %dma_wait3A_994 = arith.constant 16 : i32
        %dma_wait3A_995 = arith.constant 0 : i32
        %dma_wait3A_996 = tpu.memref_slice %arg10[%dma_wait3A_994, %dma_wait3A_995] : memref<64x128xf32, #tpu.memory_space<vmem>> -> memref<8x128xf32, #tpu.memory_space<vmem>>
        tpu.wait_dma2 semaphore(%arg16 : memref<!tpu.dma_semaphore, #tpu.memory_space<semaphore_mem>>) src(%dma_wait3A_996 : memref<8x128xf32, #tpu.memory_space<vmem>>) dst(%dma_wait3A_993 : memref<8x128xf32, #tpu.memory_space<hbm>>)
        %dma_wait3A_997 = arith.constant 0 : i32
        %dma_wait3A_998 = arith.constant 3 : i32
        %dma_wait3A_999 = arith.constant 0 : i32
        %dma_wait3A_1000 = arith.constant 24 : i32
        %dma_wait3A_1001 = arith.constant 0 : i32
        %dma_wait3A_1002 = tpu.memref_slice %arg10[%dma_wait3A_1000, %dma_wait3A_1001] : memref<64x128xf32, #tpu.memory_space<vmem>> -> memref<8x128xf32, #tpu.memory_space<vmem>>
        %dma_wait3A_1003 = arith.constant 0 : i32
        %dma_wait3A_1004 = arith.constant 0 : i32
        %dma_wait3A_1005 = tpu.memref_slice %arg4[%dma_wait3A_997, %dma_wait3A_998, %dma_wait3A_999, %dma_wait3A_1003, %dma_wait3A_1004] : memref<200x8x128x8x128xf32, #tpu.memory_space<hbm>> -> memref<1x1x1x8x128xf32, #tpu.memory_space<hbm>>
        %dma_wait3A_1006 = tpu.memref_squeeze %dma_wait3A_1005 : memref<1x1x1x8x128xf32, #tpu.memory_space<hbm>> -> memref<8x128xf32, #tpu.memory_space<hbm>>
        %dma_wait3A_1007 = arith.constant 0 : i32
        %dma_wait3A_1008 = arith.constant 0 : i32
        %dma_wait3A_1009 = tpu.memref_slice %arg4[%dma_wait3A_997, %dma_wait3A_998, %dma_wait3A_999, %dma_wait3A_1007, %dma_wait3A_1008] : memref<200x8x128x8x128xf32, #tpu.memory_space<hbm>> -> memref<1x1x1x8x128xf32, #tpu.memory_space<hbm>>
        %dma_wait3A_1010 = tpu.memref_squeeze %dma_wait3A_1009 : memref<1x1x1x8x128xf32, #tpu.memory_space<hbm>> -> memref<8x128xf32, #tpu.memory_space<hbm>>
        %dma_wait3A_1011 = arith.constant 24 : i32
        %dma_wait3A_1012 = arith.constant 0 : i32
        %dma_wait3A_1013 = tpu.memref_slice %arg10[%dma_wait3A_1011, %dma_wait3A_1012] : memref<64x128xf32, #tpu.memory_space<vmem>> -> memref<8x128xf32, #tpu.memory_space<vmem>>
        tpu.wait_dma2 semaphore(%arg16 : memref<!tpu.dma_semaphore, #tpu.memory_space<semaphore_mem>>) src(%dma_wait3A_1013 : memref<8x128xf32, #tpu.memory_space<vmem>>) dst(%dma_wait3A_1010 : memref<8x128xf32, #tpu.memory_space<hbm>>)
        %dma_wait3A_1014 = arith.constant 0 : i32
        %dma_wait3A_1015 = arith.constant 4 : i32
        %dma_wait3A_1016 = arith.constant 0 : i32
        %dma_wait3A_1017 = arith.constant 32 : i32
        %dma_wait3A_1018 = arith.constant 0 : i32
        %dma_wait3A_1019 = tpu.memref_slice %arg10[%dma_wait3A_1017, %dma_wait3A_1018] : memref<64x128xf32, #tpu.memory_space<vmem>> -> memref<8x128xf32, #tpu.memory_space<vmem>>
        %dma_wait3A_1020 = arith.constant 0 : i32
        %dma_wait3A_1021 = arith.constant 0 : i32
        %dma_wait3A_1022 = tpu.memref_slice %arg4[%dma_wait3A_1014, %dma_wait3A_1015, %dma_wait3A_1016, %dma_wait3A_1020, %dma_wait3A_1021] : memref<200x8x128x8x128xf32, #tpu.memory_space<hbm>> -> memref<1x1x1x8x128xf32, #tpu.memory_space<hbm>>
        %dma_wait3A_1023 = tpu.memref_squeeze %dma_wait3A_1022 : memref<1x1x1x8x128xf32, #tpu.memory_space<hbm>> -> memref<8x128xf32, #tpu.memory_space<hbm>>
        %dma_wait3A_1024 = arith.constant 0 : i32
        %dma_wait3A_1025 = arith.constant 0 : i32
        %dma_wait3A_1026 = tpu.memref_slice %arg4[%dma_wait3A_1014, %dma_wait3A_1015, %dma_wait3A_1016, %dma_wait3A_1024, %dma_wait3A_1025] : memref<200x8x128x8x128xf32, #tpu.memory_space<hbm>> -> memref<1x1x1x8x128xf32, #tpu.memory_space<hbm>>
        %dma_wait3A_1027 = tpu.memref_squeeze %dma_wait3A_1026 : memref<1x1x1x8x128xf32, #tpu.memory_space<hbm>> -> memref<8x128xf32, #tpu.memory_space<hbm>>
        %dma_wait3A_1028 = arith.constant 32 : i32
        %dma_wait3A_1029 = arith.constant 0 : i32
        %dma_wait3A_1030 = tpu.memref_slice %arg10[%dma_wait3A_1028, %dma_wait3A_1029] : memref<64x128xf32, #tpu.memory_space<vmem>> -> memref<8x128xf32, #tpu.memory_space<vmem>>
        tpu.wait_dma2 semaphore(%arg16 : memref<!tpu.dma_semaphore, #tpu.memory_space<semaphore_mem>>) src(%dma_wait3A_1030 : memref<8x128xf32, #tpu.memory_space<vmem>>) dst(%dma_wait3A_1027 : memref<8x128xf32, #tpu.memory_space<hbm>>)
        %dma_wait3A_1031 = arith.constant 0 : i32
        %dma_wait3A_1032 = arith.constant 5 : i32
        %dma_wait3A_1033 = arith.constant 0 : i32
        %dma_wait3A_1034 = arith.constant 40 : i32
        %dma_wait3A_1035 = arith.constant 0 : i32
        %dma_wait3A_1036 = tpu.memref_slice %arg10[%dma_wait3A_1034, %dma_wait3A_1035] : memref<64x128xf32, #tpu.memory_space<vmem>> -> memref<8x128xf32, #tpu.memory_space<vmem>>
        %dma_wait3A_1037 = arith.constant 0 : i32
        %dma_wait3A_1038 = arith.constant 0 : i32
        %dma_wait3A_1039 = tpu.memref_slice %arg4[%dma_wait3A_1031, %dma_wait3A_1032, %dma_wait3A_1033, %dma_wait3A_1037, %dma_wait3A_1038] : memref<200x8x128x8x128xf32, #tpu.memory_space<hbm>> -> memref<1x1x1x8x128xf32, #tpu.memory_space<hbm>>
        %dma_wait3A_1040 = tpu.memref_squeeze %dma_wait3A_1039 : memref<1x1x1x8x128xf32, #tpu.memory_space<hbm>> -> memref<8x128xf32, #tpu.memory_space<hbm>>
        %dma_wait3A_1041 = arith.constant 0 : i32
        %dma_wait3A_1042 = arith.constant 0 : i32
        %dma_wait3A_1043 = tpu.memref_slice %arg4[%dma_wait3A_1031, %dma_wait3A_1032, %dma_wait3A_1033, %dma_wait3A_1041, %dma_wait3A_1042] : memref<200x8x128x8x128xf32, #tpu.memory_space<hbm>> -> memref<1x1x1x8x128xf32, #tpu.memory_space<hbm>>
        %dma_wait3A_1044 = tpu.memref_squeeze %dma_wait3A_1043 : memref<1x1x1x8x128xf32, #tpu.memory_space<hbm>> -> memref<8x128xf32, #tpu.memory_space<hbm>>
        %dma_wait3A_1045 = arith.constant 40 : i32
        %dma_wait3A_1046 = arith.constant 0 : i32
        %dma_wait3A_1047 = tpu.memref_slice %arg10[%dma_wait3A_1045, %dma_wait3A_1046] : memref<64x128xf32, #tpu.memory_space<vmem>> -> memref<8x128xf32, #tpu.memory_space<vmem>>
        tpu.wait_dma2 semaphore(%arg16 : memref<!tpu.dma_semaphore, #tpu.memory_space<semaphore_mem>>) src(%dma_wait3A_1047 : memref<8x128xf32, #tpu.memory_space<vmem>>) dst(%dma_wait3A_1044 : memref<8x128xf32, #tpu.memory_space<hbm>>)
        %dma_wait3A_1048 = arith.constant 0 : i32
        %dma_wait3A_1049 = arith.constant 6 : i32
        %dma_wait3A_1050 = arith.constant 0 : i32
        %dma_wait3A_1051 = arith.constant 48 : i32
        %dma_wait3A_1052 = arith.constant 0 : i32
        %dma_wait3A_1053 = tpu.memref_slice %arg10[%dma_wait3A_1051, %dma_wait3A_1052] : memref<64x128xf32, #tpu.memory_space<vmem>> -> memref<8x128xf32, #tpu.memory_space<vmem>>
        %dma_wait3A_1054 = arith.constant 0 : i32
        %dma_wait3A_1055 = arith.constant 0 : i32
        %dma_wait3A_1056 = tpu.memref_slice %arg4[%dma_wait3A_1048, %dma_wait3A_1049, %dma_wait3A_1050, %dma_wait3A_1054, %dma_wait3A_1055] : memref<200x8x128x8x128xf32, #tpu.memory_space<hbm>> -> memref<1x1x1x8x128xf32, #tpu.memory_space<hbm>>
        %dma_wait3A_1057 = tpu.memref_squeeze %dma_wait3A_1056 : memref<1x1x1x8x128xf32, #tpu.memory_space<hbm>> -> memref<8x128xf32, #tpu.memory_space<hbm>>
        %dma_wait3A_1058 = arith.constant 0 : i32
        %dma_wait3A_1059 = arith.constant 0 : i32
        %dma_wait3A_1060 = tpu.memref_slice %arg4[%dma_wait3A_1048, %dma_wait3A_1049, %dma_wait3A_1050, %dma_wait3A_1058, %dma_wait3A_1059] : memref<200x8x128x8x128xf32, #tpu.memory_space<hbm>> -> memref<1x1x1x8x128xf32, #tpu.memory_space<hbm>>
        %dma_wait3A_1061 = tpu.memref_squeeze %dma_wait3A_1060 : memref<1x1x1x8x128xf32, #tpu.memory_space<hbm>> -> memref<8x128xf32, #tpu.memory_space<hbm>>
        %dma_wait3A_1062 = arith.constant 48 : i32
        %dma_wait3A_1063 = arith.constant 0 : i32
        %dma_wait3A_1064 = tpu.memref_slice %arg10[%dma_wait3A_1062, %dma_wait3A_1063] : memref<64x128xf32, #tpu.memory_space<vmem>> -> memref<8x128xf32, #tpu.memory_space<vmem>>
        tpu.wait_dma2 semaphore(%arg16 : memref<!tpu.dma_semaphore, #tpu.memory_space<semaphore_mem>>) src(%dma_wait3A_1064 : memref<8x128xf32, #tpu.memory_space<vmem>>) dst(%dma_wait3A_1061 : memref<8x128xf32, #tpu.memory_space<hbm>>)
        %dma_wait3A_1065 = arith.constant 0 : i32
        %dma_wait3A_1066 = arith.constant 7 : i32
        %dma_wait3A_1067 = arith.constant 0 : i32
        %dma_wait3A_1068 = arith.constant 56 : i32
        %dma_wait3A_1069 = arith.constant 0 : i32
        %dma_wait3A_1070 = tpu.memref_slice %arg10[%dma_wait3A_1068, %dma_wait3A_1069] : memref<64x128xf32, #tpu.memory_space<vmem>> -> memref<8x128xf32, #tpu.memory_space<vmem>>
        %dma_wait3A_1071 = arith.constant 0 : i32
        %dma_wait3A_1072 = arith.constant 0 : i32
        %dma_wait3A_1073 = tpu.memref_slice %arg4[%dma_wait3A_1065, %dma_wait3A_1066, %dma_wait3A_1067, %dma_wait3A_1071, %dma_wait3A_1072] : memref<200x8x128x8x128xf32, #tpu.memory_space<hbm>> -> memref<1x1x1x8x128xf32, #tpu.memory_space<hbm>>
        %dma_wait3A_1074 = tpu.memref_squeeze %dma_wait3A_1073 : memref<1x1x1x8x128xf32, #tpu.memory_space<hbm>> -> memref<8x128xf32, #tpu.memory_space<hbm>>
        %dma_wait3A_1075 = arith.constant 0 : i32
        %dma_wait3A_1076 = arith.constant 0 : i32
        %dma_wait3A_1077 = tpu.memref_slice %arg4[%dma_wait3A_1065, %dma_wait3A_1066, %dma_wait3A_1067, %dma_wait3A_1075, %dma_wait3A_1076] : memref<200x8x128x8x128xf32, #tpu.memory_space<hbm>> -> memref<1x1x1x8x128xf32, #tpu.memory_space<hbm>>
        %dma_wait3A_1078 = tpu.memref_squeeze %dma_wait3A_1077 : memref<1x1x1x8x128xf32, #tpu.memory_space<hbm>> -> memref<8x128xf32, #tpu.memory_space<hbm>>
        %dma_wait3A_1079 = arith.constant 56 : i32
        %dma_wait3A_1080 = arith.constant 0 : i32
        %dma_wait3A_1081 = tpu.memref_slice %arg10[%dma_wait3A_1079, %dma_wait3A_1080] : memref<64x128xf32, #tpu.memory_space<vmem>> -> memref<8x128xf32, #tpu.memory_space<vmem>>
        tpu.wait_dma2 semaphore(%arg16 : memref<!tpu.dma_semaphore, #tpu.memory_space<semaphore_mem>>) src(%dma_wait3A_1081 : memref<8x128xf32, #tpu.memory_space<vmem>>) dst(%dma_wait3A_1078 : memref<8x128xf32, #tpu.memory_space<hbm>>)
      } else {
      }
      %scan3A_739 = arith.constant 0 : i32
      %scan3A_740 = arith.constant 0 : i32
      %scan3A_741 = arith.constant 16 : i32
      %scan3A_742 = arith.addi %scan3A_740, %scan3A_741 : i32
      %scan3A_743 = arith.constant 1 : i32
      scf.for %scan3A_946 = %scan3A_740 to %scan3A_742 step %scan3A_743  : i32 {
        %add3A_947 = vector.broadcast %scan3A_946 : i32 to vector<16xi32>
        %add3A_948 = arith.addi %iota3A, %add3A_947 : vector<16xi32>
        %rem3A_949 = arith.constant 16 : i32
        %rem3A_950 = vector.broadcast %rem3A_949 : i32 to vector<16xi32>
        %rem3A_951 = arith.remsi %add3A_948, %rem3A_950 : vector<16xi32>
        %add3A_952 = arith.constant 0 : i32
        %add3A_953 = vector.broadcast %add3A_952 : i32 to vector<16xi32>
        %add3A_954 = arith.addi %rem3A_951, %add3A_953 : vector<16xi32>
        %gather3A = tpu.vector_load_idx %arg8[%add3A_5, %add3A_954] : memref<128x64xf32, #tpu.memory_space<vmem>>[vector<16xi32>, vector<16xi32>], vector<16xf32>,
        tpu.vector_store_idx %arg10[%add3A_954, %add3A_5], %gather3A : memref<64x128xf32, #tpu.memory_space<vmem>>[vector<16xi32>, vector<16xi32>], vector<16xf32>,
        %gather3A_955 = tpu.vector_load_idx %arg8[%add3A_8, %add3A_954] : memref<128x64xf32, #tpu.memory_space<vmem>>[vector<16xi32>, vector<16xi32>], vector<16xf32>,
        tpu.vector_store_idx %arg10[%add3A_954, %add3A_8], %gather3A_955 : memref<64x128xf32, #tpu.memory_space<vmem>>[vector<16xi32>, vector<16xi32>], vector<16xf32>,
        %gather3A_956 = tpu.vector_load_idx %arg8[%add3A_11, %add3A_954] : memref<128x64xf32, #tpu.memory_space<vmem>>[vector<16xi32>, vector<16xi32>], vector<16xf32>,
        tpu.vector_store_idx %arg10[%add3A_954, %add3A_11], %gather3A_956 : memref<64x128xf32, #tpu.memory_space<vmem>>[vector<16xi32>, vector<16xi32>], vector<16xf32>,
        %gather3A_957 = tpu.vector_load_idx %arg8[%add3A_14, %add3A_954] : memref<128x64xf32, #tpu.memory_space<vmem>>[vector<16xi32>, vector<16xi32>], vector<16xf32>,
        tpu.vector_store_idx %arg10[%add3A_954, %add3A_14], %gather3A_957 : memref<64x128xf32, #tpu.memory_space<vmem>>[vector<16xi32>, vector<16xi32>], vector<16xf32>,
        %gather3A_958 = tpu.vector_load_idx %arg8[%add3A_17, %add3A_954] : memref<128x64xf32, #tpu.memory_space<vmem>>[vector<16xi32>, vector<16xi32>], vector<16xf32>,
        tpu.vector_store_idx %arg10[%add3A_954, %add3A_17], %gather3A_958 : memref<64x128xf32, #tpu.memory_space<vmem>>[vector<16xi32>, vector<16xi32>], vector<16xf32>,
        %gather3A_959 = tpu.vector_load_idx %arg8[%add3A_20, %add3A_954] : memref<128x64xf32, #tpu.memory_space<vmem>>[vector<16xi32>, vector<16xi32>], vector<16xf32>,
        tpu.vector_store_idx %arg10[%add3A_954, %add3A_20], %gather3A_959 : memref<64x128xf32, #tpu.memory_space<vmem>>[vector<16xi32>, vector<16xi32>], vector<16xf32>,
        %gather3A_960 = tpu.vector_load_idx %arg8[%add3A_23, %add3A_954] : memref<128x64xf32, #tpu.memory_space<vmem>>[vector<16xi32>, vector<16xi32>], vector<16xf32>,
        tpu.vector_store_idx %arg10[%add3A_954, %add3A_23], %gather3A_960 : memref<64x128xf32, #tpu.memory_space<vmem>>[vector<16xi32>, vector<16xi32>], vector<16xf32>,
        %gather3A_961 = tpu.vector_load_idx %arg8[%add3A_26, %add3A_954] : memref<128x64xf32, #tpu.memory_space<vmem>>[vector<16xi32>, vector<16xi32>], vector<16xf32>,
        tpu.vector_store_idx %arg10[%add3A_954, %add3A_26], %gather3A_961 : memref<64x128xf32, #tpu.memory_space<vmem>>[vector<16xi32>, vector<16xi32>], vector<16xf32>,
        %add3A_962 = arith.constant 16 : i32
        %add3A_963 = vector.broadcast %add3A_962 : i32 to vector<16xi32>
        %add3A_964 = arith.addi %rem3A_951, %add3A_963 : vector<16xi32>
        %gather3A_965 = tpu.vector_load_idx %arg8[%add3A_5, %add3A_964] : memref<128x64xf32, #tpu.memory_space<vmem>>[vector<16xi32>, vector<16xi32>], vector<16xf32>,
        tpu.vector_store_idx %arg10[%add3A_964, %add3A_5], %gather3A_965 : memref<64x128xf32, #tpu.memory_space<vmem>>[vector<16xi32>, vector<16xi32>], vector<16xf32>,
        %gather3A_966 = tpu.vector_load_idx %arg8[%add3A_8, %add3A_964] : memref<128x64xf32, #tpu.memory_space<vmem>>[vector<16xi32>, vector<16xi32>], vector<16xf32>,
        tpu.vector_store_idx %arg10[%add3A_964, %add3A_8], %gather3A_966 : memref<64x128xf32, #tpu.memory_space<vmem>>[vector<16xi32>, vector<16xi32>], vector<16xf32>,
        %gather3A_967 = tpu.vector_load_idx %arg8[%add3A_11, %add3A_964] : memref<128x64xf32, #tpu.memory_space<vmem>>[vector<16xi32>, vector<16xi32>], vector<16xf32>,
        tpu.vector_store_idx %arg10[%add3A_964, %add3A_11], %gather3A_967 : memref<64x128xf32, #tpu.memory_space<vmem>>[vector<16xi32>, vector<16xi32>], vector<16xf32>,
        %gather3A_968 = tpu.vector_load_idx %arg8[%add3A_14, %add3A_964] : memref<128x64xf32, #tpu.memory_space<vmem>>[vector<16xi32>, vector<16xi32>], vector<16xf32>,
        tpu.vector_store_idx %arg10[%add3A_964, %add3A_14], %gather3A_968 : memref<64x128xf32, #tpu.memory_space<vmem>>[vector<16xi32>, vector<16xi32>], vector<16xf32>,
        %gather3A_969 = tpu.vector_load_idx %arg8[%add3A_17, %add3A_964] : memref<128x64xf32, #tpu.memory_space<vmem>>[vector<16xi32>, vector<16xi32>], vector<16xf32>,
        tpu.vector_store_idx %arg10[%add3A_964, %add3A_17], %gather3A_969 : memref<64x128xf32, #tpu.memory_space<vmem>>[vector<16xi32>, vector<16xi32>], vector<16xf32>,
        %gather3A_970 = tpu.vector_load_idx %arg8[%add3A_20, %add3A_964] : memref<128x64xf32, #tpu.memory_space<vmem>>[vector<16xi32>, vector<16xi32>], vector<16xf32>,
        tpu.vector_store_idx %arg10[%add3A_964, %add3A_20], %gather3A_970 : memref<64x128xf32, #tpu.memory_space<vmem>>[vector<16xi32>, vector<16xi32>], vector<16xf32>,
        %gather3A_971 = tpu.vector_load_idx %arg8[%add3A_23, %add3A_964] : memref<128x64xf32, #tpu.memory_space<vmem>>[vector<16xi32>, vector<16xi32>], vector<16xf32>,
        tpu.vector_store_idx %arg10[%add3A_964, %add3A_23], %gather3A_971 : memref<64x128xf32, #tpu.memory_space<vmem>>[vector<16xi32>, vector<16xi32>], vector<16xf32>,
        %gather3A_972 = tpu.vector_load_idx %arg8[%add3A_26, %add3A_964] : memref<128x64xf32, #tpu.memory_space<vmem>>[vector<16xi32>, vector<16xi32>], vector<16xf32>,
        tpu.vector_store_idx %arg10[%add3A_964, %add3A_26], %gather3A_972 : memref<64x128xf32, #tpu.memory_space<vmem>>[vector<16xi32>, vector<16xi32>], vector<16xf32>,
        %add3A_973 = arith.constant 32 : i32
        %add3A_974 = vector.broadcast %add3A_973 : i32 to vector<16xi32>
        %add3A_975 = arith.addi %rem3A_951, %add3A_974 : vector<16xi32>
        %gather3A_976 = tpu.vector_load_idx %arg8[%add3A_5, %add3A_975] : memref<128x64xf32, #tpu.memory_space<vmem>>[vector<16xi32>, vector<16xi32>], vector<16xf32>,
        tpu.vector_store_idx %arg10[%add3A_975, %add3A_5], %gather3A_976 : memref<64x128xf32, #tpu.memory_space<vmem>>[vector<16xi32>, vector<16xi32>], vector<16xf32>,
        %gather3A_977 = tpu.vector_load_idx %arg8[%add3A_8, %add3A_975] : memref<128x64xf32, #tpu.memory_space<vmem>>[vector<16xi32>, vector<16xi32>], vector<16xf32>,
        tpu.vector_store_idx %arg10[%add3A_975, %add3A_8], %gather3A_977 : memref<64x128xf32, #tpu.memory_space<vmem>>[vector<16xi32>, vector<16xi32>], vector<16xf32>,
        %gather3A_978 = tpu.vector_load_idx %arg8[%add3A_11, %add3A_975] : memref<128x64xf32, #tpu.memory_space<vmem>>[vector<16xi32>, vector<16xi32>], vector<16xf32>,
        tpu.vector_store_idx %arg10[%add3A_975, %add3A_11], %gather3A_978 : memref<64x128xf32, #tpu.memory_space<vmem>>[vector<16xi32>, vector<16xi32>], vector<16xf32>,
        %gather3A_979 = tpu.vector_load_idx %arg8[%add3A_14, %add3A_975] : memref<128x64xf32, #tpu.memory_space<vmem>>[vector<16xi32>, vector<16xi32>], vector<16xf32>,
        tpu.vector_store_idx %arg10[%add3A_975, %add3A_14], %gather3A_979 : memref<64x128xf32, #tpu.memory_space<vmem>>[vector<16xi32>, vector<16xi32>], vector<16xf32>,
        %gather3A_980 = tpu.vector_load_idx %arg8[%add3A_17, %add3A_975] : memref<128x64xf32, #tpu.memory_space<vmem>>[vector<16xi32>, vector<16xi32>], vector<16xf32>,
        tpu.vector_store_idx %arg10[%add3A_975, %add3A_17], %gather3A_980 : memref<64x128xf32, #tpu.memory_space<vmem>>[vector<16xi32>, vector<16xi32>], vector<16xf32>,
        %gather3A_981 = tpu.vector_load_idx %arg8[%add3A_20, %add3A_975] : memref<128x64xf32, #tpu.memory_space<vmem>>[vector<16xi32>, vector<16xi32>], vector<16xf32>,
        tpu.vector_store_idx %arg10[%add3A_975, %add3A_20], %gather3A_981 : memref<64x128xf32, #tpu.memory_space<vmem>>[vector<16xi32>, vector<16xi32>], vector<16xf32>,
        %gather3A_982 = tpu.vector_load_idx %arg8[%add3A_23, %add3A_975] : memref<128x64xf32, #tpu.memory_space<vmem>>[vector<16xi32>, vector<16xi32>], vector<16xf32>,
        tpu.vector_store_idx %arg10[%add3A_975, %add3A_23], %gather3A_982 : memref<64x128xf32, #tpu.memory_space<vmem>>[vector<16xi32>, vector<16xi32>], vector<16xf32>,
        %gather3A_983 = tpu.vector_load_idx %arg8[%add3A_26, %add3A_975] : memref<128x64xf32, #tpu.memory_space<vmem>>[vector<16xi32>, vector<16xi32>], vector<16xf32>,
        tpu.vector_store_idx %arg10[%add3A_975, %add3A_26], %gather3A_983 : memref<64x128xf32, #tpu.memory_space<vmem>>[vector<16xi32>, vector<16xi32>], vector<16xf32>,
        %add3A_984 = arith.constant 48 : i32
        %add3A_985 = vector.broadcast %add3A_984 : i32 to vector<16xi32>
        %add3A_986 = arith.addi %rem3A_951, %add3A_985 : vector<16xi32>
        %gather3A_987 = tpu.vector_load_idx %arg8[%add3A_5, %add3A_986] : memref<128x64xf32, #tpu.memory_space<vmem>>[vector<16xi32>, vector<16xi32>], vector<16xf32>,
        tpu.vector_store_idx %arg10[%add3A_986, %add3A_5], %gather3A_987 : memref<64x128xf32, #tpu.memory_space<vmem>>[vector<16xi32>, vector<16xi32>], vector<16xf32>,
        %gather3A_988 = tpu.vector_load_idx %arg8[%add3A_8, %add3A_986] : memref<128x64xf32, #tpu.memory_space<vmem>>[vector<16xi32>, vector<16xi32>], vector<16xf32>,
        tpu.vector_store_idx %arg10[%add3A_986, %add3A_8], %gather3A_988 : memref<64x128xf32, #tpu.memory_space<vmem>>[vector<16xi32>, vector<16xi32>], vector<16xf32>,
        %gather3A_989 = tpu.vector_load_idx %arg8[%add3A_11, %add3A_986] : memref<128x64xf32, #tpu.memory_space<vmem>>[vector<16xi32>, vector<16xi32>], vector<16xf32>,
        tpu.vector_store_idx %arg10[%add3A_986, %add3A_11], %gather3A_989 : memref<64x128xf32, #tpu.memory_space<vmem>>[vector<16xi32>, vector<16xi32>], vector<16xf32>,
        %gather3A_990 = tpu.vector_load_idx %arg8[%add3A_14, %add3A_986] : memref<128x64xf32, #tpu.memory_space<vmem>>[vector<16xi32>, vector<16xi32>], vector<16xf32>,
        tpu.vector_store_idx %arg10[%add3A_986, %add3A_14], %gather3A_990 : memref<64x128xf32, #tpu.memory_space<vmem>>[vector<16xi32>, vector<16xi32>], vector<16xf32>,
        %gather3A_991 = tpu.vector_load_idx %arg8[%add3A_17, %add3A_986] : memref<128x64xf32, #tpu.memory_space<vmem>>[vector<16xi32>, vector<16xi32>], vector<16xf32>,
        tpu.vector_store_idx %arg10[%add3A_986, %add3A_17], %gather3A_991 : memref<64x128xf32, #tpu.memory_space<vmem>>[vector<16xi32>, vector<16xi32>], vector<16xf32>,
        %gather3A_992 = tpu.vector_load_idx %arg8[%add3A_20, %add3A_986] : memref<128x64xf32, #tpu.memory_space<vmem>>[vector<16xi32>, vector<16xi32>], vector<16xf32>,
        tpu.vector_store_idx %arg10[%add3A_986, %add3A_20], %gather3A_992 : memref<64x128xf32, #tpu.memory_space<vmem>>[vector<16xi32>, vector<16xi32>], vector<16xf32>,
        %gather3A_993 = tpu.vector_load_idx %arg8[%add3A_23, %add3A_986] : memref<128x64xf32, #tpu.memory_space<vmem>>[vector<16xi32>, vector<16xi32>], vector<16xf32>,
        tpu.vector_store_idx %arg10[%add3A_986, %add3A_23], %gather3A_993 : memref<64x128xf32, #tpu.memory_space<vmem>>[vector<16xi32>, vector<16xi32>], vector<16xf32>,
        %gather3A_994 = tpu.vector_load_idx %arg8[%add3A_26, %add3A_986] : memref<128x64xf32, #tpu.memory_space<vmem>>[vector<16xi32>, vector<16xi32>], vector<16xf32>,
        tpu.vector_store_idx %arg10[%add3A_986, %add3A_26], %gather3A_994 : memref<64x128xf32, #tpu.memory_space<vmem>>[vector<16xi32>, vector<16xi32>], vector<16xf32>,
      }
      %scan3A_744 = arith.constant 16 : i32
      %add3A_745 = arith.addi %mul3A_2, %add3A_713 : i32
      %jit3A_746 = arith.constant 128 : i32
      %div3A_747 = arith.divsi %add3A_745, %jit3A_746 : i32
      %sign3A_748 = arith.constant 0 : i32
      %sign3A_749 = arith.cmpi sgt, %add3A_745, %sign3A_748 : i32
      %sign3A_750 = arith.extui %sign3A_749 : i1 to i32
      %sign3A_751 = arith.constant 0 : i32
      %sign3A_752 = arith.cmpi slt, %add3A_745, %sign3A_751 : i32
      %sign3A_753 = arith.extui %sign3A_752 : i1 to i32
      %sign3A_754 = arith.subi %sign3A_750, %sign3A_753 : i32
      %sign3A_755 = arith.constant 0 : i32
      %sign3A_756 = arith.cmpi sgt, %jit3A_746, %sign3A_755 : i32
      %sign3A_757 = arith.extui %sign3A_756 : i1 to i32
      %sign3A_758 = arith.constant 0 : i32
      %sign3A_759 = arith.cmpi slt, %jit3A_746, %sign3A_758 : i32
      %sign3A_760 = arith.extui %sign3A_759 : i1 to i32
      %sign3A_761 = arith.subi %sign3A_757, %sign3A_760 : i32
      %ne3A_762 = arith.cmpi ne, %sign3A_754, %sign3A_761 : i32
      %rem3A_763 = arith.remsi %add3A_745, %jit3A_746 : i32
      %ne3A_764 = arith.constant 0 : i32
      %ne3A_765 = arith.cmpi ne, %rem3A_763, %ne3A_764 : i32
      %and3A_766 = arith.andi %ne3A_762, %ne3A_765 : i1
      %sub3A_767 = arith.constant 1 : i32
      %sub3A_768 = arith.subi %div3A_747, %sub3A_767 : i32
      %select_n3A_769 = arith.select %and3A_766, %sub3A_768, %div3A_747 : i32
      %jit3A_770 = arith.constant 128 : i32
      %eq3A_771 = arith.constant 0 : i32
      %eq3A_772 = arith.cmpi eq, %jit3A_770, %eq3A_771 : i32
      %jit3A_773 = arith.constant 1 : i32
      %select_n3A_774 = arith.select %eq3A_772, %jit3A_773, %jit3A_770 : i32
      %rem3A_775 = arith.remsi %add3A_745, %select_n3A_774 : i32
      %ne3A_776 = arith.constant 0 : i32
      %ne3A_777 = arith.cmpi ne, %rem3A_775, %ne3A_776 : i32
      %lt3A_778 = arith.constant 0 : i32
      %lt3A_779 = arith.cmpi slt, %rem3A_775, %lt3A_778 : i32
      %lt3A_780 = arith.constant 0 : i32
      %lt3A_781 = arith.cmpi slt, %select_n3A_774, %lt3A_780 : i32
      %ne3A_782 = arith.xori %lt3A_779, %lt3A_781 : i1
      %and3A_783 = arith.andi %ne3A_782, %ne3A_777 : i1
      %add3A_784 = arith.addi %rem3A_775, %select_n3A_774 : i32
      %select_n3A_785 = arith.select %and3A_783, %add3A_784, %rem3A_775 : i32
      %jit3A_786 = arith.constant 8 : i32
      %div3A_787 = arith.divsi %select_n3A_769, %jit3A_786 : i32
      %sign3A_788 = arith.constant 0 : i32
      %sign3A_789 = arith.cmpi sgt, %select_n3A_769, %sign3A_788 : i32
      %sign3A_790 = arith.extui %sign3A_789 : i1 to i32
      %sign3A_791 = arith.constant 0 : i32
      %sign3A_792 = arith.cmpi slt, %select_n3A_769, %sign3A_791 : i32
      %sign3A_793 = arith.extui %sign3A_792 : i1 to i32
      %sign3A_794 = arith.subi %sign3A_790, %sign3A_793 : i32
      %sign3A_795 = arith.constant 0 : i32
      %sign3A_796 = arith.cmpi sgt, %jit3A_786, %sign3A_795 : i32
      %sign3A_797 = arith.extui %sign3A_796 : i1 to i32
      %sign3A_798 = arith.constant 0 : i32
      %sign3A_799 = arith.cmpi slt, %jit3A_786, %sign3A_798 : i32
      %sign3A_800 = arith.extui %sign3A_799 : i1 to i32
      %sign3A_801 = arith.subi %sign3A_797, %sign3A_800 : i32
      %ne3A_802 = arith.cmpi ne, %sign3A_794, %sign3A_801 : i32
      %rem3A_803 = arith.remsi %select_n3A_769, %jit3A_786 : i32
      %ne3A_804 = arith.constant 0 : i32
      %ne3A_805 = arith.cmpi ne, %rem3A_803, %ne3A_804 : i32
      %and3A_806 = arith.andi %ne3A_802, %ne3A_805 : i1
      %sub3A_807 = arith.constant 1 : i32
      %sub3A_808 = arith.subi %div3A_787, %sub3A_807 : i32
      %select_n3A_809 = arith.select %and3A_806, %sub3A_808, %div3A_787 : i32
      %jit3A_810 = arith.constant 8 : i32
      %eq3A_811 = arith.constant 0 : i32
      %eq3A_812 = arith.cmpi eq, %jit3A_810, %eq3A_811 : i32
      %jit3A_813 = arith.constant 1 : i32
      %select_n3A_814 = arith.select %eq3A_812, %jit3A_813, %jit3A_810 : i32
      %rem3A_815 = arith.remsi %select_n3A_769, %select_n3A_814 : i32
      %ne3A_816 = arith.constant 0 : i32
      %ne3A_817 = arith.cmpi ne, %rem3A_815, %ne3A_816 : i32
      %lt3A_818 = arith.constant 0 : i32
      %lt3A_819 = arith.cmpi slt, %rem3A_815, %lt3A_818 : i32
      %lt3A_820 = arith.constant 0 : i32
      %lt3A_821 = arith.cmpi slt, %select_n3A_814, %lt3A_820 : i32
      %ne3A_822 = arith.xori %lt3A_819, %lt3A_821 : i1
      %and3A_823 = arith.andi %ne3A_822, %ne3A_817 : i1
      %add3A_824 = arith.addi %rem3A_815, %select_n3A_814 : i32
      %select_n3A_825 = arith.select %and3A_823, %add3A_824, %rem3A_815 : i32
      %dma_start3A_826 = arith.constant 0 : i32
      %dma_start3A_827 = arith.constant 0 : i32
      %dma_start3A_828 = arith.constant 0 : i32
      %dma_start3A_829 = tpu.memref_slice %arg10[%dma_start3A_827, %dma_start3A_828] : memref<64x128xf32, #tpu.memory_space<vmem>> -> memref<8x128xf32, #tpu.memory_space<vmem>>
      %dma_start3A_830 = arith.constant 0 : i32
      %dma_start3A_831 = arith.constant 0 : i32
      %dma_start3A_832 = tpu.memref_slice %arg4[%select_n3A_769, %dma_start3A_826, %select_n3A_785, %dma_start3A_830, %dma_start3A_831] : memref<200x8x128x8x128xf32, #tpu.memory_space<hbm>> -> memref<1x1x1x8x128xf32, #tpu.memory_space<hbm>>
      %dma_start3A_833 = tpu.memref_squeeze %dma_start3A_832 : memref<1x1x1x8x128xf32, #tpu.memory_space<hbm>> -> memref<8x128xf32, #tpu.memory_space<hbm>>
      %dma_start3A_834 = arith.constant 0 : i32
      %dma_start3A_835 = arith.constant 0 : i32
      %dma_start3A_836 = tpu.memref_slice %arg4[%select_n3A_769, %dma_start3A_826, %select_n3A_785, %dma_start3A_834, %dma_start3A_835] : memref<200x8x128x8x128xf32, #tpu.memory_space<hbm>> -> memref<1x1x1x8x128xf32, #tpu.memory_space<hbm>>
      %dma_start3A_837 = tpu.memref_squeeze %dma_start3A_836 : memref<1x1x1x8x128xf32, #tpu.memory_space<hbm>> -> memref<8x128xf32, #tpu.memory_space<hbm>>
      %dma_start3A_838 = arith.constant 0 : i32
      %dma_start3A_839 = arith.constant 0 : i32
      %dma_start3A_840 = tpu.memref_slice %arg10[%dma_start3A_838, %dma_start3A_839] : memref<64x128xf32, #tpu.memory_space<vmem>> -> memref<8x128xf32, #tpu.memory_space<vmem>>
      tpu.enqueue_dma source(%dma_start3A_840 : memref<8x128xf32, #tpu.memory_space<vmem>>) target(%dma_start3A_837 : memref<8x128xf32, #tpu.memory_space<hbm>>) target_semaphore(%arg16 : memref<!tpu.dma_semaphore, #tpu.memory_space<semaphore_mem>>)
      %dma_start3A_841 = arith.constant 1 : i32
      %dma_start3A_842 = arith.constant 8 : i32
      %dma_start3A_843 = arith.constant 0 : i32
      %dma_start3A_844 = tpu.memref_slice %arg10[%dma_start3A_842, %dma_start3A_843] : memref<64x128xf32, #tpu.memory_space<vmem>> -> memref<8x128xf32, #tpu.memory_space<vmem>>
      %dma_start3A_845 = arith.constant 0 : i32
      %dma_start3A_846 = arith.constant 0 : i32
      %dma_start3A_847 = tpu.memref_slice %arg4[%select_n3A_769, %dma_start3A_841, %select_n3A_785, %dma_start3A_845, %dma_start3A_846] : memref<200x8x128x8x128xf32, #tpu.memory_space<hbm>> -> memref<1x1x1x8x128xf32, #tpu.memory_space<hbm>>
      %dma_start3A_848 = tpu.memref_squeeze %dma_start3A_847 : memref<1x1x1x8x128xf32, #tpu.memory_space<hbm>> -> memref<8x128xf32, #tpu.memory_space<hbm>>
      %dma_start3A_849 = arith.constant 0 : i32
      %dma_start3A_850 = arith.constant 0 : i32
      %dma_start3A_851 = tpu.memref_slice %arg4[%select_n3A_769, %dma_start3A_841, %select_n3A_785, %dma_start3A_849, %dma_start3A_850] : memref<200x8x128x8x128xf32, #tpu.memory_space<hbm>> -> memref<1x1x1x8x128xf32, #tpu.memory_space<hbm>>
      %dma_start3A_852 = tpu.memref_squeeze %dma_start3A_851 : memref<1x1x1x8x128xf32, #tpu.memory_space<hbm>> -> memref<8x128xf32, #tpu.memory_space<hbm>>
      %dma_start3A_853 = arith.constant 8 : i32
      %dma_start3A_854 = arith.constant 0 : i32
      %dma_start3A_855 = tpu.memref_slice %arg10[%dma_start3A_853, %dma_start3A_854] : memref<64x128xf32, #tpu.memory_space<vmem>> -> memref<8x128xf32, #tpu.memory_space<vmem>>
      tpu.enqueue_dma source(%dma_start3A_855 : memref<8x128xf32, #tpu.memory_space<vmem>>) target(%dma_start3A_852 : memref<8x128xf32, #tpu.memory_space<hbm>>) target_semaphore(%arg16 : memref<!tpu.dma_semaphore, #tpu.memory_space<semaphore_mem>>)
      %dma_start3A_856 = arith.constant 2 : i32
      %dma_start3A_857 = arith.constant 16 : i32
      %dma_start3A_858 = arith.constant 0 : i32
      %dma_start3A_859 = tpu.memref_slice %arg10[%dma_start3A_857, %dma_start3A_858] : memref<64x128xf32, #tpu.memory_space<vmem>> -> memref<8x128xf32, #tpu.memory_space<vmem>>
      %dma_start3A_860 = arith.constant 0 : i32
      %dma_start3A_861 = arith.constant 0 : i32
      %dma_start3A_862 = tpu.memref_slice %arg4[%select_n3A_769, %dma_start3A_856, %select_n3A_785, %dma_start3A_860, %dma_start3A_861] : memref<200x8x128x8x128xf32, #tpu.memory_space<hbm>> -> memref<1x1x1x8x128xf32, #tpu.memory_space<hbm>>
      %dma_start3A_863 = tpu.memref_squeeze %dma_start3A_862 : memref<1x1x1x8x128xf32, #tpu.memory_space<hbm>> -> memref<8x128xf32, #tpu.memory_space<hbm>>
      %dma_start3A_864 = arith.constant 0 : i32
      %dma_start3A_865 = arith.constant 0 : i32
      %dma_start3A_866 = tpu.memref_slice %arg4[%select_n3A_769, %dma_start3A_856, %select_n3A_785, %dma_start3A_864, %dma_start3A_865] : memref<200x8x128x8x128xf32, #tpu.memory_space<hbm>> -> memref<1x1x1x8x128xf32, #tpu.memory_space<hbm>>
      %dma_start3A_867 = tpu.memref_squeeze %dma_start3A_866 : memref<1x1x1x8x128xf32, #tpu.memory_space<hbm>> -> memref<8x128xf32, #tpu.memory_space<hbm>>
      %dma_start3A_868 = arith.constant 16 : i32
      %dma_start3A_869 = arith.constant 0 : i32
      %dma_start3A_870 = tpu.memref_slice %arg10[%dma_start3A_868, %dma_start3A_869] : memref<64x128xf32, #tpu.memory_space<vmem>> -> memref<8x128xf32, #tpu.memory_space<vmem>>
      tpu.enqueue_dma source(%dma_start3A_870 : memref<8x128xf32, #tpu.memory_space<vmem>>) target(%dma_start3A_867 : memref<8x128xf32, #tpu.memory_space<hbm>>) target_semaphore(%arg16 : memref<!tpu.dma_semaphore, #tpu.memory_space<semaphore_mem>>)
      %dma_start3A_871 = arith.constant 3 : i32
      %dma_start3A_872 = arith.constant 24 : i32
      %dma_start3A_873 = arith.constant 0 : i32
      %dma_start3A_874 = tpu.memref_slice %arg10[%dma_start3A_872, %dma_start3A_873] : memref<64x128xf32, #tpu.memory_space<vmem>> -> memref<8x128xf32, #tpu.memory_space<vmem>>
      %dma_start3A_875 = arith.constant 0 : i32
      %dma_start3A_876 = arith.constant 0 : i32
      %dma_start3A_877 = tpu.memref_slice %arg4[%select_n3A_769, %dma_start3A_871, %select_n3A_785, %dma_start3A_875, %dma_start3A_876] : memref<200x8x128x8x128xf32, #tpu.memory_space<hbm>> -> memref<1x1x1x8x128xf32, #tpu.memory_space<hbm>>
      %dma_start3A_878 = tpu.memref_squeeze %dma_start3A_877 : memref<1x1x1x8x128xf32, #tpu.memory_space<hbm>> -> memref<8x128xf32, #tpu.memory_space<hbm>>
      %dma_start3A_879 = arith.constant 0 : i32
      %dma_start3A_880 = arith.constant 0 : i32
      %dma_start3A_881 = tpu.memref_slice %arg4[%select_n3A_769, %dma_start3A_871, %select_n3A_785, %dma_start3A_879, %dma_start3A_880] : memref<200x8x128x8x128xf32, #tpu.memory_space<hbm>> -> memref<1x1x1x8x128xf32, #tpu.memory_space<hbm>>
      %dma_start3A_882 = tpu.memref_squeeze %dma_start3A_881 : memref<1x1x1x8x128xf32, #tpu.memory_space<hbm>> -> memref<8x128xf32, #tpu.memory_space<hbm>>
      %dma_start3A_883 = arith.constant 24 : i32
      %dma_start3A_884 = arith.constant 0 : i32
      %dma_start3A_885 = tpu.memref_slice %arg10[%dma_start3A_883, %dma_start3A_884] : memref<64x128xf32, #tpu.memory_space<vmem>> -> memref<8x128xf32, #tpu.memory_space<vmem>>
      tpu.enqueue_dma source(%dma_start3A_885 : memref<8x128xf32, #tpu.memory_space<vmem>>) target(%dma_start3A_882 : memref<8x128xf32, #tpu.memory_space<hbm>>) target_semaphore(%arg16 : memref<!tpu.dma_semaphore, #tpu.memory_space<semaphore_mem>>)
      %dma_start3A_886 = arith.constant 4 : i32
      %dma_start3A_887 = arith.constant 32 : i32
      %dma_start3A_888 = arith.constant 0 : i32
      %dma_start3A_889 = tpu.memref_slice %arg10[%dma_start3A_887, %dma_start3A_888] : memref<64x128xf32, #tpu.memory_space<vmem>> -> memref<8x128xf32, #tpu.memory_space<vmem>>
      %dma_start3A_890 = arith.constant 0 : i32
      %dma_start3A_891 = arith.constant 0 : i32
      %dma_start3A_892 = tpu.memref_slice %arg4[%select_n3A_769, %dma_start3A_886, %select_n3A_785, %dma_start3A_890, %dma_start3A_891] : memref<200x8x128x8x128xf32, #tpu.memory_space<hbm>> -> memref<1x1x1x8x128xf32, #tpu.memory_space<hbm>>
      %dma_start3A_893 = tpu.memref_squeeze %dma_start3A_892 : memref<1x1x1x8x128xf32, #tpu.memory_space<hbm>> -> memref<8x128xf32, #tpu.memory_space<hbm>>
      %dma_start3A_894 = arith.constant 0 : i32
      %dma_start3A_895 = arith.constant 0 : i32
      %dma_start3A_896 = tpu.memref_slice %arg4[%select_n3A_769, %dma_start3A_886, %select_n3A_785, %dma_start3A_894, %dma_start3A_895] : memref<200x8x128x8x128xf32, #tpu.memory_space<hbm>> -> memref<1x1x1x8x128xf32, #tpu.memory_space<hbm>>
      %dma_start3A_897 = tpu.memref_squeeze %dma_start3A_896 : memref<1x1x1x8x128xf32, #tpu.memory_space<hbm>> -> memref<8x128xf32, #tpu.memory_space<hbm>>
      %dma_start3A_898 = arith.constant 32 : i32
      %dma_start3A_899 = arith.constant 0 : i32
      %dma_start3A_900 = tpu.memref_slice %arg10[%dma_start3A_898, %dma_start3A_899] : memref<64x128xf32, #tpu.memory_space<vmem>> -> memref<8x128xf32, #tpu.memory_space<vmem>>
      tpu.enqueue_dma source(%dma_start3A_900 : memref<8x128xf32, #tpu.memory_space<vmem>>) target(%dma_start3A_897 : memref<8x128xf32, #tpu.memory_space<hbm>>) target_semaphore(%arg16 : memref<!tpu.dma_semaphore, #tpu.memory_space<semaphore_mem>>)
      %dma_start3A_901 = arith.constant 5 : i32
      %dma_start3A_902 = arith.constant 40 : i32
      %dma_start3A_903 = arith.constant 0 : i32
      %dma_start3A_904 = tpu.memref_slice %arg10[%dma_start3A_902, %dma_start3A_903] : memref<64x128xf32, #tpu.memory_space<vmem>> -> memref<8x128xf32, #tpu.memory_space<vmem>>
      %dma_start3A_905 = arith.constant 0 : i32
      %dma_start3A_906 = arith.constant 0 : i32
      %dma_start3A_907 = tpu.memref_slice %arg4[%select_n3A_769, %dma_start3A_901, %select_n3A_785, %dma_start3A_905, %dma_start3A_906] : memref<200x8x128x8x128xf32, #tpu.memory_space<hbm>> -> memref<1x1x1x8x128xf32, #tpu.memory_space<hbm>>
      %dma_start3A_908 = tpu.memref_squeeze %dma_start3A_907 : memref<1x1x1x8x128xf32, #tpu.memory_space<hbm>> -> memref<8x128xf32, #tpu.memory_space<hbm>>
      %dma_start3A_909 = arith.constant 0 : i32
      %dma_start3A_910 = arith.constant 0 : i32
      %dma_start3A_911 = tpu.memref_slice %arg4[%select_n3A_769, %dma_start3A_901, %select_n3A_785, %dma_start3A_909, %dma_start3A_910] : memref<200x8x128x8x128xf32, #tpu.memory_space<hbm>> -> memref<1x1x1x8x128xf32, #tpu.memory_space<hbm>>
      %dma_start3A_912 = tpu.memref_squeeze %dma_start3A_911 : memref<1x1x1x8x128xf32, #tpu.memory_space<hbm>> -> memref<8x128xf32, #tpu.memory_space<hbm>>
      %dma_start3A_913 = arith.constant 40 : i32
      %dma_start3A_914 = arith.constant 0 : i32
      %dma_start3A_915 = tpu.memref_slice %arg10[%dma_start3A_913, %dma_start3A_914] : memref<64x128xf32, #tpu.memory_space<vmem>> -> memref<8x128xf32, #tpu.memory_space<vmem>>
      tpu.enqueue_dma source(%dma_start3A_915 : memref<8x128xf32, #tpu.memory_space<vmem>>) target(%dma_start3A_912 : memref<8x128xf32, #tpu.memory_space<hbm>>) target_semaphore(%arg16 : memref<!tpu.dma_semaphore, #tpu.memory_space<semaphore_mem>>)
      %dma_start3A_916 = arith.constant 6 : i32
      %dma_start3A_917 = arith.constant 48 : i32
      %dma_start3A_918 = arith.constant 0 : i32
      %dma_start3A_919 = tpu.memref_slice %arg10[%dma_start3A_917, %dma_start3A_918] : memref<64x128xf32, #tpu.memory_space<vmem>> -> memref<8x128xf32, #tpu.memory_space<vmem>>
      %dma_start3A_920 = arith.constant 0 : i32
      %dma_start3A_921 = arith.constant 0 : i32
      %dma_start3A_922 = tpu.memref_slice %arg4[%select_n3A_769, %dma_start3A_916, %select_n3A_785, %dma_start3A_920, %dma_start3A_921] : memref<200x8x128x8x128xf32, #tpu.memory_space<hbm>> -> memref<1x1x1x8x128xf32, #tpu.memory_space<hbm>>
      %dma_start3A_923 = tpu.memref_squeeze %dma_start3A_922 : memref<1x1x1x8x128xf32, #tpu.memory_space<hbm>> -> memref<8x128xf32, #tpu.memory_space<hbm>>
      %dma_start3A_924 = arith.constant 0 : i32
      %dma_start3A_925 = arith.constant 0 : i32
      %dma_start3A_926 = tpu.memref_slice %arg4[%select_n3A_769, %dma_start3A_916, %select_n3A_785, %dma_start3A_924, %dma_start3A_925] : memref<200x8x128x8x128xf32, #tpu.memory_space<hbm>> -> memref<1x1x1x8x128xf32, #tpu.memory_space<hbm>>
      %dma_start3A_927 = tpu.memref_squeeze %dma_start3A_926 : memref<1x1x1x8x128xf32, #tpu.memory_space<hbm>> -> memref<8x128xf32, #tpu.memory_space<hbm>>
      %dma_start3A_928 = arith.constant 48 : i32
      %dma_start3A_929 = arith.constant 0 : i32
      %dma_start3A_930 = tpu.memref_slice %arg10[%dma_start3A_928, %dma_start3A_929] : memref<64x128xf32, #tpu.memory_space<vmem>> -> memref<8x128xf32, #tpu.memory_space<vmem>>
      tpu.enqueue_dma source(%dma_start3A_930 : memref<8x128xf32, #tpu.memory_space<vmem>>) target(%dma_start3A_927 : memref<8x128xf32, #tpu.memory_space<hbm>>) target_semaphore(%arg16 : memref<!tpu.dma_semaphore, #tpu.memory_space<semaphore_mem>>)
      %dma_start3A_931 = arith.constant 7 : i32
      %dma_start3A_932 = arith.constant 56 : i32
      %dma_start3A_933 = arith.constant 0 : i32
      %dma_start3A_934 = tpu.memref_slice %arg10[%dma_start3A_932, %dma_start3A_933] : memref<64x128xf32, #tpu.memory_space<vmem>> -> memref<8x128xf32, #tpu.memory_space<vmem>>
      %dma_start3A_935 = arith.constant 0 : i32
      %dma_start3A_936 = arith.constant 0 : i32
      %dma_start3A_937 = tpu.memref_slice %arg4[%select_n3A_769, %dma_start3A_931, %select_n3A_785, %dma_start3A_935, %dma_start3A_936] : memref<200x8x128x8x128xf32, #tpu.memory_space<hbm>> -> memref<1x1x1x8x128xf32, #tpu.memory_space<hbm>>
      %dma_start3A_938 = tpu.memref_squeeze %dma_start3A_937 : memref<1x1x1x8x128xf32, #tpu.memory_space<hbm>> -> memref<8x128xf32, #tpu.memory_space<hbm>>
      %dma_start3A_939 = arith.constant 0 : i32
      %dma_start3A_940 = arith.constant 0 : i32
      %dma_start3A_941 = tpu.memref_slice %arg4[%select_n3A_769, %dma_start3A_931, %select_n3A_785, %dma_start3A_939, %dma_start3A_940] : memref<200x8x128x8x128xf32, #tpu.memory_space<hbm>> -> memref<1x1x1x8x128xf32, #tpu.memory_space<hbm>>
      %dma_start3A_942 = tpu.memref_squeeze %dma_start3A_941 : memref<1x1x1x8x128xf32, #tpu.memory_space<hbm>> -> memref<8x128xf32, #tpu.memory_space<hbm>>
      %dma_start3A_943 = arith.constant 56 : i32
      %dma_start3A_944 = arith.constant 0 : i32
      %dma_start3A_945 = tpu.memref_slice %arg10[%dma_start3A_943, %dma_start3A_944] : memref<64x128xf32, #tpu.memory_space<vmem>> -> memref<8x128xf32, #tpu.memory_space<vmem>>
      tpu.enqueue_dma source(%dma_start3A_945 : memref<8x128xf32, #tpu.memory_space<vmem>>) target(%dma_start3A_942 : memref<8x128xf32, #tpu.memory_space<hbm>>) target_semaphore(%arg16 : memref<!tpu.dma_semaphore, #tpu.memory_space<semaphore_mem>>)
    }
    %scan3A_205 = arith.constant 400 : i32
    %dma_wait3A_206 = arith.constant 0 : i32
    %dma_wait3A_207 = arith.constant 0 : i32
    %dma_wait3A_208 = arith.constant 0 : i32
    %dma_wait3A_209 = arith.constant 0 : i32
    %dma_wait3A_210 = arith.constant 0 : i32
    %dma_wait3A_211 = tpu.memref_slice %arg9[%dma_wait3A_209, %dma_wait3A_210] : memref<64x128xf32, #tpu.memory_space<vmem>> -> memref<8x128xf32, #tpu.memory_space<vmem>>
    %dma_wait3A_212 = arith.constant 0 : i32
    %dma_wait3A_213 = arith.constant 0 : i32
    %dma_wait3A_214 = tpu.memref_slice %arg4[%dma_wait3A_206, %dma_wait3A_207, %dma_wait3A_208, %dma_wait3A_212, %dma_wait3A_213] : memref<200x8x128x8x128xf32, #tpu.memory_space<hbm>> -> memref<1x1x1x8x128xf32, #tpu.memory_space<hbm>>
    %dma_wait3A_215 = tpu.memref_squeeze %dma_wait3A_214 : memref<1x1x1x8x128xf32, #tpu.memory_space<hbm>> -> memref<8x128xf32, #tpu.memory_space<hbm>>
    %dma_wait3A_216 = arith.constant 0 : i32
    %dma_wait3A_217 = arith.constant 0 : i32
    %dma_wait3A_218 = tpu.memref_slice %arg4[%dma_wait3A_206, %dma_wait3A_207, %dma_wait3A_208, %dma_wait3A_216, %dma_wait3A_217] : memref<200x8x128x8x128xf32, #tpu.memory_space<hbm>> -> memref<1x1x1x8x128xf32, #tpu.memory_space<hbm>>
    %dma_wait3A_219 = tpu.memref_squeeze %dma_wait3A_218 : memref<1x1x1x8x128xf32, #tpu.memory_space<hbm>> -> memref<8x128xf32, #tpu.memory_space<hbm>>
    %dma_wait3A_220 = arith.constant 0 : i32
    %dma_wait3A_221 = arith.constant 0 : i32
    %dma_wait3A_222 = tpu.memref_slice %arg9[%dma_wait3A_220, %dma_wait3A_221] : memref<64x128xf32, #tpu.memory_space<vmem>> -> memref<8x128xf32, #tpu.memory_space<vmem>>
    tpu.wait_dma2 semaphore(%arg15 : memref<!tpu.dma_semaphore, #tpu.memory_space<semaphore_mem>>) src(%dma_wait3A_222 : memref<8x128xf32, #tpu.memory_space<vmem>>) dst(%dma_wait3A_219 : memref<8x128xf32, #tpu.memory_space<hbm>>)
    %dma_wait3A_223 = arith.constant 0 : i32
    %dma_wait3A_224 = arith.constant 1 : i32
    %dma_wait3A_225 = arith.constant 0 : i32
    %dma_wait3A_226 = arith.constant 8 : i32
    %dma_wait3A_227 = arith.constant 0 : i32
    %dma_wait3A_228 = tpu.memref_slice %arg9[%dma_wait3A_226, %dma_wait3A_227] : memref<64x128xf32, #tpu.memory_space<vmem>> -> memref<8x128xf32, #tpu.memory_space<vmem>>
    %dma_wait3A_229 = arith.constant 0 : i32
    %dma_wait3A_230 = arith.constant 0 : i32
    %dma_wait3A_231 = tpu.memref_slice %arg4[%dma_wait3A_223, %dma_wait3A_224, %dma_wait3A_225, %dma_wait3A_229, %dma_wait3A_230] : memref<200x8x128x8x128xf32, #tpu.memory_space<hbm>> -> memref<1x1x1x8x128xf32, #tpu.memory_space<hbm>>
    %dma_wait3A_232 = tpu.memref_squeeze %dma_wait3A_231 : memref<1x1x1x8x128xf32, #tpu.memory_space<hbm>> -> memref<8x128xf32, #tpu.memory_space<hbm>>
    %dma_wait3A_233 = arith.constant 0 : i32
    %dma_wait3A_234 = arith.constant 0 : i32
    %dma_wait3A_235 = tpu.memref_slice %arg4[%dma_wait3A_223, %dma_wait3A_224, %dma_wait3A_225, %dma_wait3A_233, %dma_wait3A_234] : memref<200x8x128x8x128xf32, #tpu.memory_space<hbm>> -> memref<1x1x1x8x128xf32, #tpu.memory_space<hbm>>
    %dma_wait3A_236 = tpu.memref_squeeze %dma_wait3A_235 : memref<1x1x1x8x128xf32, #tpu.memory_space<hbm>> -> memref<8x128xf32, #tpu.memory_space<hbm>>
    %dma_wait3A_237 = arith.constant 8 : i32
    %dma_wait3A_238 = arith.constant 0 : i32
    %dma_wait3A_239 = tpu.memref_slice %arg9[%dma_wait3A_237, %dma_wait3A_238] : memref<64x128xf32, #tpu.memory_space<vmem>> -> memref<8x128xf32, #tpu.memory_space<vmem>>
    tpu.wait_dma2 semaphore(%arg15 : memref<!tpu.dma_semaphore, #tpu.memory_space<semaphore_mem>>) src(%dma_wait3A_239 : memref<8x128xf32, #tpu.memory_space<vmem>>) dst(%dma_wait3A_236 : memref<8x128xf32, #tpu.memory_space<hbm>>)
    %dma_wait3A_240 = arith.constant 0 : i32
    %dma_wait3A_241 = arith.constant 2 : i32
    %dma_wait3A_242 = arith.constant 0 : i32
    %dma_wait3A_243 = arith.constant 16 : i32
    %dma_wait3A_244 = arith.constant 0 : i32
    %dma_wait3A_245 = tpu.memref_slice %arg9[%dma_wait3A_243, %dma_wait3A_244] : memref<64x128xf32, #tpu.memory_space<vmem>> -> memref<8x128xf32, #tpu.memory_space<vmem>>
    %dma_wait3A_246 = arith.constant 0 : i32
    %dma_wait3A_247 = arith.constant 0 : i32
    %dma_wait3A_248 = tpu.memref_slice %arg4[%dma_wait3A_240, %dma_wait3A_241, %dma_wait3A_242, %dma_wait3A_246, %dma_wait3A_247] : memref<200x8x128x8x128xf32, #tpu.memory_space<hbm>> -> memref<1x1x1x8x128xf32, #tpu.memory_space<hbm>>
    %dma_wait3A_249 = tpu.memref_squeeze %dma_wait3A_248 : memref<1x1x1x8x128xf32, #tpu.memory_space<hbm>> -> memref<8x128xf32, #tpu.memory_space<hbm>>
    %dma_wait3A_250 = arith.constant 0 : i32
    %dma_wait3A_251 = arith.constant 0 : i32
    %dma_wait3A_252 = tpu.memref_slice %arg4[%dma_wait3A_240, %dma_wait3A_241, %dma_wait3A_242, %dma_wait3A_250, %dma_wait3A_251] : memref<200x8x128x8x128xf32, #tpu.memory_space<hbm>> -> memref<1x1x1x8x128xf32, #tpu.memory_space<hbm>>
    %dma_wait3A_253 = tpu.memref_squeeze %dma_wait3A_252 : memref<1x1x1x8x128xf32, #tpu.memory_space<hbm>> -> memref<8x128xf32, #tpu.memory_space<hbm>>
    %dma_wait3A_254 = arith.constant 16 : i32
    %dma_wait3A_255 = arith.constant 0 : i32
    %dma_wait3A_256 = tpu.memref_slice %arg9[%dma_wait3A_254, %dma_wait3A_255] : memref<64x128xf32, #tpu.memory_space<vmem>> -> memref<8x128xf32, #tpu.memory_space<vmem>>
    tpu.wait_dma2 semaphore(%arg15 : memref<!tpu.dma_semaphore, #tpu.memory_space<semaphore_mem>>) src(%dma_wait3A_256 : memref<8x128xf32, #tpu.memory_space<vmem>>) dst(%dma_wait3A_253 : memref<8x128xf32, #tpu.memory_space<hbm>>)
    %dma_wait3A_257 = arith.constant 0 : i32
    %dma_wait3A_258 = arith.constant 3 : i32
    %dma_wait3A_259 = arith.constant 0 : i32
    %dma_wait3A_260 = arith.constant 24 : i32
    %dma_wait3A_261 = arith.constant 0 : i32
    %dma_wait3A_262 = tpu.memref_slice %arg9[%dma_wait3A_260, %dma_wait3A_261] : memref<64x128xf32, #tpu.memory_space<vmem>> -> memref<8x128xf32, #tpu.memory_space<vmem>>
    %dma_wait3A_263 = arith.constant 0 : i32
    %dma_wait3A_264 = arith.constant 0 : i32
    %dma_wait3A_265 = tpu.memref_slice %arg4[%dma_wait3A_257, %dma_wait3A_258, %dma_wait3A_259, %dma_wait3A_263, %dma_wait3A_264] : memref<200x8x128x8x128xf32, #tpu.memory_space<hbm>> -> memref<1x1x1x8x128xf32, #tpu.memory_space<hbm>>
    %dma_wait3A_266 = tpu.memref_squeeze %dma_wait3A_265 : memref<1x1x1x8x128xf32, #tpu.memory_space<hbm>> -> memref<8x128xf32, #tpu.memory_space<hbm>>
    %dma_wait3A_267 = arith.constant 0 : i32
    %dma_wait3A_268 = arith.constant 0 : i32
    %dma_wait3A_269 = tpu.memref_slice %arg4[%dma_wait3A_257, %dma_wait3A_258, %dma_wait3A_259, %dma_wait3A_267, %dma_wait3A_268] : memref<200x8x128x8x128xf32, #tpu.memory_space<hbm>> -> memref<1x1x1x8x128xf32, #tpu.memory_space<hbm>>
    %dma_wait3A_270 = tpu.memref_squeeze %dma_wait3A_269 : memref<1x1x1x8x128xf32, #tpu.memory_space<hbm>> -> memref<8x128xf32, #tpu.memory_space<hbm>>
    %dma_wait3A_271 = arith.constant 24 : i32
    %dma_wait3A_272 = arith.constant 0 : i32
    %dma_wait3A_273 = tpu.memref_slice %arg9[%dma_wait3A_271, %dma_wait3A_272] : memref<64x128xf32, #tpu.memory_space<vmem>> -> memref<8x128xf32, #tpu.memory_space<vmem>>
    tpu.wait_dma2 semaphore(%arg15 : memref<!tpu.dma_semaphore, #tpu.memory_space<semaphore_mem>>) src(%dma_wait3A_273 : memref<8x128xf32, #tpu.memory_space<vmem>>) dst(%dma_wait3A_270 : memref<8x128xf32, #tpu.memory_space<hbm>>)
    %dma_wait3A_274 = arith.constant 0 : i32
    %dma_wait3A_275 = arith.constant 4 : i32
    %dma_wait3A_276 = arith.constant 0 : i32
    %dma_wait3A_277 = arith.constant 32 : i32
    %dma_wait3A_278 = arith.constant 0 : i32
    %dma_wait3A_279 = tpu.memref_slice %arg9[%dma_wait3A_277, %dma_wait3A_278] : memref<64x128xf32, #tpu.memory_space<vmem>> -> memref<8x128xf32, #tpu.memory_space<vmem>>
    %dma_wait3A_280 = arith.constant 0 : i32
    %dma_wait3A_281 = arith.constant 0 : i32
    %dma_wait3A_282 = tpu.memref_slice %arg4[%dma_wait3A_274, %dma_wait3A_275, %dma_wait3A_276, %dma_wait3A_280, %dma_wait3A_281] : memref<200x8x128x8x128xf32, #tpu.memory_space<hbm>> -> memref<1x1x1x8x128xf32, #tpu.memory_space<hbm>>
    %dma_wait3A_283 = tpu.memref_squeeze %dma_wait3A_282 : memref<1x1x1x8x128xf32, #tpu.memory_space<hbm>> -> memref<8x128xf32, #tpu.memory_space<hbm>>
    %dma_wait3A_284 = arith.constant 0 : i32
    %dma_wait3A_285 = arith.constant 0 : i32
    %dma_wait3A_286 = tpu.memref_slice %arg4[%dma_wait3A_274, %dma_wait3A_275, %dma_wait3A_276, %dma_wait3A_284, %dma_wait3A_285] : memref<200x8x128x8x128xf32, #tpu.memory_space<hbm>> -> memref<1x1x1x8x128xf32, #tpu.memory_space<hbm>>
    %dma_wait3A_287 = tpu.memref_squeeze %dma_wait3A_286 : memref<1x1x1x8x128xf32, #tpu.memory_space<hbm>> -> memref<8x128xf32, #tpu.memory_space<hbm>>
    %dma_wait3A_288 = arith.constant 32 : i32
    %dma_wait3A_289 = arith.constant 0 : i32
    %dma_wait3A_290 = tpu.memref_slice %arg9[%dma_wait3A_288, %dma_wait3A_289] : memref<64x128xf32, #tpu.memory_space<vmem>> -> memref<8x128xf32, #tpu.memory_space<vmem>>
    tpu.wait_dma2 semaphore(%arg15 : memref<!tpu.dma_semaphore, #tpu.memory_space<semaphore_mem>>) src(%dma_wait3A_290 : memref<8x128xf32, #tpu.memory_space<vmem>>) dst(%dma_wait3A_287 : memref<8x128xf32, #tpu.memory_space<hbm>>)
    %dma_wait3A_291 = arith.constant 0 : i32
    %dma_wait3A_292 = arith.constant 5 : i32
    %dma_wait3A_293 = arith.constant 0 : i32
    %dma_wait3A_294 = arith.constant 40 : i32
    %dma_wait3A_295 = arith.constant 0 : i32
    %dma_wait3A_296 = tpu.memref_slice %arg9[%dma_wait3A_294, %dma_wait3A_295] : memref<64x128xf32, #tpu.memory_space<vmem>> -> memref<8x128xf32, #tpu.memory_space<vmem>>
    %dma_wait3A_297 = arith.constant 0 : i32
    %dma_wait3A_298 = arith.constant 0 : i32
    %dma_wait3A_299 = tpu.memref_slice %arg4[%dma_wait3A_291, %dma_wait3A_292, %dma_wait3A_293, %dma_wait3A_297, %dma_wait3A_298] : memref<200x8x128x8x128xf32, #tpu.memory_space<hbm>> -> memref<1x1x1x8x128xf32, #tpu.memory_space<hbm>>
    %dma_wait3A_300 = tpu.memref_squeeze %dma_wait3A_299 : memref<1x1x1x8x128xf32, #tpu.memory_space<hbm>> -> memref<8x128xf32, #tpu.memory_space<hbm>>
    %dma_wait3A_301 = arith.constant 0 : i32
    %dma_wait3A_302 = arith.constant 0 : i32
    %dma_wait3A_303 = tpu.memref_slice %arg4[%dma_wait3A_291, %dma_wait3A_292, %dma_wait3A_293, %dma_wait3A_301, %dma_wait3A_302] : memref<200x8x128x8x128xf32, #tpu.memory_space<hbm>> -> memref<1x1x1x8x128xf32, #tpu.memory_space<hbm>>
    %dma_wait3A_304 = tpu.memref_squeeze %dma_wait3A_303 : memref<1x1x1x8x128xf32, #tpu.memory_space<hbm>> -> memref<8x128xf32, #tpu.memory_space<hbm>>
    %dma_wait3A_305 = arith.constant 40 : i32
    %dma_wait3A_306 = arith.constant 0 : i32
    %dma_wait3A_307 = tpu.memref_slice %arg9[%dma_wait3A_305, %dma_wait3A_306] : memref<64x128xf32, #tpu.memory_space<vmem>> -> memref<8x128xf32, #tpu.memory_space<vmem>>
    tpu.wait_dma2 semaphore(%arg15 : memref<!tpu.dma_semaphore, #tpu.memory_space<semaphore_mem>>) src(%dma_wait3A_307 : memref<8x128xf32, #tpu.memory_space<vmem>>) dst(%dma_wait3A_304 : memref<8x128xf32, #tpu.memory_space<hbm>>)
    %dma_wait3A_308 = arith.constant 0 : i32
    %dma_wait3A_309 = arith.constant 6 : i32
    %dma_wait3A_310 = arith.constant 0 : i32
    %dma_wait3A_311 = arith.constant 48 : i32
    %dma_wait3A_312 = arith.constant 0 : i32
    %dma_wait3A_313 = tpu.memref_slice %arg9[%dma_wait3A_311, %dma_wait3A_312] : memref<64x128xf32, #tpu.memory_space<vmem>> -> memref<8x128xf32, #tpu.memory_space<vmem>>
    %dma_wait3A_314 = arith.constant 0 : i32
    %dma_wait3A_315 = arith.constant 0 : i32
    %dma_wait3A_316 = tpu.memref_slice %arg4[%dma_wait3A_308, %dma_wait3A_309, %dma_wait3A_310, %dma_wait3A_314, %dma_wait3A_315] : memref<200x8x128x8x128xf32, #tpu.memory_space<hbm>> -> memref<1x1x1x8x128xf32, #tpu.memory_space<hbm>>
    %dma_wait3A_317 = tpu.memref_squeeze %dma_wait3A_316 : memref<1x1x1x8x128xf32, #tpu.memory_space<hbm>> -> memref<8x128xf32, #tpu.memory_space<hbm>>
    %dma_wait3A_318 = arith.constant 0 : i32
    %dma_wait3A_319 = arith.constant 0 : i32
    %dma_wait3A_320 = tpu.memref_slice %arg4[%dma_wait3A_308, %dma_wait3A_309, %dma_wait3A_310, %dma_wait3A_318, %dma_wait3A_319] : memref<200x8x128x8x128xf32, #tpu.memory_space<hbm>> -> memref<1x1x1x8x128xf32, #tpu.memory_space<hbm>>
    %dma_wait3A_321 = tpu.memref_squeeze %dma_wait3A_320 : memref<1x1x1x8x128xf32, #tpu.memory_space<hbm>> -> memref<8x128xf32, #tpu.memory_space<hbm>>
    %dma_wait3A_322 = arith.constant 48 : i32
    %dma_wait3A_323 = arith.constant 0 : i32
    %dma_wait3A_324 = tpu.memref_slice %arg9[%dma_wait3A_322, %dma_wait3A_323] : memref<64x128xf32, #tpu.memory_space<vmem>> -> memref<8x128xf32, #tpu.memory_space<vmem>>
    tpu.wait_dma2 semaphore(%arg15 : memref<!tpu.dma_semaphore, #tpu.memory_space<semaphore_mem>>) src(%dma_wait3A_324 : memref<8x128xf32, #tpu.memory_space<vmem>>) dst(%dma_wait3A_321 : memref<8x128xf32, #tpu.memory_space<hbm>>)
    %dma_wait3A_325 = arith.constant 0 : i32
    %dma_wait3A_326 = arith.constant 7 : i32
    %dma_wait3A_327 = arith.constant 0 : i32
    %dma_wait3A_328 = arith.constant 56 : i32
    %dma_wait3A_329 = arith.constant 0 : i32
    %dma_wait3A_330 = tpu.memref_slice %arg9[%dma_wait3A_328, %dma_wait3A_329] : memref<64x128xf32, #tpu.memory_space<vmem>> -> memref<8x128xf32, #tpu.memory_space<vmem>>
    %dma_wait3A_331 = arith.constant 0 : i32
    %dma_wait3A_332 = arith.constant 0 : i32
    %dma_wait3A_333 = tpu.memref_slice %arg4[%dma_wait3A_325, %dma_wait3A_326, %dma_wait3A_327, %dma_wait3A_331, %dma_wait3A_332] : memref<200x8x128x8x128xf32, #tpu.memory_space<hbm>> -> memref<1x1x1x8x128xf32, #tpu.memory_space<hbm>>
    %dma_wait3A_334 = tpu.memref_squeeze %dma_wait3A_333 : memref<1x1x1x8x128xf32, #tpu.memory_space<hbm>> -> memref<8x128xf32, #tpu.memory_space<hbm>>
    %dma_wait3A_335 = arith.constant 0 : i32
    %dma_wait3A_336 = arith.constant 0 : i32
    %dma_wait3A_337 = tpu.memref_slice %arg4[%dma_wait3A_325, %dma_wait3A_326, %dma_wait3A_327, %dma_wait3A_335, %dma_wait3A_336] : memref<200x8x128x8x128xf32, #tpu.memory_space<hbm>> -> memref<1x1x1x8x128xf32, #tpu.memory_space<hbm>>
    %dma_wait3A_338 = tpu.memref_squeeze %dma_wait3A_337 : memref<1x1x1x8x128xf32, #tpu.memory_space<hbm>> -> memref<8x128xf32, #tpu.memory_space<hbm>>
    %dma_wait3A_339 = arith.constant 56 : i32
    %dma_wait3A_340 = arith.constant 0 : i32
    %dma_wait3A_341 = tpu.memref_slice %arg9[%dma_wait3A_339, %dma_wait3A_340] : memref<64x128xf32, #tpu.memory_space<vmem>> -> memref<8x128xf32, #tpu.memory_space<vmem>>
    tpu.wait_dma2 semaphore(%arg15 : memref<!tpu.dma_semaphore, #tpu.memory_space<semaphore_mem>>) src(%dma_wait3A_341 : memref<8x128xf32, #tpu.memory_space<vmem>>) dst(%dma_wait3A_338 : memref<8x128xf32, #tpu.memory_space<hbm>>)
    %dma_wait3A_342 = arith.constant 0 : i32
    %dma_wait3A_343 = arith.constant 0 : i32
    %dma_wait3A_344 = arith.constant 0 : i32
    %dma_wait3A_345 = arith.constant 0 : i32
    %dma_wait3A_346 = arith.constant 0 : i32
    %dma_wait3A_347 = tpu.memref_slice %arg10[%dma_wait3A_345, %dma_wait3A_346] : memref<64x128xf32, #tpu.memory_space<vmem>> -> memref<8x128xf32, #tpu.memory_space<vmem>>
    %dma_wait3A_348 = arith.constant 0 : i32
    %dma_wait3A_349 = arith.constant 0 : i32
    %dma_wait3A_350 = tpu.memref_slice %arg4[%dma_wait3A_342, %dma_wait3A_343, %dma_wait3A_344, %dma_wait3A_348, %dma_wait3A_349] : memref<200x8x128x8x128xf32, #tpu.memory_space<hbm>> -> memref<1x1x1x8x128xf32, #tpu.memory_space<hbm>>
    %dma_wait3A_351 = tpu.memref_squeeze %dma_wait3A_350 : memref<1x1x1x8x128xf32, #tpu.memory_space<hbm>> -> memref<8x128xf32, #tpu.memory_space<hbm>>
    %dma_wait3A_352 = arith.constant 0 : i32
    %dma_wait3A_353 = arith.constant 0 : i32
    %dma_wait3A_354 = tpu.memref_slice %arg4[%dma_wait3A_342, %dma_wait3A_343, %dma_wait3A_344, %dma_wait3A_352, %dma_wait3A_353] : memref<200x8x128x8x128xf32, #tpu.memory_space<hbm>> -> memref<1x1x1x8x128xf32, #tpu.memory_space<hbm>>
    %dma_wait3A_355 = tpu.memref_squeeze %dma_wait3A_354 : memref<1x1x1x8x128xf32, #tpu.memory_space<hbm>> -> memref<8x128xf32, #tpu.memory_space<hbm>>
    %dma_wait3A_356 = arith.constant 0 : i32
    %dma_wait3A_357 = arith.constant 0 : i32
    %dma_wait3A_358 = tpu.memref_slice %arg10[%dma_wait3A_356, %dma_wait3A_357] : memref<64x128xf32, #tpu.memory_space<vmem>> -> memref<8x128xf32, #tpu.memory_space<vmem>>
    tpu.wait_dma2 semaphore(%arg16 : memref<!tpu.dma_semaphore, #tpu.memory_space<semaphore_mem>>) src(%dma_wait3A_358 : memref<8x128xf32, #tpu.memory_space<vmem>>) dst(%dma_wait3A_355 : memref<8x128xf32, #tpu.memory_space<hbm>>)
    %dma_wait3A_359 = arith.constant 0 : i32
    %dma_wait3A_360 = arith.constant 1 : i32
    %dma_wait3A_361 = arith.constant 0 : i32
    %dma_wait3A_362 = arith.constant 8 : i32
    %dma_wait3A_363 = arith.constant 0 : i32
    %dma_wait3A_364 = tpu.memref_slice %arg10[%dma_wait3A_362, %dma_wait3A_363] : memref<64x128xf32, #tpu.memory_space<vmem>> -> memref<8x128xf32, #tpu.memory_space<vmem>>
    %dma_wait3A_365 = arith.constant 0 : i32
    %dma_wait3A_366 = arith.constant 0 : i32
    %dma_wait3A_367 = tpu.memref_slice %arg4[%dma_wait3A_359, %dma_wait3A_360, %dma_wait3A_361, %dma_wait3A_365, %dma_wait3A_366] : memref<200x8x128x8x128xf32, #tpu.memory_space<hbm>> -> memref<1x1x1x8x128xf32, #tpu.memory_space<hbm>>
    %dma_wait3A_368 = tpu.memref_squeeze %dma_wait3A_367 : memref<1x1x1x8x128xf32, #tpu.memory_space<hbm>> -> memref<8x128xf32, #tpu.memory_space<hbm>>
    %dma_wait3A_369 = arith.constant 0 : i32
    %dma_wait3A_370 = arith.constant 0 : i32
    %dma_wait3A_371 = tpu.memref_slice %arg4[%dma_wait3A_359, %dma_wait3A_360, %dma_wait3A_361, %dma_wait3A_369, %dma_wait3A_370] : memref<200x8x128x8x128xf32, #tpu.memory_space<hbm>> -> memref<1x1x1x8x128xf32, #tpu.memory_space<hbm>>
    %dma_wait3A_372 = tpu.memref_squeeze %dma_wait3A_371 : memref<1x1x1x8x128xf32, #tpu.memory_space<hbm>> -> memref<8x128xf32, #tpu.memory_space<hbm>>
    %dma_wait3A_373 = arith.constant 8 : i32
    %dma_wait3A_374 = arith.constant 0 : i32
    %dma_wait3A_375 = tpu.memref_slice %arg10[%dma_wait3A_373, %dma_wait3A_374] : memref<64x128xf32, #tpu.memory_space<vmem>> -> memref<8x128xf32, #tpu.memory_space<vmem>>
    tpu.wait_dma2 semaphore(%arg16 : memref<!tpu.dma_semaphore, #tpu.memory_space<semaphore_mem>>) src(%dma_wait3A_375 : memref<8x128xf32, #tpu.memory_space<vmem>>) dst(%dma_wait3A_372 : memref<8x128xf32, #tpu.memory_space<hbm>>)
    %dma_wait3A_376 = arith.constant 0 : i32
    %dma_wait3A_377 = arith.constant 2 : i32
    %dma_wait3A_378 = arith.constant 0 : i32
    %dma_wait3A_379 = arith.constant 16 : i32
    %dma_wait3A_380 = arith.constant 0 : i32
    %dma_wait3A_381 = tpu.memref_slice %arg10[%dma_wait3A_379, %dma_wait3A_380] : memref<64x128xf32, #tpu.memory_space<vmem>> -> memref<8x128xf32, #tpu.memory_space<vmem>>
    %dma_wait3A_382 = arith.constant 0 : i32
    %dma_wait3A_383 = arith.constant 0 : i32
    %dma_wait3A_384 = tpu.memref_slice %arg4[%dma_wait3A_376, %dma_wait3A_377, %dma_wait3A_378, %dma_wait3A_382, %dma_wait3A_383] : memref<200x8x128x8x128xf32, #tpu.memory_space<hbm>> -> memref<1x1x1x8x128xf32, #tpu.memory_space<hbm>>
    %dma_wait3A_385 = tpu.memref_squeeze %dma_wait3A_384 : memref<1x1x1x8x128xf32, #tpu.memory_space<hbm>> -> memref<8x128xf32, #tpu.memory_space<hbm>>
    %dma_wait3A_386 = arith.constant 0 : i32
    %dma_wait3A_387 = arith.constant 0 : i32
    %dma_wait3A_388 = tpu.memref_slice %arg4[%dma_wait3A_376, %dma_wait3A_377, %dma_wait3A_378, %dma_wait3A_386, %dma_wait3A_387] : memref<200x8x128x8x128xf32, #tpu.memory_space<hbm>> -> memref<1x1x1x8x128xf32, #tpu.memory_space<hbm>>
    %dma_wait3A_389 = tpu.memref_squeeze %dma_wait3A_388 : memref<1x1x1x8x128xf32, #tpu.memory_space<hbm>> -> memref<8x128xf32, #tpu.memory_space<hbm>>
    %dma_wait3A_390 = arith.constant 16 : i32
    %dma_wait3A_391 = arith.constant 0 : i32
    %dma_wait3A_392 = tpu.memref_slice %arg10[%dma_wait3A_390, %dma_wait3A_391] : memref<64x128xf32, #tpu.memory_space<vmem>> -> memref<8x128xf32, #tpu.memory_space<vmem>>
    tpu.wait_dma2 semaphore(%arg16 : memref<!tpu.dma_semaphore, #tpu.memory_space<semaphore_mem>>) src(%dma_wait3A_392 : memref<8x128xf32, #tpu.memory_space<vmem>>) dst(%dma_wait3A_389 : memref<8x128xf32, #tpu.memory_space<hbm>>)
    %dma_wait3A_393 = arith.constant 0 : i32
    %dma_wait3A_394 = arith.constant 3 : i32
    %dma_wait3A_395 = arith.constant 0 : i32
    %dma_wait3A_396 = arith.constant 24 : i32
    %dma_wait3A_397 = arith.constant 0 : i32
    %dma_wait3A_398 = tpu.memref_slice %arg10[%dma_wait3A_396, %dma_wait3A_397] : memref<64x128xf32, #tpu.memory_space<vmem>> -> memref<8x128xf32, #tpu.memory_space<vmem>>
    %dma_wait3A_399 = arith.constant 0 : i32
    %dma_wait3A_400 = arith.constant 0 : i32
    %dma_wait3A_401 = tpu.memref_slice %arg4[%dma_wait3A_393, %dma_wait3A_394, %dma_wait3A_395, %dma_wait3A_399, %dma_wait3A_400] : memref<200x8x128x8x128xf32, #tpu.memory_space<hbm>> -> memref<1x1x1x8x128xf32, #tpu.memory_space<hbm>>
    %dma_wait3A_402 = tpu.memref_squeeze %dma_wait3A_401 : memref<1x1x1x8x128xf32, #tpu.memory_space<hbm>> -> memref<8x128xf32, #tpu.memory_space<hbm>>
    %dma_wait3A_403 = arith.constant 0 : i32
    %dma_wait3A_404 = arith.constant 0 : i32
    %dma_wait3A_405 = tpu.memref_slice %arg4[%dma_wait3A_393, %dma_wait3A_394, %dma_wait3A_395, %dma_wait3A_403, %dma_wait3A_404] : memref<200x8x128x8x128xf32, #tpu.memory_space<hbm>> -> memref<1x1x1x8x128xf32, #tpu.memory_space<hbm>>
    %dma_wait3A_406 = tpu.memref_squeeze %dma_wait3A_405 : memref<1x1x1x8x128xf32, #tpu.memory_space<hbm>> -> memref<8x128xf32, #tpu.memory_space<hbm>>
    %dma_wait3A_407 = arith.constant 24 : i32
    %dma_wait3A_408 = arith.constant 0 : i32
    %dma_wait3A_409 = tpu.memref_slice %arg10[%dma_wait3A_407, %dma_wait3A_408] : memref<64x128xf32, #tpu.memory_space<vmem>> -> memref<8x128xf32, #tpu.memory_space<vmem>>
    tpu.wait_dma2 semaphore(%arg16 : memref<!tpu.dma_semaphore, #tpu.memory_space<semaphore_mem>>) src(%dma_wait3A_409 : memref<8x128xf32, #tpu.memory_space<vmem>>) dst(%dma_wait3A_406 : memref<8x128xf32, #tpu.memory_space<hbm>>)
    %dma_wait3A_410 = arith.constant 0 : i32
    %dma_wait3A_411 = arith.constant 4 : i32
    %dma_wait3A_412 = arith.constant 0 : i32
    %dma_wait3A_413 = arith.constant 32 : i32
    %dma_wait3A_414 = arith.constant 0 : i32
    %dma_wait3A_415 = tpu.memref_slice %arg10[%dma_wait3A_413, %dma_wait3A_414] : memref<64x128xf32, #tpu.memory_space<vmem>> -> memref<8x128xf32, #tpu.memory_space<vmem>>
    %dma_wait3A_416 = arith.constant 0 : i32
    %dma_wait3A_417 = arith.constant 0 : i32
    %dma_wait3A_418 = tpu.memref_slice %arg4[%dma_wait3A_410, %dma_wait3A_411, %dma_wait3A_412, %dma_wait3A_416, %dma_wait3A_417] : memref<200x8x128x8x128xf32, #tpu.memory_space<hbm>> -> memref<1x1x1x8x128xf32, #tpu.memory_space<hbm>>
    %dma_wait3A_419 = tpu.memref_squeeze %dma_wait3A_418 : memref<1x1x1x8x128xf32, #tpu.memory_space<hbm>> -> memref<8x128xf32, #tpu.memory_space<hbm>>
    %dma_wait3A_420 = arith.constant 0 : i32
    %dma_wait3A_421 = arith.constant 0 : i32
    %dma_wait3A_422 = tpu.memref_slice %arg4[%dma_wait3A_410, %dma_wait3A_411, %dma_wait3A_412, %dma_wait3A_420, %dma_wait3A_421] : memref<200x8x128x8x128xf32, #tpu.memory_space<hbm>> -> memref<1x1x1x8x128xf32, #tpu.memory_space<hbm>>
    %dma_wait3A_423 = tpu.memref_squeeze %dma_wait3A_422 : memref<1x1x1x8x128xf32, #tpu.memory_space<hbm>> -> memref<8x128xf32, #tpu.memory_space<hbm>>
    %dma_wait3A_424 = arith.constant 32 : i32
    %dma_wait3A_425 = arith.constant 0 : i32
    %dma_wait3A_426 = tpu.memref_slice %arg10[%dma_wait3A_424, %dma_wait3A_425] : memref<64x128xf32, #tpu.memory_space<vmem>> -> memref<8x128xf32, #tpu.memory_space<vmem>>
    tpu.wait_dma2 semaphore(%arg16 : memref<!tpu.dma_semaphore, #tpu.memory_space<semaphore_mem>>) src(%dma_wait3A_426 : memref<8x128xf32, #tpu.memory_space<vmem>>) dst(%dma_wait3A_423 : memref<8x128xf32, #tpu.memory_space<hbm>>)
    %dma_wait3A_427 = arith.constant 0 : i32
    %dma_wait3A_428 = arith.constant 5 : i32
    %dma_wait3A_429 = arith.constant 0 : i32
    %dma_wait3A_430 = arith.constant 40 : i32
    %dma_wait3A_431 = arith.constant 0 : i32
    %dma_wait3A_432 = tpu.memref_slice %arg10[%dma_wait3A_430, %dma_wait3A_431] : memref<64x128xf32, #tpu.memory_space<vmem>> -> memref<8x128xf32, #tpu.memory_space<vmem>>
    %dma_wait3A_433 = arith.constant 0 : i32
    %dma_wait3A_434 = arith.constant 0 : i32
    %dma_wait3A_435 = tpu.memref_slice %arg4[%dma_wait3A_427, %dma_wait3A_428, %dma_wait3A_429, %dma_wait3A_433, %dma_wait3A_434] : memref<200x8x128x8x128xf32, #tpu.memory_space<hbm>> -> memref<1x1x1x8x128xf32, #tpu.memory_space<hbm>>
    %dma_wait3A_436 = tpu.memref_squeeze %dma_wait3A_435 : memref<1x1x1x8x128xf32, #tpu.memory_space<hbm>> -> memref<8x128xf32, #tpu.memory_space<hbm>>
    %dma_wait3A_437 = arith.constant 0 : i32
    %dma_wait3A_438 = arith.constant 0 : i32
    %dma_wait3A_439 = tpu.memref_slice %arg4[%dma_wait3A_427, %dma_wait3A_428, %dma_wait3A_429, %dma_wait3A_437, %dma_wait3A_438] : memref<200x8x128x8x128xf32, #tpu.memory_space<hbm>> -> memref<1x1x1x8x128xf32, #tpu.memory_space<hbm>>
    %dma_wait3A_440 = tpu.memref_squeeze %dma_wait3A_439 : memref<1x1x1x8x128xf32, #tpu.memory_space<hbm>> -> memref<8x128xf32, #tpu.memory_space<hbm>>
    %dma_wait3A_441 = arith.constant 40 : i32
    %dma_wait3A_442 = arith.constant 0 : i32
    %dma_wait3A_443 = tpu.memref_slice %arg10[%dma_wait3A_441, %dma_wait3A_442] : memref<64x128xf32, #tpu.memory_space<vmem>> -> memref<8x128xf32, #tpu.memory_space<vmem>>
    tpu.wait_dma2 semaphore(%arg16 : memref<!tpu.dma_semaphore, #tpu.memory_space<semaphore_mem>>) src(%dma_wait3A_443 : memref<8x128xf32, #tpu.memory_space<vmem>>) dst(%dma_wait3A_440 : memref<8x128xf32, #tpu.memory_space<hbm>>)
    %dma_wait3A_444 = arith.constant 0 : i32
    %dma_wait3A_445 = arith.constant 6 : i32
    %dma_wait3A_446 = arith.constant 0 : i32
    %dma_wait3A_447 = arith.constant 48 : i32
    %dma_wait3A_448 = arith.constant 0 : i32
    %dma_wait3A_449 = tpu.memref_slice %arg10[%dma_wait3A_447, %dma_wait3A_448] : memref<64x128xf32, #tpu.memory_space<vmem>> -> memref<8x128xf32, #tpu.memory_space<vmem>>
    %dma_wait3A_450 = arith.constant 0 : i32
    %dma_wait3A_451 = arith.constant 0 : i32
    %dma_wait3A_452 = tpu.memref_slice %arg4[%dma_wait3A_444, %dma_wait3A_445, %dma_wait3A_446, %dma_wait3A_450, %dma_wait3A_451] : memref<200x8x128x8x128xf32, #tpu.memory_space<hbm>> -> memref<1x1x1x8x128xf32, #tpu.memory_space<hbm>>
    %dma_wait3A_453 = tpu.memref_squeeze %dma_wait3A_452 : memref<1x1x1x8x128xf32, #tpu.memory_space<hbm>> -> memref<8x128xf32, #tpu.memory_space<hbm>>
    %dma_wait3A_454 = arith.constant 0 : i32
    %dma_wait3A_455 = arith.constant 0 : i32
    %dma_wait3A_456 = tpu.memref_slice %arg4[%dma_wait3A_444, %dma_wait3A_445, %dma_wait3A_446, %dma_wait3A_454, %dma_wait3A_455] : memref<200x8x128x8x128xf32, #tpu.memory_space<hbm>> -> memref<1x1x1x8x128xf32, #tpu.memory_space<hbm>>
    %dma_wait3A_457 = tpu.memref_squeeze %dma_wait3A_456 : memref<1x1x1x8x128xf32, #tpu.memory_space<hbm>> -> memref<8x128xf32, #tpu.memory_space<hbm>>
    %dma_wait3A_458 = arith.constant 48 : i32
    %dma_wait3A_459 = arith.constant 0 : i32
    %dma_wait3A_460 = tpu.memref_slice %arg10[%dma_wait3A_458, %dma_wait3A_459] : memref<64x128xf32, #tpu.memory_space<vmem>> -> memref<8x128xf32, #tpu.memory_space<vmem>>
    tpu.wait_dma2 semaphore(%arg16 : memref<!tpu.dma_semaphore, #tpu.memory_space<semaphore_mem>>) src(%dma_wait3A_460 : memref<8x128xf32, #tpu.memory_space<vmem>>) dst(%dma_wait3A_457 : memref<8x128xf32, #tpu.memory_space<hbm>>)
    %dma_wait3A_461 = arith.constant 0 : i32
    %dma_wait3A_462 = arith.constant 7 : i32
    %dma_wait3A_463 = arith.constant 0 : i32
    %dma_wait3A_464 = arith.constant 56 : i32
    %dma_wait3A_465 = arith.constant 0 : i32
    %dma_wait3A_466 = tpu.memref_slice %arg10[%dma_wait3A_464, %dma_wait3A_465] : memref<64x128xf32, #tpu.memory_space<vmem>> -> memref<8x128xf32, #tpu.memory_space<vmem>>
    %dma_wait3A_467 = arith.constant 0 : i32
    %dma_wait3A_468 = arith.constant 0 : i32
    %dma_wait3A_469 = tpu.memref_slice %arg4[%dma_wait3A_461, %dma_wait3A_462, %dma_wait3A_463, %dma_wait3A_467, %dma_wait3A_468] : memref<200x8x128x8x128xf32, #tpu.memory_space<hbm>> -> memref<1x1x1x8x128xf32, #tpu.memory_space<hbm>>
    %dma_wait3A_470 = tpu.memref_squeeze %dma_wait3A_469 : memref<1x1x1x8x128xf32, #tpu.memory_space<hbm>> -> memref<8x128xf32, #tpu.memory_space<hbm>>
    %dma_wait3A_471 = arith.constant 0 : i32
    %dma_wait3A_472 = arith.constant 0 : i32
    %dma_wait3A_473 = tpu.memref_slice %arg4[%dma_wait3A_461, %dma_wait3A_462, %dma_wait3A_463, %dma_wait3A_471, %dma_wait3A_472] : memref<200x8x128x8x128xf32, #tpu.memory_space<hbm>> -> memref<1x1x1x8x128xf32, #tpu.memory_space<hbm>>
    %dma_wait3A_474 = tpu.memref_squeeze %dma_wait3A_473 : memref<1x1x1x8x128xf32, #tpu.memory_space<hbm>> -> memref<8x128xf32, #tpu.memory_space<hbm>>
    %dma_wait3A_475 = arith.constant 56 : i32
    %dma_wait3A_476 = arith.constant 0 : i32
    %dma_wait3A_477 = tpu.memref_slice %arg10[%dma_wait3A_475, %dma_wait3A_476] : memref<64x128xf32, #tpu.memory_space<vmem>> -> memref<8x128xf32, #tpu.memory_space<vmem>>
    tpu.wait_dma2 semaphore(%arg16 : memref<!tpu.dma_semaphore, #tpu.memory_space<semaphore_mem>>) src(%dma_wait3A_477 : memref<8x128xf32, #tpu.memory_space<vmem>>) dst(%dma_wait3A_474 : memref<8x128xf32, #tpu.memory_space<hbm>>)
    return
  }
}

</mosaic_0001>

<sc_bundles>
// kernel: _embed_lookup.3.cloned.1.call-start
scs
__scs_entry_jumppad:
0x0: {  	(pc) =	sbr.rel $0x88, $3  }
0x1: {  	(tag) =	ssettag $0x0;
	lr =	simm.s32 $0x1  }
0x2: {  	[smem:$0x3F9F] =	sst lr;
	_ =	strace $0xD0000000  }
0x3: {  	_ = 	snop  }
0x4: {  	_ = 	snop  }
0x5: {  	_ = 	snop  }
0x6: {  	_ = 	snop  }
0x7: {  	_ = 	snop  }
__scs_overlays_trampoline_lowered:
0x8: {  	[smem:$0x3FAE] =	sst s0  }
0x9: {  	[smem:$0x3FAF] =	sst s1  }
0xa: {  	[smem:$0x3FB0] =	sst s2  }
0xb: {  	[smem:$0x3FB1] =	sst s3  }
0xc: {  	[smem:$0x3FB2] =	sst s4  }
0xd: {  	[smem:$0x3FB3] =	sst s5  }
0xe: {  	[smem:$0x3FB4] =	sst s6  }
0xf: {  	[smem:$0x3FB5] =	sst s7  }
0x10: {  	[smem:$0x3FB6] =	sst s8  }
0x11: {  	[smem:$0x3FB7] =	sst s9;
	s0 =	simm.s32 @!p0 $0x0  }
0x12: {  	s1 =	sld [smem:$0x3F9D];
	s0 =	simm.s32 @p0 $0x1  }
0x13: {  	[smem:$0x3FB8] =	sst s0;
	s0 =	simm.s32 @!p1 $0x0  }
0x14: {  	s2 =	sld [smem:$0x3F9C];
	s0 =	simm.s32 @p1 $0x1  }
0x15: {  	[smem:$0x3FB9] =	sst s0;
	s0 =	simm.s32 @!p2 $0x0  }
0x16: {  	s3 =	sld [smem:$0x3FDB];
	s0 =	simm.s32 @p2 $0x1  }
0x17: {  	s4 =	simm.s32 $0x1BF5;
	[smem:$0x3FBB] =	sst s0  }
0x18: {  	s0 =	sld [smem:$0x3F9E];
	_ =	swait.ge [sflag:s4], $0x0  }
0x19: {  	s7 =	sld [smem:$0x3F9F]  }
0x1a: {  	s8 =	sadd.s32 $0xFFFFE003, lr  }
0x1b: {  	s9 =	sadd.s32 $0xFFFFFEF7, lr;
	s5 =	simm.s32 $0xFFFFFFFF;
	p2 =	slt.u32 s8, $0xFFFFF086  }
0x1c: {  	p1 =	slt.u32 s9, $0xF7A;
	s5 =	simm.s32 @!p2 $0x0  }
0x1d: {  	s5 =	simm.s32 @p1 $0x1;
	p0 =	seq.s32 s7, s2  }
0x1e: {  	s7 =	smul.u32 @!p0 $0xF7A, s2;
	p2 =	seq.s32 @!p0 s5, $0x0  }
0x1f: {  	s9 =	smul.u32 $0xF7A, s1;
	s8 =	simm.s32 @!p0 $0x1BF5;
	p2 =	por !p2, p0  }
0x20: {  	[sflag:s8] =	ssyncset.s32 @!p0 $0xFFFFF086;
	s6 =	sadd.s32 @!p0 s3, s7;
	s7 =	simm.s32 @!p0 $0x108  }
0x21: {  	s3 =	sadd.s32 s3, s9;
	s6 =	sadd.s32 @!p0 $0x88, s6;
	s7 =	simm.s32 @p2 $0x1082  }
0x22: {  	[simem:s7], [sflag:s8] =	dma.local @!p0 [hbm:s6], $0xF7A  }
0x23: {  	s9 =	sor.u32 $0xD0000000, s2;
	s6 =	simm.s32 $0x108;
	_ =	swait.ge @!p0 [sflag:s8], $0x0  }
0x24: {  	s3 =	sadd.s32 $0x88, s3;
	s6 =	simm.s32 @!p1 $0x1082;
	[sflag:s4] =	ssyncset.s32 $0xFFFFF086  }
0x25: {  	[simem:s6], [sflag:s4] =	dma.local [hbm:s3], $0xF7A  }
0x26: {  	[smem:$0x3F9F] =	sst s1;
	(tag) =	ssettag s2;
	_ =	strace s9  }
0x27: {  	s1 =	sld [smem:$0x3FAF]  }
0x28: {  	s2 =	sld [smem:$0x3FB0]  }
0x29: {  	s4 =	sld [smem:$0x3FB2]  }
0x2a: {  	p0 =	seq.s32 s5, $0x0;
	s5 =	sld [smem:$0x3FB3]  }
0x2b: {  	s6 =	sld [smem:$0x3FB4]  }
0x2c: {  	s7 =	sld [smem:$0x3FB5]  }
0x2d: {  	s3 =	simm.s32 $0x108;
	s8 =	sld [smem:$0x3FB6]  }
0x2e: {  	s3 =	simm.s32 @!p0 $0x1082;
	s9 =	sld [smem:$0x3FB7]  }
0x2f: {  	lr =	sadd.s32 s0, s3;
	s0 =	sld [smem:$0x3FAE]  }
0x30: {  	s3 =	sld [smem:$0x3FB1]  }
0x31: {  	[smem:$0x3FBA] =	sst s10  }
0x32: {  	s10 =	sld [smem:$0x3FB8];
	_ =	sdelay $0x3  }
0x33: {  	p0 =	seq.s32 s10, $0x1;
	s10 =	sld [smem:$0x3FBA];
	_ =	sdelay $0x3  }
0x34: {  	[smem:$0x3FBA] =	sst s10  }
0x35: {  	s10 =	sld [smem:$0x3FB9];
	_ =	sdelay $0x3  }
0x36: {  	p1 =	seq.s32 s10, $0x1;
	s10 =	sld [smem:$0x3FBA];
	_ =	sdelay $0x3  }
0x37: {  	[smem:$0x3FBA] =	sst s10  }
0x38: {  	s10 =	sld [smem:$0x3FBB]  }
0x39: {  	_ = 	snop;
	(pc) =	sbr.ind lr, $3  }
0x3a: {  	_ = 	snop  }
0x3b: {  	_ = 	snop  }
0x3c: {  	p2 =	seq.s32 s10, $0x1;
	s10 =	sld [smem:$0x3FBA]  }
0x3d: {  	_ =	shalt  }
0x3e: {  	_ =	shalt  }
0x3f: {  	_ =	shalt  }
0x40: {  	_ =	shalt  }
0x41: {  	_ =	shalt  }
0x42: {  	_ =	shalt  }
0x43: {  	_ =	shalt  }
0x44: {  	_ =	shalt  }
0x45: {  	_ =	shalt  }
0x46: {  	_ =	shalt  }
0x47: {  	_ =	shalt  }
0x48: {  	_ =	shalt  }
0x49: {  	_ =	shalt  }
0x4a: {  	_ =	shalt  }
0x4b: {  	_ =	shalt  }
0x4c: {  	_ =	shalt  }
0x4d: {  	_ =	shalt  }
0x4e: {  	_ =	shalt  }
0x4f: {  	_ =	shalt  }
0x50: {  	_ =	shalt  }
0x51: {  	_ =	shalt  }
0x52: {  	_ =	shalt  }
0x53: {  	_ =	shalt  }
0x54: {  	_ =	shalt  }
0x55: {  	_ =	shalt  }
0x56: {  	_ =	shalt  }
0x57: {  	_ =	shalt  }
0x58: {  	_ =	shalt  }
0x59: {  	_ =	shalt  }
0x5a: {  	_ =	shalt  }
0x5b: {  	_ =	shalt  }
0x5c: {  	_ =	shalt  }
0x5d: {  	_ =	shalt  }
0x5e: {  	_ =	shalt  }
0x5f: {  	_ =	shalt  }
0x60: {  	_ =	shalt  }
0x61: {  	_ =	shalt  }
0x62: {  	_ =	shalt  }
0x63: {  	_ =	shalt  }
0x64: {  	_ =	shalt  }
0x65: {  	_ =	shalt  }
0x66: {  	_ =	shalt  }
0x67: {  	_ =	shalt  }
0x68: {  	_ =	shalt  }
0x69: {  	_ =	shalt  }
0x6a: {  	_ =	shalt  }
0x6b: {  	_ =	shalt  }
0x6c: {  	_ =	shalt  }
0x6d: {  	_ =	shalt  }
0x6e: {  	_ =	shalt  }
0x6f: {  	_ =	shalt  }
0x70: {  	_ =	shalt  }
0x71: {  	_ =	shalt  }
0x72: {  	_ =	shalt  }
0x73: {  	_ =	shalt  }
0x74: {  	_ =	shalt  }
0x75: {  	_ =	shalt  }
0x76: {  	_ =	shalt  }
0x77: {  	_ =	shalt  }
0x78: {  	_ =	shalt  }
0x79: {  	_ =	shalt  }
0x7a: {  	_ =	shalt  }
0x7b: {  	_ =	shalt  }
0x7c: {  	_ =	shalt  }
0x7d: {  	_ =	shalt  }
0x7e: {  	_ =	shalt  }
0x7f: {  	_ =	shalt  }
0x80: {  	_ =	shalt  }
0x81: {  	_ =	shalt  }
0x82: {  	_ =	shalt  }
0x83: {  	_ =	shalt  }
0x84: {  	_ =	shalt  }
0x85: {  	_ =	shalt  }
0x86: {  	_ =	shalt  }
0x87: {  	_ =	shalt  }
.Lfunc_end0:
.L_simem_size_0:
called_computation_lowered:
.L_overlay_start_0:
0x88: {  	s2 =	sld [smem:$0x3FD9]  }
0x89: {  	s3 =	sld [smem:$0x3FFE];
	_ =	sdelay $0x1  }
0x8a: {  	s1 =	srdreg.scid  }
0x8b: {  	s0 =	sand.u32 $0x1, s1  }
0x8c: {  	s17 =	sshll.u32 s0, $0xA;
	s2 =	sadd.s32 s3, s2  }
0x8d: {  	s2 =	sadd.s32 s2, s17  }
0x8e: {  	[smem:$0x3FC6] =	sst s2  }
0x8f: {  	_ = 	snop  }
0x90: {  	s2 =	sld [smem:$0x3FC9]  }
0x91: {  	s18 =	sld [smem:$0x3FD0];
	(tm) =	ssettm $0x1  }
0x92: {  	s4 =	sld [smem:$0x3FFB];
	_ =	sdelay $0x3  }
0x93: {  	_ =	strace s4  }
0x94: {  	s4 =	sld [smem:$0x3FFC];
	_ =	sdelay $0x3  }
0x95: {  	_ =	strace s4  }
0x96: {  	s4 =	sld [smem:$0x3FFD];
	_ =	sdelay $0x3  }
0x97: {  	_ =	strace s4  }
0x98: {  	_ =	strace $0x8FFFFFFF  }
0x99: {  	s19 =	sld [smem:$0x3FDB];
	_ =	sdelay $0x1  }
0x9a: {  	s5 =	simm.s32 $_scs_section_size  }
0x9b: {  	s6 =	simm.s32 $_size__tile_overlayer_lowered;
	s7 =	simm.s32 $_tile_overlayer_lowered  }
0x9c: {  	s22 =	simm.s32 $0x1BFF;
	s21 =	sshll.u32 s7, $0x1;
	s4 =	sadd.s32 s5, s19  }
0x9d: {  	s8 =	simm.s32 $0x0;
	s20 =	sshll.u32 s6, $0x1;
	s6 =	sadd.s32 s21, s4  }
0x9e: {  	[timem:s8], [sflag:s22] =	dma.local [hbm:s6], s20  }
0x9f: {  	_ =	swait.ge [sflag:s22], s20  }
0xa0: {  	s5 =	ssub.s32 $0x0, s20;
	[sflag:s22] =	ssyncset.done $0x0  }
0xa1: {  	[sflag:s22] =	ssyncadd.s32 s5;
	_ =	sdelay $0x1  }
0xa2: {  	s23 =	simm.s32 $0x1B8B  }
0xa3: {  	_ =	swait.ge [sflag:s23], $0x1  }
0xa4: {  	[sflag:s23] =	ssyncset.done $0x0  }
0xa5: {  	s25 =	simm.s32 $0x1B8E;
	s24 =	sld [smem:$0x3FFE];
	[sflag:s23] =	ssyncadd.s32 $0xFFFFFFFF  }
0xa6: {  	s26 =	simm.s32 $execute0_lowered;
	[smem:$0x3FD2] =	sst s25  }
0xa7: {  	s6 =	sshll.u32 s26, $0x1;
	_ =	strace $0x80000046;
	[dreg:$0x1] =	wrdreg $0xFFFFFFFF  }
0xa8: {  	s28 =	simm.s32 $_size_execute0_lowered;
	s4 =	sadd.s32 s4, s6;
	[dreg:$0x0] =	wrdreg $0x0  }
0xa9: {  	s6 =	sshll.u32 s28, $0x1;
	[dreg:$0x2] =	wrdreg s4  }
0xaa: {  	[dreg:$0x3] =	wrdreg s6  }
0xab: {  	[dreg:$0x4] =	wrdreg $0xC0  }
0xac: {  	_ =	task [dreg:s8], $0x5FFFF  }
0xad: {  	[dreg:$0x1] =	wrdreg $0xFFFFFFFF  }
0xae: {  	[dreg:$0x0] =	wrdreg $0x60  }
0xaf: {  	[dreg:$0x2] =	wrdreg s2  }
0xb0: {  	[dreg:$0x3] =	wrdreg s24  }
0xb1: {  	[dreg:$0x4] =	wrdreg s18  }
0xb2: {  	[dreg:$0x5] =	wrdreg $0x9  }
0xb3: {  	_ =	task.clear_ibuf [dreg:s8], $0x6FFFF;
	_ =	strace $0x90000046  }
0xb4: {  	s29 =	simm.s32 $0x9;
	_ =	strace $0x80000048  }
0xb5: {  	_ =	swait.ge [sflag:s29], $0x1  }
0xb6: {  	[sflag:s29] =	ssyncadd.s32 $0xFFFFFFFF  }
0xb7: {  	_ =	strace $0x90000048  }
0xb8: {  	_ =	sfence  }
0xb9: {  	s30 =	sld [smem:$0x0];
	_ =	sdelay $0x2  }
0xba: {  	s31 =	sshll.u32 s1, $0xD;
	s1 =	sshrl.u32 s1, $0x2  }
0xbb: {  	s3 =	sand.u32 $0x4000, s31;
	s1 =	sadd.s32 s1, s30  }
0xbc: {  	s0 =	sor.u32 s3, s0;
	s1 =	sshll.u32 s1, $0x11  }
0xbd: {  	s0 =	sor.u32 s1, s0  }
0xbe: {  	s0 =	sadd.s32 $0x8F2B, s0  }
0xbf: {  	[sflag:s0] =	ssyncadd.remote.s32 $0x1  }
0xc0: {  	_ =	sfence.sel $0xFFFF  }
0xc1: {  	[dreg:$0x0] =	wrdreg $0xFFFFFFFF;
	(pc) =	sbr.abs _section_cstart, $3  }
0xc2: {  	[dreg:$0x1] =	wrdreg $0xFFFFFFFF  }
0xc3: {  	_ =	task.clear_ibuf [dreg:s8], $0x2FFFF;
	_ =	strace $0x9FFFFFFF  }
0xc4: {  	(tm) =	ssettm $0x7FFFFFFF  }
0xc5: {  	_ =	shalt  }
tec
execute0_lowered:
.L_overlay_start_1:
0x0: {  	(tag) =	ssettag $0x1  }
0x1: {  	s0 =	srdreg.scid;
	s6 =	rddreg [dreg:$0x1]  }
0x2: {  	s1 =	stileid.u32;
	s3 =	rddreg [dreg:$0x2]  }
0x3: {  	s18 =	simm.s32 $0x80;
	s20 =	simm.s32 $0x100;
	s21 =	simm.s32 $0x3  }
0x4: {  	s22 =	simm.s32 $0x2;
	s23 =	simm.s32 $0x2100;
	s24 =	simm.s32 $0x4100  }
0x5: {  	s8 =	simm.s32 $0x6100;
	s25 =	simm.s32 $0x7100;
	s28 =	simm.s32 $0x7900  }
0x6: {  	s29 =	simm.s32 $0x7D00;
	s30 =	simm.s32 $0x6;
	s0 =	sand.u32 $0x1, s0  }
0x7: {  	s2 =	sshll.u32 s1, $0x1;
	s1 =	rddreg [dreg:$0x0];
	s6 =	sadd.s32 $0x400, s6  }
0x8: {  	s10 =	sadd.s32 $0x4000, s3;
	s11 =	sadd.s32 $0x8000, s3;
	s12 =	sadd.s32 $0xC000, s3  }
0x9: {  	s13 =	sadd.s32 $0x10000, s3;
	s14 =	sadd.s32 $0x14000, s3;
	s2 =	sor.u32 s0, s2  }
0xa: {  	s15 =	sadd.s32 $0x18000, s3;
	s16 =	sadd.s32 $0x1C000, s3;
	s5 =	smul.u32 $0x19000, s2  }
0xb: {  	s0 =	ssub.s32 $0x2, s0;
	s4 =	smul.u32 $0x320, s2;
	s2 =	sshll.u32 s2, $0xF  }
0xc: {  	s31 =	sshrl.u32 s0, $0x1;
	s2 =	sand.u32 $0x18000, s2;
	s7 =	sand.u32 $0x3E0000, s5  }
0xd: {  	v0 =	vlaneseq.u32;
	s0 =	ssub.s32 s0, s31;
	s26 =	sand.u32 $0x380, s4;
	s2 =	sor.u32 s2, s7  }
0xe: {  	v1 =	vmul.u32 $0x40, v0;
	v3 =	vor.u32 $0x10, v0;
	v5 =	vor.u32 $0x20, v0;
	s5 =	simm.s32 $0x0;
	s9 =	sor.u32 $0x2, s4;
	s2 =	sor.u32 s26, s2  }
0xf: {  	v7 =	vor.u32 $0x30, v0;
	v9 =	vor.u32 $0x40, v0;
	v11 =	vor.u32 $0x50, v0;
	s0 =	smax.u32 s0, $0x1;
	[smem:$0x7FF] =	sst s5;
	s2 =	sshrl.u32 s2, $0x3  }
0x10: {  	v13 =	vor.u32 $0x60, v0;
	v15 =	vor.u32 $0x70, v0;
	v2 =	vor.u32 $0x400, v1;
	_ =	strace $0x80000047;
	[dreg:$0x6] =	wrdreg s0;
	s2 =	sadd.s32 s1, s2  }
0x11: {  	v4 =	vor.u32 $0x800, v1;
	v6 =	vor.u32 $0xC00, v1;
	v8 =	vor.u32 $0x1000, v1;
	s7 =	simm.s32 $0x0;
	[dreg:$0x4] =	wrdreg s2;
	s2 =	sadd.s32 $0x80, s2  }
0x12: {  	v10 =	vor.u32 $0x1400, v1;
	v12 =	vor.u32 $0x1800, v1;
	v14 =	vor.u32 $0x1C00, v1;
	s0 =	simm.s32 $0x4;
	s26 =	simm.s32 $0x7500;
	[dreg:$0x5] =	wrdreg s2  }
.LBB2_1:
0x13: {  	[dreg:$0x7] =	wrdreg s7  }
0x14: {  	s2 =	rddreg [dreg:$0x4]  }
0x15: {  	[tilespmem:s5], [sflag:$0x1] =	stream.linear.gather [hbm4b:s2+s5], $0x80, $0x38;
	[tilespmem:$0x8100] =	vst v63  }
0x16: {  	s17 =	rddreg [dreg:$0x5];
	s19 =	simm.s32 $0x1  }
0x17: {  	[tilespmem:s18], [sflag:$0x2] =	stream.linear.gather [hbm4b:s17+s5], $0x80, $0x38;
	[tilespmem:$0x8100] =	vst v63  }
0x18: {  	_ =	swait.ge [sflag:s19], $0x80  }
0x19: {  	[sflag:s19] =	ssyncset.done $0x0  }
0x1a: {  	s31 =	simm.s32 $0x0;
	[sflag:s19] =	ssyncadd.s32 $0xFFFFFF80  }
0x1b: {  	[tilespmem:s20], [sflag:$0x3] =	stream.indirect.gather [hbm4b:s6+s18], $0x40, s5, s18, $0xb8;
	[tilespmem:$0x8100] =	vst v63  }
.LBB2_2:
0x1c: {  	s17 =	sshll.u32 s31, $0x1;
	p0 =	seq.s32 s31, $0x18F  }
0x1d: {  	s2 =	sadd.s32 @!p0 s17, s9  }
0x1e: {  	s7 =	sshll.u32 @!p0 s2, $0xA  }
0x1f: {  	s19 =	sshll.u32 @!p0 s2, $0x7;
	s2 =	sand.u32 @!p0 $0x380, s2;
	s7 =	sand.u32 @!p0 $0x1F800, s7  }
0x20: {  	s19 =	sand.u32 @!p0 $0x7FFE0000, s19;
	s2 =	sor.u32 @!p0 s2, s7  }
0x21: {  	_ =	swait.ge [sflag:s21], $0x2000;
	s2 =	sor.u32 @!p0 s19, s2  }
0x22: {  	[sflag:s21] =	ssyncset.done $0x0;
	s2 =	sshrl.u32 @!p0 s2, $0x3  }
0x23: {  	[sflag:s21] =	ssyncadd.s32 $0xFFFFE000;
	s7 =	simm.s32 @!p0 $0x0;
	s2 =	sadd.s32 @!p0 s1, s2  }
0x24: {  	[tilespmem:s7], [sflag:$0x1] =	stream.linear.gather @!p0 [hbm4b:s2+s7], $0x80, $0x38;
	[tilespmem:$0x8100] =	vst v63  }
0x25: {  	_ =	swait.ge [sflag:s22], $0x80  }
0x26: {  	p1 =	seq.s32 s31, $0x0;
	[sflag:s22] =	ssyncset.done $0x0  }
0x27: {  	s2 =	simm.s32 @!p1 $0x5;
	[sflag:s22] =	ssyncadd.s32 $0xFFFFFF80  }
0x28: {  	[tilespmem:s23], [sflag:$0x4] =	stream.indirect.gather [hbm4b:s6+s18], $0x40, s18, s18, $0xb8;
	[tilespmem:$0x8100] =	vst v63  }
0x29: {  	_ =	swait.ge @!p1 [sflag:s2], $0x400  }
0x2a: {  	[sflag:s2] =	ssyncset.done @!p1 $0x0  }
0x2b: {  	[sflag:s2] =	ssyncadd.s32 @!p1 $0xFFFFFC00  }
0x2c: {  	_ =	swait.ge @!p1 [sflag:s2], $0x400  }
0x2d: {  	[sflag:s2] =	ssyncset.done @!p1 $0x0  }
0x2e: {  	[sflag:s2] =	ssyncadd.s32 @!p1 $0xFFFFFC00  }
0x2f: {  	_ =	swait.ge @!p1 [sflag:s2], $0x400  }
0x30: {  	[sflag:s2] =	ssyncset.done @!p1 $0x0  }
0x31: {  	[sflag:s2] =	ssyncadd.s32 @!p1 $0xFFFFFC00  }
0x32: {  	_ =	swait.ge @!p1 [sflag:s2], $0x400  }
0x33: {  	[sflag:s2] =	ssyncset.done @!p1 $0x0  }
0x34: {  	[sflag:s2] =	ssyncadd.s32 @!p1 $0xFFFFFC00  }
0x35: {  	_ =	swait.ge @!p1 [sflag:s2], $0x400  }
0x36: {  	[sflag:s2] =	ssyncset.done @!p1 $0x0  }
0x37: {  	[sflag:s2] =	ssyncadd.s32 @!p1 $0xFFFFFC00  }
0x38: {  	_ =	swait.ge @!p1 [sflag:s2], $0x400  }
0x39: {  	s19 =	simm.s32 $0x0;
	[sflag:s2] =	ssyncset.done @!p1 $0x0  }
0x3a: {  	v16 =	vadd.s32 s19, v0;
	[sflag:s2] =	ssyncadd.s32 @!p1 $0xFFFFFC00  }
0x3b: {  	v17 =	vand.u32 $0xF, v16;
	_ =	swait.ge @!p1 [sflag:s2], $0x400  }
0x3c: {  	v18 =	vor.u32 v1, v17;
	[sflag:s2] =	ssyncset.done @!p1 $0x0  }
0x3d: {  	[sflag:s2] =	ssyncadd.s32 @!p1 $0xFFFFFC00  }
0x3e: {  	_ =	swait.ge @!p1 [sflag:s2], $0x400  }
0x3f: {  	[sflag:s2] =	ssyncset.done @!p1 $0x0  }
0x40: {  	v19 =	vshll.u32 v17, $0x7;
	[sflag:s2] =	ssyncadd.s32 @!p1 $0xFFFFFC00  }
0x41: {  	v20 =	vor.u32 v0, v19;
	v18 =	vld.idx.msk [tilespmem:v18+s20+$0x0], $0xffff  }
0x42: {  	v21 =	vor.u32 v2, v17;
	_ =	sdelay $0x3  }
0x43: {  	[tilespmem:v20+s24+$0x0] =	vst.idx.msk $0xffff, v18  }
0x44: {  	v20 =	vor.u32 v3, v19;
	v18 =	vld.idx.msk [tilespmem:v21+s20+$0x0], $0xffff  }
0x45: {  	v45 =	vor.u32 v4, v17;
	_ =	sdelay $0x3  }
0x46: {  	[tilespmem:v20+s24+$0x0] =	vst.idx.msk $0xffff, v18  }
0x47: {  	v20 =	vor.u32 v5, v19;
	v18 =	vld.idx.msk [tilespmem:v45+s20+$0x0], $0xffff  }
0x48: {  	v46 =	vor.u32 v6, v17;
	_ =	sdelay $0x3  }
0x49: {  	[tilespmem:v20+s24+$0x0] =	vst.idx.msk $0xffff, v18  }
0x4a: {  	v20 =	vor.u32 v7, v19;
	v18 =	vld.idx.msk [tilespmem:v46+s20+$0x0], $0xffff  }
0x4b: {  	v47 =	vor.u32 v8, v17;
	_ =	sdelay $0x3  }
0x4c: {  	[tilespmem:v20+s24+$0x0] =	vst.idx.msk $0xffff, v18  }
0x4d: {  	v20 =	vor.u32 v9, v19;
	v18 =	vld.idx.msk [tilespmem:v47+s20+$0x0], $0xffff  }
0x4e: {  	v48 =	vor.u32 v10, v17;
	_ =	sdelay $0x3  }
0x4f: {  	[tilespmem:v20+s24+$0x0] =	vst.idx.msk $0xffff, v18  }
0x50: {  	v20 =	vor.u32 v11, v19;
	v18 =	vld.idx.msk [tilespmem:v48+s20+$0x0], $0xffff  }
0x51: {  	v49 =	vor.u32 v12, v17;
	_ =	sdelay $0x3  }
0x52: {  	[tilespmem:v20+s24+$0x0] =	vst.idx.msk $0xffff, v18  }
0x53: {  	v20 =	vor.u32 v13, v19;
	v18 =	vld.idx.msk [tilespmem:v49+s20+$0x0], $0xffff  }
0x54: {  	v50 =	vor.u32 v14, v17;
	_ =	sdelay $0x3  }
0x55: {  	[tilespmem:v20+s24+$0x0] =	vst.idx.msk $0xffff, v18;
	v18 =	vor.u32 $0x10, v16  }
0x56: {  	v19 =	vor.u32 v15, v19;
	v20 =	vld.idx.msk [tilespmem:v50+s20+$0x0], $0xffff;
	v51 =	vand.u32 $0x1F, v18  }
0x57: {  	v22 =	vor.u32 v1, v51;
	_ =	sdelay $0x3  }
0x58: {  	v18 =	vshll.u32 v18, $0x7;
	[tilespmem:v19+s24+$0x0] =	vst.idx.msk $0xffff, v20  }
0x59: {  	v20 =	vor.u32 v0, v18;
	v19 =	vld.idx.msk [tilespmem:v22+s20+$0x0], $0xffff  }
0x5a: {  	v52 =	vor.u32 v2, v51;
	_ =	sdelay $0x3  }
0x5b: {  	[tilespmem:v20+s24+$0x0] =	vst.idx.msk $0xffff, v19  }
0x5c: {  	v20 =	vor.u32 v3, v18;
	v19 =	vld.idx.msk [tilespmem:v52+s20+$0x0], $0xffff  }
0x5d: {  	v53 =	vor.u32 v4, v51;
	_ =	sdelay $0x3  }
0x5e: {  	[tilespmem:v20+s24+$0x0] =	vst.idx.msk $0xffff, v19  }
0x5f: {  	v20 =	vor.u32 v5, v18;
	v19 =	vld.idx.msk [tilespmem:v53+s20+$0x0], $0xffff  }
0x60: {  	v54 =	vor.u32 v6, v51;
	_ =	sdelay $0x3  }
0x61: {  	[tilespmem:v20+s24+$0x0] =	vst.idx.msk $0xffff, v19  }
0x62: {  	v20 =	vor.u32 v7, v18;
	v19 =	vld.idx.msk [tilespmem:v54+s20+$0x0], $0xffff  }
0x63: {  	v55 =	vor.u32 v8, v51;
	_ =	sdelay $0x3  }
0x64: {  	[tilespmem:v20+s24+$0x0] =	vst.idx.msk $0xffff, v19  }
0x65: {  	v20 =	vor.u32 v9, v18;
	v19 =	vld.idx.msk [tilespmem:v55+s20+$0x0], $0xffff  }
0x66: {  	v56 =	vor.u32 v10, v51;
	_ =	sdelay $0x3  }
0x67: {  	[tilespmem:v20+s24+$0x0] =	vst.idx.msk $0xffff, v19  }
0x68: {  	v20 =	vor.u32 v11, v18;
	v19 =	vld.idx.msk [tilespmem:v56+s20+$0x0], $0xffff  }
0x69: {  	v57 =	vor.u32 v12, v51;
	_ =	sdelay $0x3  }
0x6a: {  	[tilespmem:v20+s24+$0x0] =	vst.idx.msk $0xffff, v19  }
0x6b: {  	v20 =	vor.u32 v13, v18;
	v19 =	vld.idx.msk [tilespmem:v57+s20+$0x0], $0xffff  }
0x6c: {  	v21 =	vor.u32 v14, v51;
	_ =	sdelay $0x2  }
0x6d: {  	v17 =	vor.u32 $0x20, v17  }
0x6e: {  	[tilespmem:v20+s24+$0x0] =	vst.idx.msk $0xffff, v19;
	v19 =	vand.u32 $0x7, v16;
	v20 =	vand.u32 $0x28, v17  }
0x6f: {  	v18 =	vor.u32 v15, v18;
	v21 =	vld.idx.msk [tilespmem:v21+s20+$0x0], $0xffff;
	v19 =	vor.u32 v19, v20  }
0x70: {  	v20 =	vor.u32 v1, v19;
	_ =	sdelay $0x3  }
0x71: {  	v17 =	vshll.u32 v17, $0x7;
	[tilespmem:v18+s24+$0x0] =	vst.idx.msk $0xffff, v21  }
0x72: {  	v18 =	vld.idx.msk [tilespmem:v20+s20+$0x0], $0xffff;
	v20 =	vor.u32 v0, v17  }
0x73: {  	v58 =	vor.u32 v2, v19;
	_ =	sdelay $0x3  }
0x74: {  	[tilespmem:v20+s24+$0x0] =	vst.idx.msk $0xffff, v18  }
0x75: {  	v20 =	vor.u32 v3, v17;
	v18 =	vld.idx.msk [tilespmem:v58+s20+$0x0], $0xffff  }
0x76: {  	v59 =	vor.u32 v4, v19;
	_ =	sdelay $0x3  }
0x77: {  	[tilespmem:v20+s24+$0x0] =	vst.idx.msk $0xffff, v18  }
0x78: {  	v20 =	vor.u32 v5, v17;
	v18 =	vld.idx.msk [tilespmem:v59+s20+$0x0], $0xffff  }
0x79: {  	v60 =	vor.u32 v6, v19;
	_ =	sdelay $0x3  }
0x7a: {  	[tilespmem:v20+s24+$0x0] =	vst.idx.msk $0xffff, v18  }
0x7b: {  	v20 =	vor.u32 v7, v17;
	v18 =	vld.idx.msk [tilespmem:v60+s20+$0x0], $0xffff  }
0x7c: {  	v61 =	vor.u32 v8, v19;
	_ =	sdelay $0x3  }
0x7d: {  	[tilespmem:v20+s24+$0x0] =	vst.idx.msk $0xffff, v18  }
0x7e: {  	v20 =	vor.u32 v9, v17;
	v18 =	vld.idx.msk [tilespmem:v61+s20+$0x0], $0xffff  }
0x7f: {  	v62 =	vor.u32 v10, v19;
	_ =	sdelay $0x3  }
0x80: {  	[tilespmem:v20+s24+$0x0] =	vst.idx.msk $0xffff, v18  }
0x81: {  	v20 =	vor.u32 v11, v17;
	v18 =	vld.idx.msk [tilespmem:v62+s20+$0x0], $0xffff  }
0x82: {  	v63 =	vor.u32 v12, v19;
	_ =	sdelay $0x3  }
0x83: {  	[tilespmem:v20+s24+$0x0] =	vst.idx.msk $0xffff, v18  }
0x84: {  	v20 =	vor.u32 v13, v17;
	v18 =	vld.idx.msk [tilespmem:v63+s20+$0x0], $0xffff  }
0x85: {  	v19 =	vor.u32 v14, v19;
	_ =	sdelay $0x3  }
0x86: {  	v16 =	vor.u32 $0x30, v16;
	[tilespmem:v20+s24+$0x0] =	vst.idx.msk $0xffff, v18  }
0x87: {  	v17 =	vor.u32 v15, v17;
	v18 =	vld.idx.msk [tilespmem:v19+s20+$0x0], $0xffff;
	v19 =	vand.u32 $0x3F, v16  }
0x88: {  	v20 =	vor.u32 v1, v19;
	_ =	sdelay $0x3  }
0x89: {  	[tilespmem:v17+s24+$0x0] =	vst.idx.msk $0xffff, v18;
	v18 =	vshll.u32 v16, $0x7  }
0x8a: {  	v16 =	vld.idx.msk [tilespmem:v20+s20+$0x0], $0xffff;
	v17 =	vor.u32 v0, v18  }
0x8b: {  	v20 =	vor.u32 v2, v19;
	_ =	sdelay $0x3  }
0x8c: {  	[tilespmem:v17+s24+$0x0] =	vst.idx.msk $0xffff, v16  }
0x8d: {  	v17 =	vor.u32 v3, v18;
	v16 =	vld.idx.msk [tilespmem:v20+s20+$0x0], $0xffff  }
0x8e: {  	v20 =	vor.u32 v4, v19;
	_ =	sdelay $0x3  }
0x8f: {  	[tilespmem:v17+s24+$0x0] =	vst.idx.msk $0xffff, v16  }
0x90: {  	v17 =	vor.u32 v5, v18;
	v16 =	vld.idx.msk [tilespmem:v20+s20+$0x0], $0xffff  }
0x91: {  	v20 =	vor.u32 v6, v19;
	_ =	sdelay $0x3  }
0x92: {  	[tilespmem:v17+s24+$0x0] =	vst.idx.msk $0xffff, v16  }
0x93: {  	v17 =	vor.u32 v7, v18;
	v16 =	vld.idx.msk [tilespmem:v20+s20+$0x0], $0xffff  }
0x94: {  	v20 =	vor.u32 v8, v19;
	_ =	sdelay $0x3  }
0x95: {  	[tilespmem:v17+s24+$0x0] =	vst.idx.msk $0xffff, v16  }
0x96: {  	v17 =	vor.u32 v9, v18;
	v16 =	vld.idx.msk [tilespmem:v20+s20+$0x0], $0xffff  }
0x97: {  	v20 =	vor.u32 v10, v19;
	_ =	sdelay $0x3  }
0x98: {  	[tilespmem:v17+s24+$0x0] =	vst.idx.msk $0xffff, v16  }
0x99: {  	v17 =	vor.u32 v11, v18;
	v16 =	vld.idx.msk [tilespmem:v20+s20+$0x0], $0xffff  }
0x9a: {  	v20 =	vor.u32 v12, v19;
	_ =	sdelay $0x3  }
0x9b: {  	[tilespmem:v17+s24+$0x0] =	vst.idx.msk $0xffff, v16  }
0x9c: {  	v17 =	vor.u32 v13, v18;
	v16 =	vld.idx.msk [tilespmem:v20+s20+$0x0], $0xffff  }
0x9d: {  	v19 =	vor.u32 v14, v19;
	_ =	sdelay $0x3  }
0x9e: {  	s19 =	simm.s32 $0x1;
	[tilespmem:v17+s24+$0x0] =	vst.idx.msk $0xffff, v16  }
0x9f: {  	s7 =	simm.s32 $0x2;
	s2 =	sor.u32 $0x1, s17;
	v16 =	vadd.s32 s19, v0;
	v19 =	vld.idx.msk [tilespmem:v19+s20+$0x0], $0xffff  }
.LBB2_3:
0xa0: {  	p1 =	sne.s32 s7, $0xF;
	v17 =	vand.u32 $0xF, v16;
	v18 =	vor.u32 v15, v18  }
0xa1: {  	v20 =	vor.u32 v1, v17;
	_ =	sdelay $0x3  }
0xa2: {  	[tilespmem:v18+s24+$0x0] =	vst.idx.msk $0xffff, v19  }
0xa3: {  	v19 =	vshll.u32 v17, $0x7;
	v18 =	vld.idx.msk [tilespmem:v20+s20+$0x0], $0xffff  }
0xa4: {  	v20 =	vor.u32 v0, v19  }
0xa5: {  	v21 =	vor.u32 v2, v17;
	_ =	sdelay $0x3  }
0xa6: {  	[tilespmem:v20+s24+$0x0] =	vst.idx.msk $0xffff, v18  }
0xa7: {  	v18 =	vld.idx.msk [tilespmem:v21+s20+$0x0], $0xffff  }
0xa8: {  	v20 =	vor.u32 v3, v19  }
0xa9: {  	v21 =	vor.u32 v4, v17;
	_ =	sdelay $0x3  }
0xaa: {  	[tilespmem:v20+s24+$0x0] =	vst.idx.msk $0xffff, v18  }
0xab: {  	v18 =	vld.idx.msk [tilespmem:v21+s20+$0x0], $0xffff  }
0xac: {  	v20 =	vor.u32 v5, v19  }
0xad: {  	v21 =	vor.u32 v6, v17;
	_ =	sdelay $0x3  }
0xae: {  	[tilespmem:v20+s24+$0x0] =	vst.idx.msk $0xffff, v18  }
0xaf: {  	v18 =	vld.idx.msk [tilespmem:v21+s20+$0x0], $0xffff  }
0xb0: {  	v20 =	vor.u32 v7, v19  }
0xb1: {  	v21 =	vor.u32 v8, v17;
	_ =	sdelay $0x3  }
0xb2: {  	[tilespmem:v20+s24+$0x0] =	vst.idx.msk $0xffff, v18  }
0xb3: {  	v18 =	vld.idx.msk [tilespmem:v21+s20+$0x0], $0xffff  }
0xb4: {  	v20 =	vor.u32 v9, v19  }
0xb5: {  	v21 =	vor.u32 v10, v17;
	_ =	sdelay $0x3  }
0xb6: {  	[tilespmem:v20+s24+$0x0] =	vst.idx.msk $0xffff, v18  }
0xb7: {  	v18 =	vld.idx.msk [tilespmem:v21+s20+$0x0], $0xffff  }
0xb8: {  	v20 =	vor.u32 v11, v19  }
0xb9: {  	v21 =	vor.u32 v12, v17;
	_ =	sdelay $0x3  }
0xba: {  	[tilespmem:v20+s24+$0x0] =	vst.idx.msk $0xffff, v18  }
0xbb: {  	v18 =	vld.idx.msk [tilespmem:v21+s20+$0x0], $0xffff  }
0xbc: {  	v20 =	vor.u32 v13, v19  }
0xbd: {  	v21 =	vor.u32 v14, v17;
	_ =	sdelay $0x3  }
0xbe: {  	[tilespmem:v20+s24+$0x0] =	vst.idx.msk $0xffff, v18  }
0xbf: {  	v20 =	vor.u32 $0x10, v16;
	v18 =	vld.idx.msk [tilespmem:v21+s20+$0x0], $0xffff  }
0xc0: {  	v19 =	vor.u32 v15, v19;
	v21 =	vand.u32 $0x1F, v20  }
0xc1: {  	v22 =	vor.u32 v1, v21;
	_ =	sdelay $0x3  }
0xc2: {  	[tilespmem:v19+s24+$0x0] =	vst.idx.msk $0xffff, v18  }
0xc3: {  	v19 =	vshll.u32 v20, $0x7;
	v18 =	vld.idx.msk [tilespmem:v22+s20+$0x0], $0xffff  }
0xc4: {  	v20 =	vor.u32 v0, v19  }
0xc5: {  	v22 =	vor.u32 v2, v21;
	_ =	sdelay $0x3  }
0xc6: {  	[tilespmem:v20+s24+$0x0] =	vst.idx.msk $0xffff, v18  }
0xc7: {  	v18 =	vld.idx.msk [tilespmem:v22+s20+$0x0], $0xffff  }
0xc8: {  	v20 =	vor.u32 v3, v19  }
0xc9: {  	v22 =	vor.u32 v4, v21;
	_ =	sdelay $0x3  }
0xca: {  	[tilespmem:v20+s24+$0x0] =	vst.idx.msk $0xffff, v18  }
0xcb: {  	v18 =	vld.idx.msk [tilespmem:v22+s20+$0x0], $0xffff  }
0xcc: {  	v20 =	vor.u32 v5, v19  }
0xcd: {  	v22 =	vor.u32 v6, v21;
	_ =	sdelay $0x3  }
0xce: {  	[tilespmem:v20+s24+$0x0] =	vst.idx.msk $0xffff, v18  }
0xcf: {  	v18 =	vld.idx.msk [tilespmem:v22+s20+$0x0], $0xffff  }
0xd0: {  	v20 =	vor.u32 v7, v19  }
0xd1: {  	v22 =	vor.u32 v8, v21;
	_ =	sdelay $0x3  }
0xd2: {  	[tilespmem:v20+s24+$0x0] =	vst.idx.msk $0xffff, v18  }
0xd3: {  	v18 =	vld.idx.msk [tilespmem:v22+s20+$0x0], $0xffff  }
0xd4: {  	v20 =	vor.u32 v9, v19  }
0xd5: {  	v22 =	vor.u32 v10, v21;
	_ =	sdelay $0x3  }
0xd6: {  	[tilespmem:v20+s24+$0x0] =	vst.idx.msk $0xffff, v18  }
0xd7: {  	v18 =	vld.idx.msk [tilespmem:v22+s20+$0x0], $0xffff  }
0xd8: {  	v20 =	vor.u32 v11, v19  }
0xd9: {  	v22 =	vor.u32 v12, v21;
	_ =	sdelay $0x3  }
0xda: {  	[tilespmem:v20+s24+$0x0] =	vst.idx.msk $0xffff, v18  }
0xdb: {  	v18 =	vld.idx.msk [tilespmem:v22+s20+$0x0], $0xffff  }
0xdc: {  	v20 =	vor.u32 v13, v19  }
0xdd: {  	v21 =	vor.u32 v14, v21;
	_ =	sdelay $0x3  }
0xde: {  	v17 =	vor.u32 $0x20, v17;
	[tilespmem:v20+s24+$0x0] =	vst.idx.msk $0xffff, v18  }
0xdf: {  	v18 =	vand.u32 $0x7, v16;
	v20 =	vld.idx.msk [tilespmem:v21+s20+$0x0], $0xffff;
	v21 =	vand.u32 $0x28, v17  }
0xe0: {  	v19 =	vor.u32 v15, v19;
	v18 =	vor.u32 v18, v21  }
0xe1: {  	v21 =	vor.u32 v1, v18;
	_ =	sdelay $0x3  }
0xe2: {  	[tilespmem:v19+s24+$0x0] =	vst.idx.msk $0xffff, v20  }
0xe3: {  	v17 =	vshll.u32 v17, $0x7;
	v19 =	vld.idx.msk [tilespmem:v21+s20+$0x0], $0xffff  }
0xe4: {  	v20 =	vor.u32 v0, v17  }
0xe5: {  	v21 =	vor.u32 v2, v18;
	_ =	sdelay $0x3  }
0xe6: {  	[tilespmem:v20+s24+$0x0] =	vst.idx.msk $0xffff, v19  }
0xe7: {  	v19 =	vld.idx.msk [tilespmem:v21+s20+$0x0], $0xffff  }
0xe8: {  	v20 =	vor.u32 v3, v17  }
0xe9: {  	v21 =	vor.u32 v4, v18;
	_ =	sdelay $0x3  }
0xea: {  	[tilespmem:v20+s24+$0x0] =	vst.idx.msk $0xffff, v19  }
0xeb: {  	v19 =	vld.idx.msk [tilespmem:v21+s20+$0x0], $0xffff  }
0xec: {  	v20 =	vor.u32 v5, v17  }
0xed: {  	v21 =	vor.u32 v6, v18;
	_ =	sdelay $0x3  }
0xee: {  	[tilespmem:v20+s24+$0x0] =	vst.idx.msk $0xffff, v19  }
0xef: {  	v19 =	vld.idx.msk [tilespmem:v21+s20+$0x0], $0xffff  }
0xf0: {  	v20 =	vor.u32 v7, v17  }
0xf1: {  	v21 =	vor.u32 v8, v18;
	_ =	sdelay $0x3  }
0xf2: {  	[tilespmem:v20+s24+$0x0] =	vst.idx.msk $0xffff, v19  }
0xf3: {  	v19 =	vld.idx.msk [tilespmem:v21+s20+$0x0], $0xffff  }
0xf4: {  	v20 =	vor.u32 v9, v17  }
0xf5: {  	v21 =	vor.u32 v10, v18;
	_ =	sdelay $0x3  }
0xf6: {  	[tilespmem:v20+s24+$0x0] =	vst.idx.msk $0xffff, v19  }
0xf7: {  	v19 =	vld.idx.msk [tilespmem:v21+s20+$0x0], $0xffff  }
0xf8: {  	v20 =	vor.u32 v11, v17  }
0xf9: {  	v21 =	vor.u32 v12, v18;
	_ =	sdelay $0x3  }
0xfa: {  	[tilespmem:v20+s24+$0x0] =	vst.idx.msk $0xffff, v19  }
0xfb: {  	v19 =	vld.idx.msk [tilespmem:v21+s20+$0x0], $0xffff  }
0xfc: {  	v20 =	vor.u32 v13, v17  }
0xfd: {  	v18 =	vor.u32 v14, v18;
	_ =	sdelay $0x3  }
0xfe: {  	[tilespmem:v20+s24+$0x0] =	vst.idx.msk $0xffff, v19  }
0xff: {  	v16 =	vor.u32 $0x30, v16;
	v18 =	vld.idx.msk [tilespmem:v18+s20+$0x0], $0xffff  }
0x100: {  	v17 =	vor.u32 v15, v17;
	v19 =	vand.u32 $0x3F, v16  }
0x101: {  	v20 =	vor.u32 v1, v19;
	_ =	sdelay $0x3  }
0x102: {  	[tilespmem:v17+s24+$0x0] =	vst.idx.msk $0xffff, v18  }
0x103: {  	v18 =	vshll.u32 v16, $0x7;
	v17 =	vld.idx.msk [tilespmem:v20+s20+$0x0], $0xffff  }
0x104: {  	v16 =	vor.u32 v0, v18  }
0x105: {  	v20 =	vor.u32 v2, v19;
	_ =	sdelay $0x3  }
0x106: {  	[tilespmem:v16+s24+$0x0] =	vst.idx.msk $0xffff, v17  }
0x107: {  	v16 =	vld.idx.msk [tilespmem:v20+s20+$0x0], $0xffff  }
0x108: {  	v17 =	vor.u32 v3, v18  }
0x109: {  	v20 =	vor.u32 v4, v19;
	_ =	sdelay $0x3  }
0x10a: {  	[tilespmem:v17+s24+$0x0] =	vst.idx.msk $0xffff, v16  }
0x10b: {  	v16 =	vld.idx.msk [tilespmem:v20+s20+$0x0], $0xffff  }
0x10c: {  	v17 =	vor.u32 v5, v18  }
0x10d: {  	v20 =	vor.u32 v6, v19;
	_ =	sdelay $0x3  }
0x10e: {  	[tilespmem:v17+s24+$0x0] =	vst.idx.msk $0xffff, v16  }
0x10f: {  	v16 =	vld.idx.msk [tilespmem:v20+s20+$0x0], $0xffff  }
0x110: {  	v17 =	vor.u32 v7, v18  }
0x111: {  	v20 =	vor.u32 v8, v19;
	_ =	sdelay $0x3  }
0x112: {  	[tilespmem:v17+s24+$0x0] =	vst.idx.msk $0xffff, v16  }
0x113: {  	v16 =	vld.idx.msk [tilespmem:v20+s20+$0x0], $0xffff  }
0x114: {  	v17 =	vor.u32 v9, v18  }
0x115: {  	v20 =	vor.u32 v10, v19;
	_ =	sdelay $0x3  }
0x116: {  	[tilespmem:v17+s24+$0x0] =	vst.idx.msk $0xffff, v16  }
0x117: {  	v16 =	vld.idx.msk [tilespmem:v20+s20+$0x0], $0xffff  }
0x118: {  	v17 =	vor.u32 v11, v18  }
0x119: {  	v20 =	vor.u32 v12, v19;
	_ =	sdelay $0x3  }
0x11a: {  	[tilespmem:v17+s24+$0x0] =	vst.idx.msk $0xffff, v16  }
0x11b: {  	v16 =	vld.idx.msk [tilespmem:v20+s20+$0x0], $0xffff  }
0x11c: {  	v17 =	vor.u32 v13, v18  }
0x11d: {  	v19 =	vor.u32 v14, v19  }
.Ltmp0:
0x11e: {  	(pc) =	sbr.rel @p1 .LBB2_3-.Ltmp0, $3  }
0x11f: {  	_ =	sdelay $0x1  }
0x120: {  	[tilespmem:v17+s24+$0x0] =	vst.idx.msk $0xffff, v16  }
0x121: {  	v16 =	vadd.s32 s7, v0;
	s7 =	sadd.s32 $0x1, s7;
	v19 =	vld.idx.msk [tilespmem:v19+s20+$0x0], $0xffff  }
0x122: {  	v17 =	vand.u32 $0xF, v16;
	v18 =	vor.u32 v15, v18  }
0x123: {  	v20 =	vor.u32 v1, v17;
	_ =	sdelay $0x3  }
0x124: {  	[tilespmem:v18+s24+$0x0] =	vst.idx.msk $0xffff, v19;
	v18 =	vshll.u32 v17, $0x7  }
0x125: {  	v19 =	vld.idx.msk [tilespmem:v20+s20+$0x0], $0xffff;
	v20 =	vor.u32 v0, v18  }
0x126: {  	v21 =	vor.u32 v2, v17;
	_ =	sdelay $0x3  }
0x127: {  	[tilespmem:v20+s24+$0x0] =	vst.idx.msk $0xffff, v19  }
0x128: {  	v20 =	vor.u32 v3, v18;
	v19 =	vld.idx.msk [tilespmem:v21+s20+$0x0], $0xffff  }
0x129: {  	v24 =	vor.u32 v4, v17;
	_ =	sdelay $0x3  }
0x12a: {  	[tilespmem:v20+s24+$0x0] =	vst.idx.msk $0xffff, v19  }
0x12b: {  	v20 =	vor.u32 v5, v18;
	v19 =	vld.idx.msk [tilespmem:v24+s20+$0x0], $0xffff  }
0x12c: {  	v25 =	vor.u32 v6, v17;
	_ =	sdelay $0x3  }
0x12d: {  	[tilespmem:v20+s24+$0x0] =	vst.idx.msk $0xffff, v19  }
0x12e: {  	v20 =	vor.u32 v7, v18;
	v19 =	vld.idx.msk [tilespmem:v25+s20+$0x0], $0xffff  }
0x12f: {  	v26 =	vor.u32 v8, v17;
	_ =	sdelay $0x3  }
0x130: {  	[tilespmem:v20+s24+$0x0] =	vst.idx.msk $0xffff, v19  }
0x131: {  	v20 =	vor.u32 v9, v18;
	v19 =	vld.idx.msk [tilespmem:v26+s20+$0x0], $0xffff  }
0x132: {  	v27 =	vor.u32 v10, v17;
	_ =	sdelay $0x3  }
0x133: {  	[tilespmem:v20+s24+$0x0] =	vst.idx.msk $0xffff, v19  }
0x134: {  	v20 =	vor.u32 v11, v18;
	v19 =	vld.idx.msk [tilespmem:v27+s20+$0x0], $0xffff  }
0x135: {  	v28 =	vor.u32 v12, v17;
	_ =	sdelay $0x3  }
0x136: {  	[tilespmem:v20+s24+$0x0] =	vst.idx.msk $0xffff, v19  }
0x137: {  	v20 =	vor.u32 v13, v18;
	v19 =	vld.idx.msk [tilespmem:v28+s20+$0x0], $0xffff  }
0x138: {  	v29 =	vor.u32 v14, v17;
	_ =	sdelay $0x3  }
0x139: {  	[tilespmem:v20+s24+$0x0] =	vst.idx.msk $0xffff, v19;
	v19 =	vor.u32 $0x10, v16  }
0x13a: {  	v18 =	vor.u32 v15, v18;
	v20 =	vld.idx.msk [tilespmem:v29+s20+$0x0], $0xffff;
	v30 =	vand.u32 $0x1F, v19  }
0x13b: {  	v22 =	vor.u32 v1, v30;
	_ =	sdelay $0x3  }
0x13c: {  	[tilespmem:v18+s24+$0x0] =	vst.idx.msk $0xffff, v20;
	v18 =	vshll.u32 v19, $0x7  }
0x13d: {  	v19 =	vld.idx.msk [tilespmem:v22+s20+$0x0], $0xffff;
	v20 =	vor.u32 v0, v18  }
0x13e: {  	v31 =	vor.u32 v2, v30;
	_ =	sdelay $0x3  }
0x13f: {  	[tilespmem:v20+s24+$0x0] =	vst.idx.msk $0xffff, v19  }
0x140: {  	v20 =	vor.u32 v3, v18;
	v19 =	vld.idx.msk [tilespmem:v31+s20+$0x0], $0xffff  }
0x141: {  	v32 =	vor.u32 v4, v30;
	_ =	sdelay $0x3  }
0x142: {  	[tilespmem:v20+s24+$0x0] =	vst.idx.msk $0xffff, v19  }
0x143: {  	v20 =	vor.u32 v5, v18;
	v19 =	vld.idx.msk [tilespmem:v32+s20+$0x0], $0xffff  }
0x144: {  	v33 =	vor.u32 v6, v30;
	_ =	sdelay $0x3  }
0x145: {  	[tilespmem:v20+s24+$0x0] =	vst.idx.msk $0xffff, v19  }
0x146: {  	v20 =	vor.u32 v7, v18;
	v19 =	vld.idx.msk [tilespmem:v33+s20+$0x0], $0xffff  }
0x147: {  	v34 =	vor.u32 v8, v30;
	_ =	sdelay $0x3  }
0x148: {  	[tilespmem:v20+s24+$0x0] =	vst.idx.msk $0xffff, v19  }
0x149: {  	v20 =	vor.u32 v9, v18;
	v19 =	vld.idx.msk [tilespmem:v34+s20+$0x0], $0xffff  }
0x14a: {  	v35 =	vor.u32 v10, v30;
	_ =	sdelay $0x3  }
0x14b: {  	[tilespmem:v20+s24+$0x0] =	vst.idx.msk $0xffff, v19  }
0x14c: {  	v20 =	vor.u32 v11, v18;
	v19 =	vld.idx.msk [tilespmem:v35+s20+$0x0], $0xffff  }
0x14d: {  	v36 =	vor.u32 v12, v30;
	_ =	sdelay $0x3  }
0x14e: {  	[tilespmem:v20+s24+$0x0] =	vst.idx.msk $0xffff, v19  }
0x14f: {  	v20 =	vor.u32 v13, v18;
	v19 =	vld.idx.msk [tilespmem:v36+s20+$0x0], $0xffff  }
0x150: {  	v21 =	vor.u32 v14, v30;
	_ =	sdelay $0x2  }
0x151: {  	v17 =	vor.u32 $0x20, v17  }
0x152: {  	[tilespmem:v20+s24+$0x0] =	vst.idx.msk $0xffff, v19;
	v19 =	vand.u32 $0x7, v16;
	v20 =	vand.u32 $0x28, v17  }
0x153: {  	v18 =	vor.u32 v15, v18;
	v21 =	vld.idx.msk [tilespmem:v21+s20+$0x0], $0xffff;
	v19 =	vor.u32 v19, v20  }
0x154: {  	v20 =	vor.u32 v1, v19;
	_ =	sdelay $0x3  }
0x155: {  	v17 =	vshll.u32 v17, $0x7;
	[tilespmem:v18+s24+$0x0] =	vst.idx.msk $0xffff, v21  }
0x156: {  	v18 =	vld.idx.msk [tilespmem:v20+s20+$0x0], $0xffff;
	v20 =	vor.u32 v0, v17  }
0x157: {  	v37 =	vor.u32 v2, v19;
	_ =	sdelay $0x3  }
0x158: {  	[tilespmem:v20+s24+$0x0] =	vst.idx.msk $0xffff, v18  }
0x159: {  	v20 =	vor.u32 v3, v17;
	v18 =	vld.idx.msk [tilespmem:v37+s20+$0x0], $0xffff  }
0x15a: {  	v38 =	vor.u32 v4, v19;
	_ =	sdelay $0x3  }
0x15b: {  	[tilespmem:v20+s24+$0x0] =	vst.idx.msk $0xffff, v18  }
0x15c: {  	v20 =	vor.u32 v5, v17;
	v18 =	vld.idx.msk [tilespmem:v38+s20+$0x0], $0xffff  }
0x15d: {  	v39 =	vor.u32 v6, v19;
	_ =	sdelay $0x3  }
0x15e: {  	[tilespmem:v20+s24+$0x0] =	vst.idx.msk $0xffff, v18  }
0x15f: {  	v20 =	vor.u32 v7, v17;
	v18 =	vld.idx.msk [tilespmem:v39+s20+$0x0], $0xffff  }
0x160: {  	v40 =	vor.u32 v8, v19;
	_ =	sdelay $0x3  }
0x161: {  	[tilespmem:v20+s24+$0x0] =	vst.idx.msk $0xffff, v18  }
0x162: {  	v20 =	vor.u32 v9, v17;
	v18 =	vld.idx.msk [tilespmem:v40+s20+$0x0], $0xffff  }
0x163: {  	v41 =	vor.u32 v10, v19;
	_ =	sdelay $0x3  }
0x164: {  	[tilespmem:v20+s24+$0x0] =	vst.idx.msk $0xffff, v18  }
0x165: {  	v20 =	vor.u32 v11, v17;
	v18 =	vld.idx.msk [tilespmem:v41+s20+$0x0], $0xffff  }
0x166: {  	v42 =	vor.u32 v12, v19;
	_ =	sdelay $0x3  }
0x167: {  	[tilespmem:v20+s24+$0x0] =	vst.idx.msk $0xffff, v18  }
0x168: {  	v20 =	vor.u32 v13, v17;
	v18 =	vld.idx.msk [tilespmem:v42+s20+$0x0], $0xffff  }
0x169: {  	v19 =	vor.u32 v14, v19;
	_ =	sdelay $0x3  }
0x16a: {  	v16 =	vor.u32 $0x30, v16;
	[tilespmem:v20+s24+$0x0] =	vst.idx.msk $0xffff, v18  }
0x16b: {  	v17 =	vor.u32 v15, v17;
	v18 =	vld.idx.msk [tilespmem:v19+s20+$0x0], $0xffff;
	v19 =	vand.u32 $0x3F, v16  }
0x16c: {  	v20 =	vor.u32 v1, v19;
	_ =	sdelay $0x3  }
0x16d: {  	v16 =	vshll.u32 v16, $0x7;
	[tilespmem:v17+s24+$0x0] =	vst.idx.msk $0xffff, v18  }
0x16e: {  	v18 =	vor.u32 v0, v16;
	v17 =	vld.idx.msk [tilespmem:v20+s20+$0x0], $0xffff  }
0x16f: {  	v20 =	vor.u32 v2, v19;
	_ =	sdelay $0x3  }
0x170: {  	[tilespmem:v18+s24+$0x0] =	vst.idx.msk $0xffff, v17  }
0x171: {  	v18 =	vor.u32 v3, v16;
	v17 =	vld.idx.msk [tilespmem:v20+s20+$0x0], $0xffff  }
0x172: {  	v20 =	vor.u32 v4, v19;
	_ =	sdelay $0x3  }
0x173: {  	[tilespmem:v18+s24+$0x0] =	vst.idx.msk $0xffff, v17  }
0x174: {  	v18 =	vor.u32 v5, v16;
	v17 =	vld.idx.msk [tilespmem:v20+s20+$0x0], $0xffff  }
0x175: {  	v20 =	vor.u32 v6, v19;
	_ =	sdelay $0x3  }
0x176: {  	[tilespmem:v18+s24+$0x0] =	vst.idx.msk $0xffff, v17  }
0x177: {  	v18 =	vor.u32 v7, v16;
	v17 =	vld.idx.msk [tilespmem:v20+s20+$0x0], $0xffff  }
0x178: {  	v20 =	vor.u32 v8, v19;
	_ =	sdelay $0x3  }
0x179: {  	[tilespmem:v18+s24+$0x0] =	vst.idx.msk $0xffff, v17  }
0x17a: {  	v18 =	vor.u32 v9, v16;
	v17 =	vld.idx.msk [tilespmem:v20+s20+$0x0], $0xffff  }
0x17b: {  	v20 =	vor.u32 v10, v19;
	_ =	sdelay $0x3  }
0x17c: {  	[tilespmem:v18+s24+$0x0] =	vst.idx.msk $0xffff, v17  }
0x17d: {  	v18 =	vor.u32 v11, v16;
	v17 =	vld.idx.msk [tilespmem:v20+s20+$0x0], $0xffff  }
0x17e: {  	v20 =	vor.u32 v12, v19;
	_ =	sdelay $0x3  }
0x17f: {  	[tilespmem:v18+s24+$0x0] =	vst.idx.msk $0xffff, v17  }
0x180: {  	v18 =	vor.u32 v13, v16;
	v17 =	vld.idx.msk [tilespmem:v20+s20+$0x0], $0xffff  }
0x181: {  	v19 =	vor.u32 v14, v19;
	_ =	sdelay $0x3  }
0x182: {  	[tilespmem:v18+s24+$0x0] =	vst.idx.msk $0xffff, v17  }
0x183: {  	v16 =	vor.u32 v15, v16;
	v17 =	vld.idx.msk [tilespmem:v19+s20+$0x0], $0xffff  }
0x184: {  	s7 =	sadd.s32 s4, s17  }
0x185: {  	s17 =	sshll.u32 s7, $0xA;
	s7 =	sshll.u32 s7, $0x7  }
0x186: {  	s17 =	sand.u32 $0xFFE0000, s17;
	s7 =	sand.u32 $0x3F00, s7  }
0x187: {  	s7 =	sor.u32 s7, s17  }
0x188: {  	s17 =	sadd.s32 s3, s7;
	[tilespmem:v16+s24+$0x0] =	vst.idx.msk $0xffff, v17  }
0x189: {  	[hbm4b:s17+s5] =	stream.linear.scatter [tilespmem:s24], [sflag:$0x5], $0x400, $0x38;
	[tilespmem:$0x8100] =	vst v63  }
0x18a: {  	s19 =	simm.s32 $0x4500;
	s17 =	sadd.s32 s7, s10  }
0x18b: {  	[hbm4b:s17+s5] =	stream.linear.scatter [tilespmem:s19], [sflag:$0x5], $0x400, $0x38;
	[tilespmem:$0x8100] =	vst v63  }
0x18c: {  	s17 =	sadd.s32 s7, s11;
	s19 =	simm.s32 $0x4900  }
0x18d: {  	[hbm4b:s17+s5] =	stream.linear.scatter [tilespmem:s19], [sflag:$0x5], $0x400, $0x38;
	[tilespmem:$0x8100] =	vst v63  }
0x18e: {  	s17 =	sadd.s32 s7, s12;
	s19 =	simm.s32 $0x4D00  }
0x18f: {  	[hbm4b:s17+s5] =	stream.linear.scatter [tilespmem:s19], [sflag:$0x5], $0x400, $0x38;
	[tilespmem:$0x8100] =	vst v63  }
0x190: {  	s17 =	sadd.s32 s7, s13;
	s19 =	simm.s32 $0x5100  }
0x191: {  	[hbm4b:s17+s5] =	stream.linear.scatter [tilespmem:s19], [sflag:$0x5], $0x400, $0x38;
	[tilespmem:$0x8100] =	vst v63  }
0x192: {  	s17 =	sadd.s32 s7, s14;
	s19 =	simm.s32 $0x5500  }
0x193: {  	[hbm4b:s17+s5] =	stream.linear.scatter [tilespmem:s19], [sflag:$0x5], $0x400, $0x38;
	[tilespmem:$0x8100] =	vst v63  }
0x194: {  	s17 =	sadd.s32 s7, s15;
	s19 =	simm.s32 $0x5900  }
0x195: {  	[hbm4b:s17+s5] =	stream.linear.scatter [tilespmem:s19], [sflag:$0x5], $0x400, $0x38;
	[tilespmem:$0x8100] =	vst v63  }
0x196: {  	s7 =	sadd.s32 s7, s16;
	s19 =	simm.s32 $0x5D00  }
0x197: {  	[hbm4b:s7+s5] =	stream.linear.scatter [tilespmem:s19], [sflag:$0x5], $0x400, $0x38;
	[tilespmem:$0x8100] =	vst v63  }
0x198: {  	s7 =	sadd.s32 @!p0 s2, s9  }
0x199: {  	s17 =	sshll.u32 @!p0 s7, $0xA  }
0x19a: {  	s19 =	sshll.u32 @!p0 s7, $0x7;
	s7 =	sand.u32 @!p0 $0x380, s7;
	s17 =	sand.u32 @!p0 $0x1FC00, s17  }
0x19b: {  	_ =	swait.ge [sflag:s0], $0x2000;
	s19 =	sand.u32 @!p0 $0x7FFE0000, s19;
	s7 =	sor.u32 @!p0 s7, s17  }
0x19c: {  	[sflag:s0] =	ssyncset.done $0x0;
	s7 =	sor.u32 @!p0 s19, s7  }
0x19d: {  	[sflag:s0] =	ssyncadd.s32 $0xFFFFE000;
	s7 =	sshrl.u32 @!p0 s7, $0x3  }
0x19e: {  	s17 =	simm.s32 @!p0 $0x0;
	s19 =	simm.s32 @!p0 $0x80;
	s7 =	sadd.s32 @!p0 s1, s7  }
0x19f: {  	[tilespmem:s19], [sflag:$0x2] =	stream.linear.gather @!p0 [hbm4b:s7+s17], $0x80, $0x38;
	[tilespmem:$0x8100] =	vst v63  }
0x1a0: {  	s7 =	simm.s32 @!p0 $0x1  }
0x1a1: {  	_ =	swait.ge @!p0 [sflag:s7], $0x80  }
0x1a2: {  	[sflag:s7] =	ssyncset.done @!p0 $0x0  }
0x1a3: {  	p1 =	seq.s32 @!p0 s31, $0x0;
	[sflag:s7] =	ssyncadd.s32 @!p0 $0xFFFFFF80;
	s7 =	simm.s32 @!p0 $0x100  }
0x1a4: {  	[tilespmem:s7], [sflag:$0x3] =	stream.indirect.gather @!p0 [hbm4b:s6+s19], $0x40, s17, s19, $0xb8;
	[tilespmem:$0x8100] =	vst v63  }
0x1a5: {  	p0 =	por p0, !p1  }
0x1a6: {  	_ =	swait.ge @p0 [sflag:s30], $0x400  }
0x1a7: {  	[sflag:s30] =	ssyncset.done @p0 $0x0  }
0x1a8: {  	[sflag:s30] =	ssyncadd.s32 @p0 $0xFFFFFC00  }
0x1a9: {  	_ =	swait.ge @p0 [sflag:s30], $0x400  }
0x1aa: {  	[sflag:s30] =	ssyncset.done @p0 $0x0  }
0x1ab: {  	[sflag:s30] =	ssyncadd.s32 @p0 $0xFFFFFC00  }
0x1ac: {  	_ =	swait.ge @p0 [sflag:s30], $0x400  }
0x1ad: {  	[sflag:s30] =	ssyncset.done @p0 $0x0  }
0x1ae: {  	[sflag:s30] =	ssyncadd.s32 @p0 $0xFFFFFC00  }
0x1af: {  	_ =	swait.ge @p0 [sflag:s30], $0x400  }
0x1b0: {  	[sflag:s30] =	ssyncset.done @p0 $0x0  }
0x1b1: {  	[sflag:s30] =	ssyncadd.s32 @p0 $0xFFFFFC00  }
0x1b2: {  	_ =	swait.ge @p0 [sflag:s30], $0x400  }
0x1b3: {  	[sflag:s30] =	ssyncset.done @p0 $0x0  }
0x1b4: {  	[sflag:s30] =	ssyncadd.s32 @p0 $0xFFFFFC00  }
0x1b5: {  	_ =	swait.ge @p0 [sflag:s30], $0x400  }
0x1b6: {  	s17 =	simm.s32 $0x0;
	[sflag:s30] =	ssyncset.done @p0 $0x0  }
0x1b7: {  	v16 =	vadd.s32 s17, v0;
	[sflag:s30] =	ssyncadd.s32 @p0 $0xFFFFFC00  }
0x1b8: {  	v17 =	vand.u32 $0xF, v16;
	_ =	swait.ge @p0 [sflag:s30], $0x400  }
0x1b9: {  	v18 =	vor.u32 v1, v17;
	[sflag:s30] =	ssyncset.done @p0 $0x0  }
0x1ba: {  	[sflag:s30] =	ssyncadd.s32 @p0 $0xFFFFFC00  }
0x1bb: {  	_ =	swait.ge @p0 [sflag:s30], $0x400  }
0x1bc: {  	[sflag:s30] =	ssyncset.done @p0 $0x0  }
0x1bd: {  	v19 =	vshll.u32 v17, $0x7;
	[sflag:s30] =	ssyncadd.s32 @p0 $0xFFFFFC00  }
0x1be: {  	v20 =	vor.u32 v0, v19;
	v18 =	vld.idx.msk [tilespmem:v18+s23+$0x0], $0xffff  }
0x1bf: {  	v43 =	vor.u32 v2, v17;
	_ =	sdelay $0x3  }
0x1c0: {  	[tilespmem:v20+s8+$0x0] =	vst.idx.msk $0xffff, v18  }
0x1c1: {  	v20 =	vor.u32 v3, v19;
	v18 =	vld.idx.msk [tilespmem:v43+s23+$0x0], $0xffff  }
0x1c2: {  	v44 =	vor.u32 v4, v17;
	_ =	sdelay $0x3  }
0x1c3: {  	[tilespmem:v20+s8+$0x0] =	vst.idx.msk $0xffff, v18  }
0x1c4: {  	v20 =	vor.u32 v5, v19;
	v18 =	vld.idx.msk [tilespmem:v44+s23+$0x0], $0xffff  }
0x1c5: {  	v45 =	vor.u32 v6, v17;
	_ =	sdelay $0x3  }
0x1c6: {  	[tilespmem:v20+s8+$0x0] =	vst.idx.msk $0xffff, v18  }
0x1c7: {  	v20 =	vor.u32 v7, v19;
	v18 =	vld.idx.msk [tilespmem:v45+s23+$0x0], $0xffff  }
0x1c8: {  	v46 =	vor.u32 v8, v17;
	_ =	sdelay $0x3  }
0x1c9: {  	[tilespmem:v20+s8+$0x0] =	vst.idx.msk $0xffff, v18  }
0x1ca: {  	v20 =	vor.u32 v9, v19;
	v18 =	vld.idx.msk [tilespmem:v46+s23+$0x0], $0xffff  }
0x1cb: {  	v47 =	vor.u32 v10, v17;
	_ =	sdelay $0x3  }
0x1cc: {  	[tilespmem:v20+s8+$0x0] =	vst.idx.msk $0xffff, v18  }
0x1cd: {  	v20 =	vor.u32 v11, v19;
	v18 =	vld.idx.msk [tilespmem:v47+s23+$0x0], $0xffff  }
0x1ce: {  	v48 =	vor.u32 v12, v17;
	_ =	sdelay $0x3  }
0x1cf: {  	[tilespmem:v20+s8+$0x0] =	vst.idx.msk $0xffff, v18  }
0x1d0: {  	v20 =	vor.u32 v13, v19;
	v18 =	vld.idx.msk [tilespmem:v48+s23+$0x0], $0xffff  }
0x1d1: {  	v49 =	vor.u32 v14, v17;
	_ =	sdelay $0x3  }
0x1d2: {  	[tilespmem:v20+s8+$0x0] =	vst.idx.msk $0xffff, v18;
	v18 =	vor.u32 $0x10, v16  }
0x1d3: {  	v19 =	vor.u32 v15, v19;
	v20 =	vld.idx.msk [tilespmem:v49+s23+$0x0], $0xffff;
	v50 =	vand.u32 $0x1F, v18  }
0x1d4: {  	v51 =	vor.u32 v1, v50;
	_ =	sdelay $0x3  }
0x1d5: {  	v18 =	vshll.u32 v18, $0x7;
	[tilespmem:v19+s8+$0x0] =	vst.idx.msk $0xffff, v20  }
0x1d6: {  	v20 =	vor.u32 v0, v18;
	v19 =	vld.idx.msk [tilespmem:v51+s23+$0x0], $0xffff  }
0x1d7: {  	v52 =	vor.u32 v2, v50;
	_ =	sdelay $0x3  }
0x1d8: {  	[tilespmem:v20+s8+$0x0] =	vst.idx.msk $0xffff, v19  }
0x1d9: {  	v20 =	vor.u32 v3, v18;
	v19 =	vld.idx.msk [tilespmem:v52+s23+$0x0], $0xffff  }
0x1da: {  	v53 =	vor.u32 v4, v50;
	_ =	sdelay $0x3  }
0x1db: {  	[tilespmem:v20+s8+$0x0] =	vst.idx.msk $0xffff, v19  }
0x1dc: {  	v20 =	vor.u32 v5, v18;
	v19 =	vld.idx.msk [tilespmem:v53+s23+$0x0], $0xffff  }
0x1dd: {  	v54 =	vor.u32 v6, v50;
	_ =	sdelay $0x3  }
0x1de: {  	[tilespmem:v20+s8+$0x0] =	vst.idx.msk $0xffff, v19  }
0x1df: {  	v20 =	vor.u32 v7, v18;
	v19 =	vld.idx.msk [tilespmem:v54+s23+$0x0], $0xffff  }
0x1e0: {  	v55 =	vor.u32 v8, v50;
	_ =	sdelay $0x3  }
0x1e1: {  	[tilespmem:v20+s8+$0x0] =	vst.idx.msk $0xffff, v19  }
0x1e2: {  	v20 =	vor.u32 v9, v18;
	v19 =	vld.idx.msk [tilespmem:v55+s23+$0x0], $0xffff  }
0x1e3: {  	v56 =	vor.u32 v10, v50;
	_ =	sdelay $0x3  }
0x1e4: {  	[tilespmem:v20+s8+$0x0] =	vst.idx.msk $0xffff, v19  }
0x1e5: {  	v20 =	vor.u32 v11, v18;
	v19 =	vld.idx.msk [tilespmem:v56+s23+$0x0], $0xffff  }
0x1e6: {  	v57 =	vor.u32 v12, v50;
	_ =	sdelay $0x3  }
0x1e7: {  	[tilespmem:v20+s8+$0x0] =	vst.idx.msk $0xffff, v19  }
0x1e8: {  	v20 =	vor.u32 v13, v18;
	v19 =	vld.idx.msk [tilespmem:v57+s23+$0x0], $0xffff  }
0x1e9: {  	v21 =	vor.u32 v14, v50;
	_ =	sdelay $0x2  }
0x1ea: {  	v17 =	vor.u32 $0x20, v17  }
0x1eb: {  	[tilespmem:v20+s8+$0x0] =	vst.idx.msk $0xffff, v19;
	v19 =	vand.u32 $0x7, v16;
	v20 =	vand.u32 $0x28, v17  }
0x1ec: {  	v18 =	vor.u32 v15, v18;
	v21 =	vld.idx.msk [tilespmem:v21+s23+$0x0], $0xffff;
	v19 =	vor.u32 v19, v20  }
0x1ed: {  	v20 =	vor.u32 v1, v19;
	_ =	sdelay $0x3  }
0x1ee: {  	v17 =	vshll.u32 v17, $0x7;
	[tilespmem:v18+s8+$0x0] =	vst.idx.msk $0xffff, v21  }
0x1ef: {  	v18 =	vld.idx.msk [tilespmem:v20+s23+$0x0], $0xffff;
	v20 =	vor.u32 v0, v17  }
0x1f0: {  	v58 =	vor.u32 v2, v19;
	_ =	sdelay $0x3  }
0x1f1: {  	[tilespmem:v20+s8+$0x0] =	vst.idx.msk $0xffff, v18  }
0x1f2: {  	v20 =	vor.u32 v3, v17;
	v18 =	vld.idx.msk [tilespmem:v58+s23+$0x0], $0xffff  }
0x1f3: {  	v59 =	vor.u32 v4, v19;
	_ =	sdelay $0x3  }
0x1f4: {  	[tilespmem:v20+s8+$0x0] =	vst.idx.msk $0xffff, v18  }
0x1f5: {  	v20 =	vor.u32 v5, v17;
	v18 =	vld.idx.msk [tilespmem:v59+s23+$0x0], $0xffff  }
0x1f6: {  	v60 =	vor.u32 v6, v19;
	_ =	sdelay $0x3  }
0x1f7: {  	[tilespmem:v20+s8+$0x0] =	vst.idx.msk $0xffff, v18  }
0x1f8: {  	v20 =	vor.u32 v7, v17;
	v18 =	vld.idx.msk [tilespmem:v60+s23+$0x0], $0xffff  }
0x1f9: {  	v61 =	vor.u32 v8, v19;
	_ =	sdelay $0x3  }
0x1fa: {  	[tilespmem:v20+s8+$0x0] =	vst.idx.msk $0xffff, v18  }
0x1fb: {  	v20 =	vor.u32 v9, v17;
	v18 =	vld.idx.msk [tilespmem:v61+s23+$0x0], $0xffff  }
0x1fc: {  	v62 =	vor.u32 v10, v19;
	_ =	sdelay $0x3  }
0x1fd: {  	[tilespmem:v20+s8+$0x0] =	vst.idx.msk $0xffff, v18  }
0x1fe: {  	v20 =	vor.u32 v11, v17;
	v18 =	vld.idx.msk [tilespmem:v62+s23+$0x0], $0xffff  }
0x1ff: {  	v63 =	vor.u32 v12, v19;
	_ =	sdelay $0x3  }
0x200: {  	[tilespmem:v20+s8+$0x0] =	vst.idx.msk $0xffff, v18  }
0x201: {  	v20 =	vor.u32 v13, v17;
	v18 =	vld.idx.msk [tilespmem:v63+s23+$0x0], $0xffff  }
0x202: {  	v19 =	vor.u32 v14, v19;
	_ =	sdelay $0x3  }
0x203: {  	v16 =	vor.u32 $0x30, v16;
	[tilespmem:v20+s8+$0x0] =	vst.idx.msk $0xffff, v18  }
0x204: {  	v17 =	vor.u32 v15, v17;
	v18 =	vld.idx.msk [tilespmem:v19+s23+$0x0], $0xffff;
	v19 =	vand.u32 $0x3F, v16  }
0x205: {  	v20 =	vor.u32 v1, v19;
	_ =	sdelay $0x3  }
0x206: {  	[tilespmem:v17+s8+$0x0] =	vst.idx.msk $0xffff, v18;
	v18 =	vshll.u32 v16, $0x7  }
0x207: {  	v16 =	vld.idx.msk [tilespmem:v20+s23+$0x0], $0xffff;
	v17 =	vor.u32 v0, v18  }
0x208: {  	v20 =	vor.u32 v2, v19;
	_ =	sdelay $0x3  }
0x209: {  	[tilespmem:v17+s8+$0x0] =	vst.idx.msk $0xffff, v16  }
0x20a: {  	v17 =	vor.u32 v3, v18;
	v16 =	vld.idx.msk [tilespmem:v20+s23+$0x0], $0xffff  }
0x20b: {  	v20 =	vor.u32 v4, v19;
	_ =	sdelay $0x3  }
0x20c: {  	[tilespmem:v17+s8+$0x0] =	vst.idx.msk $0xffff, v16  }
0x20d: {  	v17 =	vor.u32 v5, v18;
	v16 =	vld.idx.msk [tilespmem:v20+s23+$0x0], $0xffff  }
0x20e: {  	v20 =	vor.u32 v6, v19;
	_ =	sdelay $0x3  }
0x20f: {  	[tilespmem:v17+s8+$0x0] =	vst.idx.msk $0xffff, v16  }
0x210: {  	v17 =	vor.u32 v7, v18;
	v16 =	vld.idx.msk [tilespmem:v20+s23+$0x0], $0xffff  }
0x211: {  	v20 =	vor.u32 v8, v19;
	_ =	sdelay $0x3  }
0x212: {  	[tilespmem:v17+s8+$0x0] =	vst.idx.msk $0xffff, v16  }
0x213: {  	v17 =	vor.u32 v9, v18;
	v16 =	vld.idx.msk [tilespmem:v20+s23+$0x0], $0xffff  }
0x214: {  	v20 =	vor.u32 v10, v19;
	_ =	sdelay $0x3  }
0x215: {  	[tilespmem:v17+s8+$0x0] =	vst.idx.msk $0xffff, v16  }
0x216: {  	v17 =	vor.u32 v11, v18;
	v16 =	vld.idx.msk [tilespmem:v20+s23+$0x0], $0xffff  }
0x217: {  	v20 =	vor.u32 v12, v19;
	_ =	sdelay $0x3  }
0x218: {  	[tilespmem:v17+s8+$0x0] =	vst.idx.msk $0xffff, v16  }
0x219: {  	v17 =	vor.u32 v13, v18;
	v16 =	vld.idx.msk [tilespmem:v20+s23+$0x0], $0xffff  }
0x21a: {  	v19 =	vor.u32 v14, v19;
	_ =	sdelay $0x3  }
0x21b: {  	s19 =	simm.s32 $0x1;
	[tilespmem:v17+s8+$0x0] =	vst.idx.msk $0xffff, v16  }
0x21c: {  	s7 =	simm.s32 $0x2;
	v16 =	vadd.s32 s19, v0;
	v19 =	vld.idx.msk [tilespmem:v19+s23+$0x0], $0xffff  }
.LBB2_5:
0x21d: {  	p0 =	sne.s32 s7, $0xF;
	v17 =	vand.u32 $0xF, v16;
	v18 =	vor.u32 v15, v18  }
0x21e: {  	v20 =	vor.u32 v1, v17;
	_ =	sdelay $0x3  }
0x21f: {  	[tilespmem:v18+s8+$0x0] =	vst.idx.msk $0xffff, v19  }
0x220: {  	v19 =	vshll.u32 v17, $0x7;
	v18 =	vld.idx.msk [tilespmem:v20+s23+$0x0], $0xffff  }
0x221: {  	v20 =	vor.u32 v0, v19  }
0x222: {  	v21 =	vor.u32 v2, v17;
	_ =	sdelay $0x3  }
0x223: {  	[tilespmem:v20+s8+$0x0] =	vst.idx.msk $0xffff, v18  }
0x224: {  	v18 =	vld.idx.msk [tilespmem:v21+s23+$0x0], $0xffff  }
0x225: {  	v20 =	vor.u32 v3, v19  }
0x226: {  	v21 =	vor.u32 v4, v17;
	_ =	sdelay $0x3  }
0x227: {  	[tilespmem:v20+s8+$0x0] =	vst.idx.msk $0xffff, v18  }
0x228: {  	v18 =	vld.idx.msk [tilespmem:v21+s23+$0x0], $0xffff  }
0x229: {  	v20 =	vor.u32 v5, v19  }
0x22a: {  	v21 =	vor.u32 v6, v17;
	_ =	sdelay $0x3  }
0x22b: {  	[tilespmem:v20+s8+$0x0] =	vst.idx.msk $0xffff, v18  }
0x22c: {  	v18 =	vld.idx.msk [tilespmem:v21+s23+$0x0], $0xffff  }
0x22d: {  	v20 =	vor.u32 v7, v19  }
0x22e: {  	v21 =	vor.u32 v8, v17;
	_ =	sdelay $0x3  }
0x22f: {  	[tilespmem:v20+s8+$0x0] =	vst.idx.msk $0xffff, v18  }
0x230: {  	v18 =	vld.idx.msk [tilespmem:v21+s23+$0x0], $0xffff  }
0x231: {  	v20 =	vor.u32 v9, v19  }
0x232: {  	v21 =	vor.u32 v10, v17;
	_ =	sdelay $0x3  }
0x233: {  	[tilespmem:v20+s8+$0x0] =	vst.idx.msk $0xffff, v18  }
0x234: {  	v18 =	vld.idx.msk [tilespmem:v21+s23+$0x0], $0xffff  }
0x235: {  	v20 =	vor.u32 v11, v19  }
0x236: {  	v21 =	vor.u32 v12, v17;
	_ =	sdelay $0x3  }
0x237: {  	[tilespmem:v20+s8+$0x0] =	vst.idx.msk $0xffff, v18  }
0x238: {  	v18 =	vld.idx.msk [tilespmem:v21+s23+$0x0], $0xffff  }
0x239: {  	v20 =	vor.u32 v13, v19  }
0x23a: {  	v21 =	vor.u32 v14, v17;
	_ =	sdelay $0x3  }
0x23b: {  	[tilespmem:v20+s8+$0x0] =	vst.idx.msk $0xffff, v18  }
0x23c: {  	v20 =	vor.u32 $0x10, v16;
	v18 =	vld.idx.msk [tilespmem:v21+s23+$0x0], $0xffff  }
0x23d: {  	v19 =	vor.u32 v15, v19;
	v21 =	vand.u32 $0x1F, v20  }
0x23e: {  	v22 =	vor.u32 v1, v21;
	_ =	sdelay $0x3  }
0x23f: {  	[tilespmem:v19+s8+$0x0] =	vst.idx.msk $0xffff, v18  }
0x240: {  	v19 =	vshll.u32 v20, $0x7;
	v18 =	vld.idx.msk [tilespmem:v22+s23+$0x0], $0xffff  }
0x241: {  	v20 =	vor.u32 v0, v19  }
0x242: {  	v22 =	vor.u32 v2, v21;
	_ =	sdelay $0x3  }
0x243: {  	[tilespmem:v20+s8+$0x0] =	vst.idx.msk $0xffff, v18  }
0x244: {  	v18 =	vld.idx.msk [tilespmem:v22+s23+$0x0], $0xffff  }
0x245: {  	v20 =	vor.u32 v3, v19  }
0x246: {  	v22 =	vor.u32 v4, v21;
	_ =	sdelay $0x3  }
0x247: {  	[tilespmem:v20+s8+$0x0] =	vst.idx.msk $0xffff, v18  }
0x248: {  	v18 =	vld.idx.msk [tilespmem:v22+s23+$0x0], $0xffff  }
0x249: {  	v20 =	vor.u32 v5, v19  }
0x24a: {  	v22 =	vor.u32 v6, v21;
	_ =	sdelay $0x3  }
0x24b: {  	[tilespmem:v20+s8+$0x0] =	vst.idx.msk $0xffff, v18  }
0x24c: {  	v18 =	vld.idx.msk [tilespmem:v22+s23+$0x0], $0xffff  }
0x24d: {  	v20 =	vor.u32 v7, v19  }
0x24e: {  	v22 =	vor.u32 v8, v21;
	_ =	sdelay $0x3  }
0x24f: {  	[tilespmem:v20+s8+$0x0] =	vst.idx.msk $0xffff, v18  }
0x250: {  	v18 =	vld.idx.msk [tilespmem:v22+s23+$0x0], $0xffff  }
0x251: {  	v20 =	vor.u32 v9, v19  }
0x252: {  	v22 =	vor.u32 v10, v21;
	_ =	sdelay $0x3  }
0x253: {  	[tilespmem:v20+s8+$0x0] =	vst.idx.msk $0xffff, v18  }
0x254: {  	v18 =	vld.idx.msk [tilespmem:v22+s23+$0x0], $0xffff  }
0x255: {  	v20 =	vor.u32 v11, v19  }
0x256: {  	v22 =	vor.u32 v12, v21;
	_ =	sdelay $0x3  }
0x257: {  	[tilespmem:v20+s8+$0x0] =	vst.idx.msk $0xffff, v18  }
0x258: {  	v18 =	vld.idx.msk [tilespmem:v22+s23+$0x0], $0xffff  }
0x259: {  	v20 =	vor.u32 v13, v19  }
0x25a: {  	v21 =	vor.u32 v14, v21;
	_ =	sdelay $0x3  }
0x25b: {  	v17 =	vor.u32 $0x20, v17;
	[tilespmem:v20+s8+$0x0] =	vst.idx.msk $0xffff, v18  }
0x25c: {  	v18 =	vand.u32 $0x7, v16;
	v20 =	vld.idx.msk [tilespmem:v21+s23+$0x0], $0xffff;
	v21 =	vand.u32 $0x28, v17  }
0x25d: {  	v19 =	vor.u32 v15, v19;
	v18 =	vor.u32 v18, v21  }
0x25e: {  	v21 =	vor.u32 v1, v18;
	_ =	sdelay $0x3  }
0x25f: {  	[tilespmem:v19+s8+$0x0] =	vst.idx.msk $0xffff, v20  }
0x260: {  	v17 =	vshll.u32 v17, $0x7;
	v19 =	vld.idx.msk [tilespmem:v21+s23+$0x0], $0xffff  }
0x261: {  	v20 =	vor.u32 v0, v17  }
0x262: {  	v21 =	vor.u32 v2, v18;
	_ =	sdelay $0x3  }
0x263: {  	[tilespmem:v20+s8+$0x0] =	vst.idx.msk $0xffff, v19  }
0x264: {  	v19 =	vld.idx.msk [tilespmem:v21+s23+$0x0], $0xffff  }
0x265: {  	v20 =	vor.u32 v3, v17  }
0x266: {  	v21 =	vor.u32 v4, v18;
	_ =	sdelay $0x3  }
0x267: {  	[tilespmem:v20+s8+$0x0] =	vst.idx.msk $0xffff, v19  }
0x268: {  	v19 =	vld.idx.msk [tilespmem:v21+s23+$0x0], $0xffff  }
0x269: {  	v20 =	vor.u32 v5, v17  }
0x26a: {  	v21 =	vor.u32 v6, v18;
	_ =	sdelay $0x3  }
0x26b: {  	[tilespmem:v20+s8+$0x0] =	vst.idx.msk $0xffff, v19  }
0x26c: {  	v19 =	vld.idx.msk [tilespmem:v21+s23+$0x0], $0xffff  }
0x26d: {  	v20 =	vor.u32 v7, v17  }
0x26e: {  	v21 =	vor.u32 v8, v18;
	_ =	sdelay $0x3  }
0x26f: {  	[tilespmem:v20+s8+$0x0] =	vst.idx.msk $0xffff, v19  }
0x270: {  	v19 =	vld.idx.msk [tilespmem:v21+s23+$0x0], $0xffff  }
0x271: {  	v20 =	vor.u32 v9, v17  }
0x272: {  	v21 =	vor.u32 v10, v18;
	_ =	sdelay $0x3  }
0x273: {  	[tilespmem:v20+s8+$0x0] =	vst.idx.msk $0xffff, v19  }
0x274: {  	v19 =	vld.idx.msk [tilespmem:v21+s23+$0x0], $0xffff  }
0x275: {  	v20 =	vor.u32 v11, v17  }
0x276: {  	v21 =	vor.u32 v12, v18;
	_ =	sdelay $0x3  }
0x277: {  	[tilespmem:v20+s8+$0x0] =	vst.idx.msk $0xffff, v19  }
0x278: {  	v19 =	vld.idx.msk [tilespmem:v21+s23+$0x0], $0xffff  }
0x279: {  	v20 =	vor.u32 v13, v17  }
0x27a: {  	v18 =	vor.u32 v14, v18;
	_ =	sdelay $0x3  }
0x27b: {  	[tilespmem:v20+s8+$0x0] =	vst.idx.msk $0xffff, v19  }
0x27c: {  	v16 =	vor.u32 $0x30, v16;
	v18 =	vld.idx.msk [tilespmem:v18+s23+$0x0], $0xffff  }
0x27d: {  	v17 =	vor.u32 v15, v17;
	v19 =	vand.u32 $0x3F, v16  }
0x27e: {  	v20 =	vor.u32 v1, v19;
	_ =	sdelay $0x3  }
0x27f: {  	[tilespmem:v17+s8+$0x0] =	vst.idx.msk $0xffff, v18  }
0x280: {  	v18 =	vshll.u32 v16, $0x7;
	v17 =	vld.idx.msk [tilespmem:v20+s23+$0x0], $0xffff  }
0x281: {  	v16 =	vor.u32 v0, v18  }
0x282: {  	v20 =	vor.u32 v2, v19;
	_ =	sdelay $0x3  }
0x283: {  	[tilespmem:v16+s8+$0x0] =	vst.idx.msk $0xffff, v17  }
0x284: {  	v16 =	vld.idx.msk [tilespmem:v20+s23+$0x0], $0xffff  }
0x285: {  	v17 =	vor.u32 v3, v18  }
0x286: {  	v20 =	vor.u32 v4, v19;
	_ =	sdelay $0x3  }
0x287: {  	[tilespmem:v17+s8+$0x0] =	vst.idx.msk $0xffff, v16  }
0x288: {  	v16 =	vld.idx.msk [tilespmem:v20+s23+$0x0], $0xffff  }
0x289: {  	v17 =	vor.u32 v5, v18  }
0x28a: {  	v20 =	vor.u32 v6, v19;
	_ =	sdelay $0x3  }
0x28b: {  	[tilespmem:v17+s8+$0x0] =	vst.idx.msk $0xffff, v16  }
0x28c: {  	v16 =	vld.idx.msk [tilespmem:v20+s23+$0x0], $0xffff  }
0x28d: {  	v17 =	vor.u32 v7, v18  }
0x28e: {  	v20 =	vor.u32 v8, v19;
	_ =	sdelay $0x3  }
0x28f: {  	[tilespmem:v17+s8+$0x0] =	vst.idx.msk $0xffff, v16  }
0x290: {  	v16 =	vld.idx.msk [tilespmem:v20+s23+$0x0], $0xffff  }
0x291: {  	v17 =	vor.u32 v9, v18  }
0x292: {  	v20 =	vor.u32 v10, v19;
	_ =	sdelay $0x3  }
0x293: {  	[tilespmem:v17+s8+$0x0] =	vst.idx.msk $0xffff, v16  }
0x294: {  	v16 =	vld.idx.msk [tilespmem:v20+s23+$0x0], $0xffff  }
0x295: {  	v17 =	vor.u32 v11, v18  }
0x296: {  	v20 =	vor.u32 v12, v19;
	_ =	sdelay $0x3  }
0x297: {  	[tilespmem:v17+s8+$0x0] =	vst.idx.msk $0xffff, v16  }
0x298: {  	v16 =	vld.idx.msk [tilespmem:v20+s23+$0x0], $0xffff  }
0x299: {  	v17 =	vor.u32 v13, v18  }
0x29a: {  	v19 =	vor.u32 v14, v19  }
.Ltmp1:
0x29b: {  	(pc) =	sbr.rel @p0 .LBB2_5-.Ltmp1, $3  }
0x29c: {  	_ =	sdelay $0x1  }
0x29d: {  	[tilespmem:v17+s8+$0x0] =	vst.idx.msk $0xffff, v16  }
0x29e: {  	v16 =	vadd.s32 s7, v0;
	s7 =	sadd.s32 $0x1, s7;
	v19 =	vld.idx.msk [tilespmem:v19+s23+$0x0], $0xffff  }
0x29f: {  	v17 =	vand.u32 $0xF, v16;
	v18 =	vor.u32 v15, v18  }
0x2a0: {  	v20 =	vor.u32 v1, v17;
	_ =	sdelay $0x3  }
0x2a1: {  	v43 =	vshll.u32 v17, $0x7;
	[tilespmem:v18+s8+$0x0] =	vst.idx.msk $0xffff, v19  }
0x2a2: {  	v44 =	vor.u32 v0, v43;
	v19 =	vld.idx.msk [tilespmem:v20+s23+$0x0], $0xffff  }
0x2a3: {  	v21 =	vor.u32 v2, v17;
	_ =	sdelay $0x3  }
0x2a4: {  	[tilespmem:v44+s8+$0x0] =	vst.idx.msk $0xffff, v19  }
0x2a5: {  	v45 =	vor.u32 v3, v43;
	v19 =	vld.idx.msk [tilespmem:v21+s23+$0x0], $0xffff  }
0x2a6: {  	v46 =	vor.u32 v4, v17;
	_ =	sdelay $0x3  }
0x2a7: {  	[tilespmem:v45+s8+$0x0] =	vst.idx.msk $0xffff, v19  }
0x2a8: {  	v47 =	vor.u32 v5, v43;
	v19 =	vld.idx.msk [tilespmem:v46+s23+$0x0], $0xffff  }
0x2a9: {  	v48 =	vor.u32 v6, v17;
	_ =	sdelay $0x3  }
0x2aa: {  	[tilespmem:v47+s8+$0x0] =	vst.idx.msk $0xffff, v19  }
0x2ab: {  	v49 =	vor.u32 v7, v43;
	v19 =	vld.idx.msk [tilespmem:v48+s23+$0x0], $0xffff  }
0x2ac: {  	v50 =	vor.u32 v8, v17;
	_ =	sdelay $0x3  }
0x2ad: {  	[tilespmem:v49+s8+$0x0] =	vst.idx.msk $0xffff, v19  }
0x2ae: {  	v51 =	vor.u32 v9, v43;
	v19 =	vld.idx.msk [tilespmem:v50+s23+$0x0], $0xffff  }
0x2af: {  	v52 =	vor.u32 v10, v17;
	_ =	sdelay $0x3  }
0x2b0: {  	[tilespmem:v51+s8+$0x0] =	vst.idx.msk $0xffff, v19  }
0x2b1: {  	v53 =	vor.u32 v11, v43;
	v19 =	vld.idx.msk [tilespmem:v52+s23+$0x0], $0xffff  }
0x2b2: {  	v54 =	vor.u32 v12, v17;
	_ =	sdelay $0x3  }
0x2b3: {  	[tilespmem:v53+s8+$0x0] =	vst.idx.msk $0xffff, v19  }
0x2b4: {  	v55 =	vor.u32 v13, v43;
	v19 =	vld.idx.msk [tilespmem:v54+s23+$0x0], $0xffff  }
0x2b5: {  	v56 =	vor.u32 v14, v17;
	_ =	sdelay $0x3  }
0x2b6: {  	v57 =	vor.u32 $0x10, v16;
	[tilespmem:v55+s8+$0x0] =	vst.idx.msk $0xffff, v19  }
0x2b7: {  	v58 =	vand.u32 $0x1F, v57;
	v18 =	vor.u32 v15, v43;
	v20 =	vld.idx.msk [tilespmem:v56+s23+$0x0], $0xffff  }
0x2b8: {  	v22 =	vor.u32 v1, v58;
	_ =	sdelay $0x3  }
0x2b9: {  	v59 =	vshll.u32 v57, $0x7;
	[tilespmem:v18+s8+$0x0] =	vst.idx.msk $0xffff, v20  }
0x2ba: {  	v61 =	vor.u32 v0, v59;
	v60 =	vld.idx.msk [tilespmem:v22+s23+$0x0], $0xffff  }
0x2bb: {  	v62 =	vor.u32 v2, v58;
	_ =	sdelay $0x3  }
0x2bc: {  	[tilespmem:v61+s8+$0x0] =	vst.idx.msk $0xffff, v60  }
0x2bd: {  	v63 =	vor.u32 v3, v59;
	v19 =	vld.idx.msk [tilespmem:v62+s23+$0x0], $0xffff  }
0x2be: {  	v24 =	vor.u32 v4, v58;
	_ =	sdelay $0x3  }
0x2bf: {  	[tilespmem:v63+s8+$0x0] =	vst.idx.msk $0xffff, v19  }
0x2c0: {  	v25 =	vor.u32 v5, v59;
	v19 =	vld.idx.msk [tilespmem:v24+s23+$0x0], $0xffff  }
0x2c1: {  	v26 =	vor.u32 v6, v58;
	_ =	sdelay $0x3  }
0x2c2: {  	[tilespmem:v25+s8+$0x0] =	vst.idx.msk $0xffff, v19  }
0x2c3: {  	v27 =	vor.u32 v7, v59;
	v19 =	vld.idx.msk [tilespmem:v26+s23+$0x0], $0xffff  }
0x2c4: {  	v28 =	vor.u32 v8, v58;
	_ =	sdelay $0x3  }
0x2c5: {  	[tilespmem:v27+s8+$0x0] =	vst.idx.msk $0xffff, v19  }
0x2c6: {  	v29 =	vor.u32 v9, v59;
	v19 =	vld.idx.msk [tilespmem:v28+s23+$0x0], $0xffff  }
0x2c7: {  	v30 =	vor.u32 v10, v58;
	_ =	sdelay $0x3  }
0x2c8: {  	[tilespmem:v29+s8+$0x0] =	vst.idx.msk $0xffff, v19  }
0x2c9: {  	v31 =	vor.u32 v11, v59;
	v19 =	vld.idx.msk [tilespmem:v30+s23+$0x0], $0xffff  }
0x2ca: {  	v32 =	vor.u32 v12, v58;
	_ =	sdelay $0x3  }
0x2cb: {  	[tilespmem:v31+s8+$0x0] =	vst.idx.msk $0xffff, v19  }
0x2cc: {  	v33 =	vor.u32 v13, v59;
	v19 =	vld.idx.msk [tilespmem:v32+s23+$0x0], $0xffff  }
0x2cd: {  	v21 =	vor.u32 v14, v58;
	_ =	sdelay $0x2  }
0x2ce: {  	v17 =	vor.u32 $0x20, v17  }
0x2cf: {  	v34 =	vand.u32 $0x7, v16;
	v35 =	vand.u32 $0x28, v17;
	[tilespmem:v33+s8+$0x0] =	vst.idx.msk $0xffff, v19  }
0x2d0: {  	v18 =	vor.u32 v15, v59;
	v19 =	vor.u32 v34, v35;
	v21 =	vld.idx.msk [tilespmem:v21+s23+$0x0], $0xffff  }
0x2d1: {  	v20 =	vor.u32 v1, v19;
	_ =	sdelay $0x3  }
0x2d2: {  	v17 =	vshll.u32 v17, $0x7;
	[tilespmem:v18+s8+$0x0] =	vst.idx.msk $0xffff, v21  }
0x2d3: {  	v36 =	vor.u32 v0, v17;
	v18 =	vld.idx.msk [tilespmem:v20+s23+$0x0], $0xffff  }
0x2d4: {  	v37 =	vor.u32 v2, v19;
	_ =	sdelay $0x3  }
0x2d5: {  	[tilespmem:v36+s8+$0x0] =	vst.idx.msk $0xffff, v18  }
0x2d6: {  	v38 =	vor.u32 v3, v17;
	v18 =	vld.idx.msk [tilespmem:v37+s23+$0x0], $0xffff  }
0x2d7: {  	v39 =	vor.u32 v4, v19;
	_ =	sdelay $0x3  }
0x2d8: {  	[tilespmem:v38+s8+$0x0] =	vst.idx.msk $0xffff, v18  }
0x2d9: {  	v40 =	vor.u32 v5, v17;
	v18 =	vld.idx.msk [tilespmem:v39+s23+$0x0], $0xffff  }
0x2da: {  	v41 =	vor.u32 v6, v19;
	_ =	sdelay $0x3  }
0x2db: {  	[tilespmem:v40+s8+$0x0] =	vst.idx.msk $0xffff, v18  }
0x2dc: {  	v42 =	vor.u32 v7, v17;
	v18 =	vld.idx.msk [tilespmem:v41+s23+$0x0], $0xffff  }
0x2dd: {  	v43 =	vor.u32 v8, v19;
	_ =	sdelay $0x3  }
0x2de: {  	[tilespmem:v42+s8+$0x0] =	vst.idx.msk $0xffff, v18  }
0x2df: {  	v44 =	vor.u32 v9, v17;
	v18 =	vld.idx.msk [tilespmem:v43+s23+$0x0], $0xffff  }
0x2e0: {  	v45 =	vor.u32 v10, v19;
	_ =	sdelay $0x3  }
0x2e1: {  	[tilespmem:v44+s8+$0x0] =	vst.idx.msk $0xffff, v18  }
0x2e2: {  	v46 =	vor.u32 v11, v17;
	v18 =	vld.idx.msk [tilespmem:v45+s23+$0x0], $0xffff  }
0x2e3: {  	v47 =	vor.u32 v12, v19;
	_ =	sdelay $0x3  }
0x2e4: {  	[tilespmem:v46+s8+$0x0] =	vst.idx.msk $0xffff, v18  }
0x2e5: {  	v48 =	vor.u32 v13, v17;
	v18 =	vld.idx.msk [tilespmem:v47+s23+$0x0], $0xffff  }
0x2e6: {  	v19 =	vor.u32 v14, v19;
	_ =	sdelay $0x3  }
0x2e7: {  	v16 =	vor.u32 $0x30, v16;
	[tilespmem:v48+s8+$0x0] =	vst.idx.msk $0xffff, v18  }
0x2e8: {  	v17 =	vor.u32 v15, v17;
	v49 =	vand.u32 $0x3F, v16;
	v18 =	vld.idx.msk [tilespmem:v19+s23+$0x0], $0xffff  }
0x2e9: {  	v50 =	vor.u32 v1, v49;
	_ =	sdelay $0x3  }
0x2ea: {  	v16 =	vshll.u32 v16, $0x7;
	[tilespmem:v17+s8+$0x0] =	vst.idx.msk $0xffff, v18  }
0x2eb: {  	v51 =	vor.u32 v0, v16;
	v17 =	vld.idx.msk [tilespmem:v50+s23+$0x0], $0xffff  }
0x2ec: {  	v52 =	vor.u32 v2, v49;
	_ =	sdelay $0x3  }
0x2ed: {  	[tilespmem:v51+s8+$0x0] =	vst.idx.msk $0xffff, v17  }
0x2ee: {  	v53 =	vor.u32 v3, v16;
	v17 =	vld.idx.msk [tilespmem:v52+s23+$0x0], $0xffff  }
0x2ef: {  	v54 =	vor.u32 v4, v49;
	_ =	sdelay $0x3  }
0x2f0: {  	[tilespmem:v53+s8+$0x0] =	vst.idx.msk $0xffff, v17  }
0x2f1: {  	v55 =	vor.u32 v5, v16;
	v17 =	vld.idx.msk [tilespmem:v54+s23+$0x0], $0xffff  }
0x2f2: {  	v56 =	vor.u32 v6, v49;
	_ =	sdelay $0x3  }
0x2f3: {  	[tilespmem:v55+s8+$0x0] =	vst.idx.msk $0xffff, v17  }
0x2f4: {  	v57 =	vor.u32 v7, v16;
	v17 =	vld.idx.msk [tilespmem:v56+s23+$0x0], $0xffff  }
0x2f5: {  	v58 =	vor.u32 v8, v49;
	_ =	sdelay $0x3  }
0x2f6: {  	[tilespmem:v57+s8+$0x0] =	vst.idx.msk $0xffff, v17  }
0x2f7: {  	v59 =	vor.u32 v9, v16;
	v17 =	vld.idx.msk [tilespmem:v58+s23+$0x0], $0xffff  }
0x2f8: {  	v60 =	vor.u32 v10, v49;
	_ =	sdelay $0x3  }
0x2f9: {  	[tilespmem:v59+s8+$0x0] =	vst.idx.msk $0xffff, v17  }
0x2fa: {  	v61 =	vor.u32 v11, v16;
	v17 =	vld.idx.msk [tilespmem:v60+s23+$0x0], $0xffff  }
0x2fb: {  	v62 =	vor.u32 v12, v49;
	_ =	sdelay $0x3  }
0x2fc: {  	[tilespmem:v61+s8+$0x0] =	vst.idx.msk $0xffff, v17  }
0x2fd: {  	v63 =	vor.u32 v13, v16;
	v17 =	vld.idx.msk [tilespmem:v62+s23+$0x0], $0xffff  }
0x2fe: {  	v19 =	vor.u32 v14, v49;
	_ =	sdelay $0x3  }
0x2ff: {  	[tilespmem:v63+s8+$0x0] =	vst.idx.msk $0xffff, v17  }
0x300: {  	v16 =	vor.u32 v15, v16;
	v17 =	vld.idx.msk [tilespmem:v19+s23+$0x0], $0xffff  }
0x301: {  	s2 =	sadd.s32 s4, s2  }
0x302: {  	s7 =	sshll.u32 s2, $0xA;
	s2 =	sshll.u32 s2, $0x7  }
0x303: {  	s7 =	sand.u32 $0xFFE0000, s7;
	s2 =	sand.u32 $0x3F80, s2  }
0x304: {  	s2 =	sor.u32 s2, s7  }
0x305: {  	s7 =	sadd.s32 s3, s2;
	[tilespmem:v16+s8+$0x0] =	vst.idx.msk $0xffff, v17  }
0x306: {  	[hbm4b:s7+s5] =	stream.linear.scatter [tilespmem:s8], [sflag:$0x6], $0x400, $0x38;
	[tilespmem:$0x8100] =	vst v63  }
0x307: {  	s17 =	simm.s32 $0x6500;
	s19 =	sadd.s32 s2, s10  }
0x308: {  	[hbm4b:s19+s5] =	stream.linear.scatter [tilespmem:s17], [sflag:$0x6], $0x400, $0x38;
	[tilespmem:$0x8100] =	vst v63  }
0x309: {  	s17 =	sadd.s32 s2, s11;
	s19 =	simm.s32 $0x6900  }
0x30a: {  	[hbm4b:s17+s5] =	stream.linear.scatter [tilespmem:s19], [sflag:$0x6], $0x400, $0x38;
	[tilespmem:$0x8100] =	vst v63  }
0x30b: {  	s17 =	sadd.s32 s2, s12;
	s19 =	simm.s32 $0x6D00  }
0x30c: {  	[hbm4b:s17+s5] =	stream.linear.scatter [tilespmem:s19], [sflag:$0x6], $0x400, $0x38;
	[tilespmem:$0x8100] =	vst v63  }
0x30d: {  	s31 =	sadd.s32 $0x1, s31;
	s19 =	sadd.s32 s2, s13  }
0x30e: {  	[hbm4b:s19+s5] =	stream.linear.scatter [tilespmem:s25], [sflag:$0x6], $0x400, $0x38;
	[tilespmem:$0x8100] =	vst v63  }
0x30f: {  	p0 =	sne.s32 s31, $0x190;
	s17 =	sadd.s32 s2, s14  }
0x310: {  	[hbm4b:s17+s5] =	stream.linear.scatter [tilespmem:s26], [sflag:$0x6], $0x400, $0x38;
	[tilespmem:$0x8100] =	vst v63  }
.Ltmp2:
0x311: {  	_ = 	snop;
	(pc) =	sbr.rel @p0 .LBB2_2-.Ltmp2, $4  }
0x312: {  	s19 =	sadd.s32 s2, s15  }
0x313: {  	[hbm4b:s19+s5] =	stream.linear.scatter [tilespmem:s28], [sflag:$0x6], $0x400, $0x38;
	[tilespmem:$0x8100] =	vst v63  }
0x314: {  	s2 =	sadd.s32 s2, s16  }
0x315: {  	[hbm4b:s2+s5] =	stream.linear.scatter [tilespmem:s29], [sflag:$0x6], $0x400, $0x38;
	[tilespmem:$0x8100] =	vst v63  }
0x316: {  	s2 =	simm.s32 $0x5  }
0x317: {  	_ =	swait.ge [sflag:s2], $0x400  }
0x318: {  	[sflag:s2] =	ssyncset.done $0x0  }
0x319: {  	[sflag:s2] =	ssyncadd.s32 $0xFFFFFC00  }
0x31a: {  	_ =	swait.ge [sflag:s2], $0x400  }
0x31b: {  	[sflag:s2] =	ssyncset.done $0x0  }
0x31c: {  	[sflag:s2] =	ssyncadd.s32 $0xFFFFFC00  }
0x31d: {  	_ =	swait.ge [sflag:s2], $0x400  }
0x31e: {  	[sflag:s2] =	ssyncset.done $0x0  }
0x31f: {  	[sflag:s2] =	ssyncadd.s32 $0xFFFFFC00  }
0x320: {  	_ =	swait.ge [sflag:s2], $0x400  }
0x321: {  	[sflag:s2] =	ssyncset.done $0x0  }
0x322: {  	[sflag:s2] =	ssyncadd.s32 $0xFFFFFC00  }
0x323: {  	_ =	swait.ge [sflag:s2], $0x400  }
0x324: {  	[sflag:s2] =	ssyncset.done $0x0  }
0x325: {  	[sflag:s2] =	ssyncadd.s32 $0xFFFFFC00  }
0x326: {  	_ =	swait.ge [sflag:s2], $0x400  }
0x327: {  	[sflag:s2] =	ssyncset.done $0x0  }
0x328: {  	[sflag:s2] =	ssyncadd.s32 $0xFFFFFC00  }
0x329: {  	_ =	swait.ge [sflag:s2], $0x400  }
0x32a: {  	[sflag:s2] =	ssyncset.done $0x0  }
0x32b: {  	[sflag:s2] =	ssyncadd.s32 $0xFFFFFC00  }
0x32c: {  	_ =	swait.ge [sflag:s2], $0x400  }
0x32d: {  	[sflag:s2] =	ssyncset.done $0x0  }
0x32e: {  	[sflag:s2] =	ssyncadd.s32 $0xFFFFFC00  }
0x32f: {  	_ =	swait.ge [sflag:s30], $0x400  }
0x330: {  	[sflag:s30] =	ssyncset.done $0x0  }
0x331: {  	[sflag:s30] =	ssyncadd.s32 $0xFFFFFC00  }
0x332: {  	_ =	swait.ge [sflag:s30], $0x400  }
0x333: {  	[sflag:s30] =	ssyncset.done $0x0  }
0x334: {  	[sflag:s30] =	ssyncadd.s32 $0xFFFFFC00  }
0x335: {  	_ =	swait.ge [sflag:s30], $0x400  }
0x336: {  	[sflag:s30] =	ssyncset.done $0x0  }
0x337: {  	[sflag:s30] =	ssyncadd.s32 $0xFFFFFC00  }
0x338: {  	_ =	swait.ge [sflag:s30], $0x400  }
0x339: {  	[sflag:s30] =	ssyncset.done $0x0  }
0x33a: {  	[sflag:s30] =	ssyncadd.s32 $0xFFFFFC00  }
0x33b: {  	_ =	swait.ge [sflag:s30], $0x400  }
0x33c: {  	[sflag:s30] =	ssyncset.done $0x0  }
0x33d: {  	[sflag:s30] =	ssyncadd.s32 $0xFFFFFC00  }
0x33e: {  	_ =	swait.ge [sflag:s30], $0x400  }
0x33f: {  	[sflag:s30] =	ssyncset.done $0x0  }
0x340: {  	[sflag:s30] =	ssyncadd.s32 $0xFFFFFC00  }
0x341: {  	_ =	swait.ge [sflag:s30], $0x400  }
0x342: {  	[sflag:s30] =	ssyncset.done $0x0  }
0x343: {  	[sflag:s30] =	ssyncadd.s32 $0xFFFFFC00  }
0x344: {  	_ =	swait.ge [sflag:s30], $0x400  }
0x345: {  	s7 =	rddreg [dreg:$0x7]  }
0x346: {  	s31 =	rddreg [dreg:$0x6];
	s7 =	sadd.s32 $0x1, s7  }
0x347: {  	p0 =	sne.s32 s7, s31  }
.Ltmp3:
0x348: {  	_ = 	snop;
	(pc) =	sbr.rel @p0 .LBB2_1-.Ltmp3, $3  }
0x349: {  	_ =	sdelay $0x1  }
0x34a: {  	[sflag:s30] =	ssyncset.done $0x0  }
0x34b: {  	[sflag:s30] =	ssyncadd.s32 $0xFFFFFC00  }
0x34c: {  	_ =	sfence.sel $0x180000  }
0x34d: {  	[bflag:$0x0] =	sbarrier.arrive $0xFFFF  }
0x34e: {  	_ =	strace $0x90000047  }
0x34f: {  	s0 =	stileid.u32;
	[bflag:$0x2] =	sbarrier.arrive $0xFFFF  }
0x350: {  	p0 =	sne.s32 s0, $0x0;
	s0 =	rddreg [dreg:$0x3]  }
0x351: {  	s0 =	sadd.s32 @!p0 $0x100000, s0  }
0x352: {  	[sflag:s0] =	ssyncadd.tile.s32 @!p0 $0x1;
	_ =	shalt  }
.Lfunc_end2:
_tile_overlayer_lowered:
.L_overlay_start_2:
0x353: {  	(tag) =	ssettag $0x2  }
0x354: {  	s0 =	rddreg [dreg:$0x0];
	s2 =	stileid.u32  }
0x355: {  	s1 =	rddreg [dreg:$0x1];
	p0 =	sne.s32 s2, $0x0  }
0x356: {  	s3 =	rddreg [dreg:$0x2];
	[bflag:$0x3] =	sbarrier.arrive $0xFFFF;
	s2 =	simm.s32 @!p0 $0x1C07  }
0x357: {  	[timem:s3], [sflag:s2] =	dma.local @!p0 [hbm:s0], s1  }
0x358: {  	s0 =	simm.s32 @!p0 $0x7  }
0x359: {  	_ =	swait.ge @!p0 [sflag:s0], s1  }
0x35a: {  	s1 =	ssub.s32 @!p0 $0x0, s1;
	[sflag:s0] =	ssyncset.done @!p0 $0x0  }
0x35b: {  	[sflag:s0] =	ssyncadd.s32 @!p0 s1  }
0x35c: {  	[bflag:$0x3] =	sbarrier.arrive $0xFFFF  }
0x35d: {  	_ =	shalt  }

</sc_bundles>
